<compile_context>
chip_gen: v7x
topology: tpu7x:2x2x1
jax: 0.10.2.dev20260603
libtpu: 0.0.44.dev20260713+nightly
codegen_flags: <defaults>
</compile_context>

<pallas_src>
import functools

import jax
import jax.numpy as jnp
from jax import lax
from jax.experimental import pallas as pl
from jax.experimental.pallas import tpu as pltpu
from jax.experimental.pallas import tpu_sc as plsc

N = 10000
E = 320000
D = 128
NC = 2
NS = 16
NW = NC * NS
NPAD = 10240
SLICE = NPAD // NS
EPW = E // NW
C = 80
CHUNKS = EPW // C

_mesh = plsc.VectorSubcoreMesh(
    core_axis_name="c", subcore_axis_name="s", num_cores=NC, num_subcores=NS)


def _zero_vec(ref, n):
    def body(i, _):
        ref[pl.ds(i * 16, 16)] = jnp.zeros((16,), jnp.float32)
        return 0
    lax.fori_loop(0, n // 16, body, 0)


@functools.partial(
    pl.kernel,
    out_type=(jax.ShapeDtypeStruct((NC, NPAD), jnp.float32),
              jax.ShapeDtypeStruct((NC, NPAD), jnp.float32)),
    mesh=_mesh,
    scratch_types=[
        pltpu.VMEM((CHUNKS, 2, C), jnp.int32),
        pltpu.VMEM((C,), jnp.float32),
        pltpu.VMEM((SLICE,), jnp.float32),
        pltpu.VMEM_SHARED((NPAD,), jnp.float32),
        pltpu.VMEM_SHARED((NPAD,), jnp.float32),
        pltpu.SemaphoreType.DMA,
        pltpu.SemaphoreType.DMA,
    ],
)
def _deg_kernel(e_hbm, dout_hbm, din_hbm,
                idx_v, ones_v, zero_v, dout_sh, din_sh, sem_o, sem_i):
    cid = lax.axis_index("c")
    sid = lax.axis_index("s")
    w = cid * NS + sid

    pltpu.sync_copy(e_hbm.at[w], idx_v)

    def ones_body(i, _):
        ones_v[pl.ds(i * 16, 16)] = jnp.ones((16,), jnp.float32)
        return 0
    lax.fori_loop(0, C // 16, ones_body, 0)
    _zero_vec(zero_v, SLICE)
    pltpu.sync_copy(zero_v, dout_sh.at[pl.ds(sid * SLICE, SLICE)])
    pltpu.sync_copy(zero_v, din_sh.at[pl.ds(sid * SLICE, SLICE)])
    plsc.subcore_barrier()

    def fire(j, _):
        pltpu.async_copy(ones_v, dout_sh.at[idx_v.at[j, 0]], sem_o, add=True)
        pltpu.async_copy(ones_v, din_sh.at[idx_v.at[j, 1]], sem_i, add=True)
        return 0
    lax.fori_loop(0, CHUNKS, fire, 0)

    def drain(j, _):
        pltpu.make_async_copy(ones_v, dout_sh.at[idx_v.at[0, 0]], sem_o).wait()
        pltpu.make_async_copy(ones_v, din_sh.at[idx_v.at[0, 1]], sem_i).wait()
        return 0
    lax.fori_loop(0, CHUNKS, drain, 0)

    plsc.subcore_barrier()
    pltpu.sync_copy(dout_sh.at[pl.ds(sid * SLICE, SLICE)],
                    dout_hbm.at[cid, pl.ds(sid * SLICE, SLICE)])
    pltpu.sync_copy(din_sh.at[pl.ds(sid * SLICE, SLICE)],
                    din_hbm.at[cid, pl.ds(sid * SLICE, SLICE)])


def _prep_body(x_ref, w1_ref, dop_ref, dip_ref, xw_ref, ns_ref, nd_ref):
    deg_out = dop_ref[0, :] + dop_ref[1, :]
    deg_in = dip_ref[0, :] + dip_ref[1, :]
    ns = lax.rsqrt(jnp.where(deg_out > 0, deg_out, 1.0))
    nd = lax.rsqrt(jnp.where(deg_in > 0, deg_in, 1.0))
    ns_ref[:] = ns
    nd_ref[:] = nd
    xw_ref[:, :] = jnp.dot(x_ref[:, :] * ns[:N, None], w1_ref[:, :],
                           preferred_element_type=jnp.float32)


_prep = pl.pallas_call(
    _prep_body,
    out_shape=(jax.ShapeDtypeStruct((N, D), jnp.float32),
               jax.ShapeDtypeStruct((NPAD,), jnp.float32),
               jax.ShapeDtypeStruct((NPAD,), jnp.float32)),
)


@functools.partial(
    pl.kernel,
    out_type=(jax.ShapeDtypeStruct((NC, NPAD, D), jnp.float32),
              jax.ShapeDtypeStruct((NC, NPAD), jnp.float32)),
    mesh=_mesh,
    scratch_types=[
        pltpu.VMEM((4, 2, C), jnp.int32),
        pltpu.VMEM((2, C, D), jnp.float32),
        pltpu.VMEM((4, C), jnp.float32),
        pltpu.VMEM((SLICE,), jnp.float32),
        pltpu.VMEM_SHARED((NPAD, D), jnp.float32),
        pltpu.VMEM_SHARED((NPAD,), jnp.float32),
        pltpu.SemaphoreType.DMA,
        pltpu.SemaphoreType.DMA,
        pltpu.SemaphoreType.DMA,
        pltpu.SemaphoreType.DMA,
        pltpu.SemaphoreType.DMA,
        pltpu.SemaphoreType.DMA,
        pltpu.SemaphoreType.DMA,
        pltpu.SemaphoreType.DMA,
        pltpu.SemaphoreType.DMA,
        pltpu.SemaphoreType.DMA,
        pltpu.SemaphoreType.DMA,
        pltpu.SemaphoreType.DMA,
        pltpu.SemaphoreType.DMA,
        pltpu.SemaphoreType.DMA,
    ],
)
def _mp_kernel(xw_hbm, e_hbm, nd_hbm, agg_hbm, s_hbm,
               ibuf, rows_v, ndv, zvec_v, agg_sh, s_sh,
               gsa, gsb, ssa, ssb, is0, is1, is2, is3,
               ns0, ns1, ns2, ns3, fs0, fs1):
    cid = lax.axis_index("c")
    sid = lax.axis_index("s")
    w = cid * NS + sid

    def zr(i, _):
        for j in range(D // 16):
            rows_v[0, i, pl.ds(j * 16, 16)] = jnp.zeros((16,), jnp.float32)
        return 0
    lax.fori_loop(0, C, zr, 0)
    for r in range(SLICE // C):
        pltpu.sync_copy(rows_v.at[0], agg_sh.at[pl.ds(sid * SLICE + r * C, C)])
    _zero_vec(zvec_v, SLICE)
    pltpu.sync_copy(zvec_v, s_sh.at[pl.ds(sid * SLICE, SLICE)])
    plsc.subcore_barrier()

    gsem = (gsa, gsb)
    ssem = (ssa, ssb)
    isem = (is0, is1, is2, is3)
    nsem = (ns0, ns1, ns2, ns3)
    fsem = (fs0, fs1)

    def iload(j, s4):
        pltpu.async_copy(e_hbm.at[w, j], ibuf.at[s4], isem[s4])

    def iwait(s4):
        pltpu.make_async_copy(e_hbm.at[w, 0], ibuf.at[s4], isem[s4]).wait()

    def gather(s4, b):
        pltpu.async_copy(xw_hbm.at[ibuf.at[s4, 0]], rows_v.at[b], gsem[b])

    def gwait(b):
        pltpu.make_async_copy(xw_hbm.at[ibuf.at[0, 0]], rows_v.at[b],
                              gsem[b]).wait()

    def scatter(s4, b):
        pltpu.async_copy(rows_v.at[b], agg_sh.at[ibuf.at[s4, 1]], ssem[b],
                         add=True)

    def swait(b):
        pltpu.make_async_copy(rows_v.at[b], agg_sh.at[ibuf.at[0, 1]],
                              ssem[b]).wait()

    def ndfire(s4):
        pltpu.async_copy(nd_hbm.at[ibuf.at[s4, 1]], ndv.at[s4], nsem[s4])

    def ndwait(s4):
        pltpu.make_async_copy(nd_hbm.at[ibuf.at[0, 1]], ndv.at[s4],
                              nsem[s4]).wait()

    def sfire(s4, b):
        pltpu.async_copy(ndv.at[s4], s_sh.at[ibuf.at[s4, 0]], fsem[b],
                         add=True)

    def sdone(b):
        pltpu.make_async_copy(ndv.at[0], s_sh.at[ibuf.at[0, 0]],
                              fsem[b]).wait()

    iload(0, 0)
    iload(1, 1)
    iload(2, 2)
    iwait(0)
    gather(0, 0)
    ndfire(0)
    gwait(0)
    scatter(0, 0)
    ndwait(0)
    sfire(0, 0)
    iload(3, 3)
    iwait(1)
    gather(1, 1)
    ndfire(1)

    def step(j, s4, b):
        gwait(b)
        scatter(s4, b)
        ndwait(s4)
        sfire(s4, b)
        swait(1 - b)
        sdone(1 - b)
        iload(j + 3, (s4 + 3) % 4)
        iwait((s4 + 1) % 4)
        gather((s4 + 1) % 4, 1 - b)
        ndfire((s4 + 1) % 4)
        return 0

    def body_t(t, _):
        j = 4 * t + 1
        step(j, 1, 1)
        step(j + 1, 2, 0)
        step(j + 2, 3, 1)
        step(j + 3, 0, 0)
        return 0
    lax.fori_loop(0, (CHUNKS - 5) // 4, body_t, 0)
    gwait(1)
    scatter(1, 1)
    ndwait(1)
    sfire(1, 1)
    swait(0)
    sdone(0)
    iload(CHUNKS - 1, 0)
    iwait(2)
    gather(2, 0)
    ndfire(2)
    gwait(0)
    scatter(2, 0)
    ndwait(2)
    sfire(2, 0)
    swait(1)
    sdone(1)
    iwait(3)
    gather(3, 1)
    ndfire(3)
    gwait(1)
    scatter(3, 1)
    ndwait(3)
    sfire(3, 1)
    swait(0)
    sdone(0)
    iwait(0)
    gather(0, 0)
    ndfire(0)
    gwait(0)
    scatter(0, 0)
    ndwait(0)
    sfire(0, 0)
    swait(1)
    sdone(1)
    swait(0)
    sdone(0)

    plsc.subcore_barrier()
    pltpu.sync_copy(agg_sh.at[pl.ds(sid * SLICE, SLICE)],
                    agg_hbm.at[cid, pl.ds(sid * SLICE, SLICE)])
    pltpu.sync_copy(s_sh.at[pl.ds(sid * SLICE, SLICE)],
                    s_hbm.at[cid, pl.ds(sid * SLICE, SLICE)])


def _fin_body(aggp_ref, sp_ref, ns_ref, nd_ref, b1_ref, w2_ref, b2_ref,
              out_ref):
    agg = aggp_ref[0, :N, :] + aggp_ref[1, :N, :]
    h1 = jnp.maximum(agg * nd_ref[:][:N, None] + b1_ref[:][None, :], 0.0)
    c = ns_ref[:][:N] * (sp_ref[0, :N] + sp_ref[1, :N])
    r = jnp.dot(c[None, :], h1, preferred_element_type=jnp.float32)
    out_ref[:, :] = (jnp.dot(r * (1.0 / N), w2_ref[:, :],
                             preferred_element_type=jnp.float32)
                     + b2_ref[:][None, :])


_fin = pl.pallas_call(
    _fin_body,
    out_shape=jax.ShapeDtypeStruct((1, 2), jnp.float32),
)


def kernel(x, edge_index, W1, b1, W2, b2):
    edges = edge_index.reshape(2, NW, CHUNKS, C).transpose(1, 2, 0, 3)
    dout_p, din_p = _deg_kernel(edges)
    xw, ns, nd = _prep(x, W1, dout_p, din_p)
    agg_p, s_p = _mp_kernel(xw, edges, nd)
    out = _fin(agg_p, s_p, ns, nd, b1, W2, b2)
    return out.reshape(2)

# --- scband reference (transcript-rebuilt; emitter-appended) ---
"""Pipeline reference for scband-gcn-58411555225973 (READ-ONLY COPY).

The authoritative reference and input builder live on the scoring server;
editing this copy changes nothing except your own understanding.
"""

import jax, jax.numpy as jnp
import numpy as np

N = 10000
E = 320000
D_IN = 128
D_H = 128
N_CLASSES = 2


def setup_inputs(seed: int = 0) -> dict:
    key = jax.random.key(seed)
    k1, k2, k3, k4, k5, k6 = jax.random.split(key, 6)
    x = jax.random.normal(k1, (N, D_IN), dtype=jnp.float32)
    edge_index = jax.random.randint(k2, (2, E), 0, N, dtype=jnp.int32)
    # learned parameters (glorot-ish scaling)
    W1 = jax.random.normal(k3, (D_IN, D_H), dtype=jnp.float32) * (1.0 / np.sqrt(D_IN))
    b1 = jnp.zeros((D_H,), dtype=jnp.float32)
    W2 = jax.random.normal(k4, (D_H, N_CLASSES), dtype=jnp.float32) * (1.0 / np.sqrt(D_H))
    b2 = jnp.zeros((N_CLASSES,), dtype=jnp.float32)
    return {"x": x, "edge_index": edge_index, "W1": W1, "b1": b1, "W2": W2, "b2": b2}


def reference(x, edge_index, W1, b1, W2, b2):
    # DGL GraphConv with norm='both' (symmetric normalization D^-1/2 A D^-1/2),
    # allow_zero_in_degree=True (degrees clamped to 1 to avoid inf).
    src = edge_index[0]
    dst = edge_index[1]
    ones = jnp.ones((E,), dtype=jnp.float32)
    deg_out = jax.ops.segment_sum(ones, src, num_segments=N)
    deg_in = jax.ops.segment_sum(ones, dst, num_segments=N)
    norm_src = jnp.where(deg_out > 0, deg_out, 1.0) ** -0.5
    norm_dst = jnp.where(deg_in > 0, deg_in, 1.0) ** -0.5

    def graph_conv(h, W, b):
        h = h * norm_src[:, None]
        msgs = jnp.take(h, src, axis=0)
        agg = jax.ops.segment_sum(msgs, dst, num_segments=N)
        agg = agg * norm_dst[:, None]
        return agg @ W + b

    h = graph_conv(x, W1, b1)
    h = jax.nn.relu(h)
    h = graph_conv(h, W2, b2)
    # dgl.mean_nodes over the single batched graph -> mean over all nodes
    return jnp.mean(h, axis=0)

if __name__ == "__main__":
    import jax
    _d = setup_inputs()
    print(jax.jit(kernel)(*tuple(_d.values())))

</pallas_src>

<mosaic_0001>
#map = affine_map<(d0, d1) -> (0, 0)>
#map1 = affine_map<(d0, d1) -> (0, 0, 0, 0)>
#map2 = affine_map<(d0, d1) -> (0)>
#map3 = affine_map<(d0, d1) -> (0, 0, 0)>
module attributes {stable_mosaic.version = 14 : i64} {
  func.func @_mp_kernel(%arg0: i32, %arg1: i32, %arg2: memref<10000x128xf32, #tpu.memory_space<hbm>>, %arg3: memref<32x125x2x80xi32, #tpu.memory_space<hbm>>, %arg4: memref<10240xf32, #tpu.memory_space<hbm>>, %arg5: memref<2x10240x128xf32, #tpu.memory_space<hbm>>, %arg6: memref<2x10240xf32, #tpu.memory_space<hbm>>, %arg7: memref<4x2x80xi32, #tpu.memory_space<vmem>>, %arg8: memref<2x80x128xf32, #tpu.memory_space<vmem>>, %arg9: memref<4x80xf32, #tpu.memory_space<vmem>>, %arg10: memref<640xf32, #tpu.memory_space<vmem>>, %arg11: memref<10240x128xf32, #tpu.memory_space<vmem_shared>>, %arg12: memref<10240xf32, #tpu.memory_space<vmem_shared>>, %arg13: memref<!tpu.dma_semaphore, #tpu.memory_space<semaphore_mem>>, %arg14: memref<!tpu.dma_semaphore, #tpu.memory_space<semaphore_mem>>, %arg15: memref<!tpu.dma_semaphore, #tpu.memory_space<semaphore_mem>>, %arg16: memref<!tpu.dma_semaphore, #tpu.memory_space<semaphore_mem>>, %arg17: memref<!tpu.dma_semaphore, #tpu.memory_space<semaphore_mem>>, %arg18: memref<!tpu.dma_semaphore, #tpu.memory_space<semaphore_mem>>, %arg19: memref<!tpu.dma_semaphore, #tpu.memory_space<semaphore_mem>>, %arg20: memref<!tpu.dma_semaphore, #tpu.memory_space<semaphore_mem>>, %arg21: memref<!tpu.dma_semaphore, #tpu.memory_space<semaphore_mem>>, %arg22: memref<!tpu.dma_semaphore, #tpu.memory_space<semaphore_mem>>, %arg23: memref<!tpu.dma_semaphore, #tpu.memory_space<semaphore_mem>>, %arg24: memref<!tpu.dma_semaphore, #tpu.memory_space<semaphore_mem>>, %arg25: memref<!tpu.dma_semaphore, #tpu.memory_space<semaphore_mem>>, %arg26: memref<!tpu.dma_semaphore, #tpu.memory_space<semaphore_mem>>) attributes {dimension_semantics = [#tpu.dimension_semantics<core_parallel>, #tpu.dimension_semantics<subcore_parallel>], iteration_bounds = array<i64: 2, 16>, scalar_prefetch = 0 : i64, scratch_operands = 20 : i64, tpu.core_type = #tpu.core_type<sc_vector_subcore>, window_params = [{transform_indices = #map}, {transform_indices = #map1}, {transform_indices = #map2}, {transform_indices = #map3}, {transform_indices = #map}]} {
    %mul3A = arith.constant 16 : i32
    %mul3A_0 = arith.muli %arg0, %mul3A : i32
    %add3A = arith.addi %mul3A_0, %arg1 : i32
    %scan3A = arith.constant 0 : i32
    %scan3A_1 = arith.constant 0 : i32
    %scan3A_2 = arith.constant 80 : i32
    %scan3A_3 = arith.addi %scan3A_1, %scan3A_2 : i32
    %scan3A_4 = arith.constant 1 : i32
    %scan3A_5 = scf.for %scan3A_729 = %scan3A_1 to %scan3A_3 step %scan3A_4 iter_args(%scan3A_730 = %scan3A) -> (i32)  : i32 {
      %broadcast_in_dim3A = arith.constant 0.000000e+00 : f32
      %broadcast_in_dim3A_731 = vector.broadcast %broadcast_in_dim3A : f32 to vector<16xf32>
      %swap3A = arith.constant 0 : i32
      %swap3A_732 = arith.index_cast %swap3A : i32 to index
      %swap3A_733 = arith.index_cast %scan3A_729 : i32 to index
      %swap3A_734 = arith.constant 0 : index
      %swap3A_735 = tpu.vector_load %arg8[%swap3A_732, %swap3A_733, %swap3A_734] {strides = array<i32>} : memref<2x80x128xf32, #tpu.memory_space<vmem>>, vector<1x1x16xf32>,
      %swap3A_736 = vector.shape_cast %swap3A_735 : vector<1x1x16xf32> to vector<16xf32>
      %swap3A_737 = vector.shape_cast %broadcast_in_dim3A_731 : vector<16xf32> to vector<1x1x16xf32>
      tpu.vector_store %arg8[%swap3A_732, %swap3A_733, %swap3A_734], %swap3A_737 {strides = array<i32>} : memref<2x80x128xf32, #tpu.memory_space<vmem>>, vector<1x1x16xf32>,
      %broadcast_in_dim3A_738 = arith.constant 0.000000e+00 : f32
      %broadcast_in_dim3A_739 = vector.broadcast %broadcast_in_dim3A_738 : f32 to vector<16xf32>
      %swap3A_740 = arith.constant 0 : i32
      %swap3A_741 = arith.index_cast %swap3A_740 : i32 to index
      %swap3A_742 = arith.index_cast %scan3A_729 : i32 to index
      %swap3A_743 = arith.constant 16 : index
      %swap3A_744 = tpu.vector_load %arg8[%swap3A_741, %swap3A_742, %swap3A_743] {strides = array<i32>} : memref<2x80x128xf32, #tpu.memory_space<vmem>>, vector<1x1x16xf32>,
      %swap3A_745 = vector.shape_cast %swap3A_744 : vector<1x1x16xf32> to vector<16xf32>
      %swap3A_746 = vector.shape_cast %broadcast_in_dim3A_739 : vector<16xf32> to vector<1x1x16xf32>
      tpu.vector_store %arg8[%swap3A_741, %swap3A_742, %swap3A_743], %swap3A_746 {strides = array<i32>} : memref<2x80x128xf32, #tpu.memory_space<vmem>>, vector<1x1x16xf32>,
      %broadcast_in_dim3A_747 = arith.constant 0.000000e+00 : f32
      %broadcast_in_dim3A_748 = vector.broadcast %broadcast_in_dim3A_747 : f32 to vector<16xf32>
      %swap3A_749 = arith.constant 0 : i32
      %swap3A_750 = arith.index_cast %swap3A_749 : i32 to index
      %swap3A_751 = arith.index_cast %scan3A_729 : i32 to index
      %swap3A_752 = arith.constant 32 : index
      %swap3A_753 = tpu.vector_load %arg8[%swap3A_750, %swap3A_751, %swap3A_752] {strides = array<i32>} : memref<2x80x128xf32, #tpu.memory_space<vmem>>, vector<1x1x16xf32>,
      %swap3A_754 = vector.shape_cast %swap3A_753 : vector<1x1x16xf32> to vector<16xf32>
      %swap3A_755 = vector.shape_cast %broadcast_in_dim3A_748 : vector<16xf32> to vector<1x1x16xf32>
      tpu.vector_store %arg8[%swap3A_750, %swap3A_751, %swap3A_752], %swap3A_755 {strides = array<i32>} : memref<2x80x128xf32, #tpu.memory_space<vmem>>, vector<1x1x16xf32>,
      %broadcast_in_dim3A_756 = arith.constant 0.000000e+00 : f32
      %broadcast_in_dim3A_757 = vector.broadcast %broadcast_in_dim3A_756 : f32 to vector<16xf32>
      %swap3A_758 = arith.constant 0 : i32
      %swap3A_759 = arith.index_cast %swap3A_758 : i32 to index
      %swap3A_760 = arith.index_cast %scan3A_729 : i32 to index
      %swap3A_761 = arith.constant 48 : index
      %swap3A_762 = tpu.vector_load %arg8[%swap3A_759, %swap3A_760, %swap3A_761] {strides = array<i32>} : memref<2x80x128xf32, #tpu.memory_space<vmem>>, vector<1x1x16xf32>,
      %swap3A_763 = vector.shape_cast %swap3A_762 : vector<1x1x16xf32> to vector<16xf32>
      %swap3A_764 = vector.shape_cast %broadcast_in_dim3A_757 : vector<16xf32> to vector<1x1x16xf32>
      tpu.vector_store %arg8[%swap3A_759, %swap3A_760, %swap3A_761], %swap3A_764 {strides = array<i32>} : memref<2x80x128xf32, #tpu.memory_space<vmem>>, vector<1x1x16xf32>,
      %broadcast_in_dim3A_765 = arith.constant 0.000000e+00 : f32
      %broadcast_in_dim3A_766 = vector.broadcast %broadcast_in_dim3A_765 : f32 to vector<16xf32>
      %swap3A_767 = arith.constant 0 : i32
      %swap3A_768 = arith.index_cast %swap3A_767 : i32 to index
      %swap3A_769 = arith.index_cast %scan3A_729 : i32 to index
      %swap3A_770 = arith.constant 64 : index
      %swap3A_771 = tpu.vector_load %arg8[%swap3A_768, %swap3A_769, %swap3A_770] {strides = array<i32>} : memref<2x80x128xf32, #tpu.memory_space<vmem>>, vector<1x1x16xf32>,
      %swap3A_772 = vector.shape_cast %swap3A_771 : vector<1x1x16xf32> to vector<16xf32>
      %swap3A_773 = vector.shape_cast %broadcast_in_dim3A_766 : vector<16xf32> to vector<1x1x16xf32>
      tpu.vector_store %arg8[%swap3A_768, %swap3A_769, %swap3A_770], %swap3A_773 {strides = array<i32>} : memref<2x80x128xf32, #tpu.memory_space<vmem>>, vector<1x1x16xf32>,
      %broadcast_in_dim3A_774 = arith.constant 0.000000e+00 : f32
      %broadcast_in_dim3A_775 = vector.broadcast %broadcast_in_dim3A_774 : f32 to vector<16xf32>
      %swap3A_776 = arith.constant 0 : i32
      %swap3A_777 = arith.index_cast %swap3A_776 : i32 to index
      %swap3A_778 = arith.index_cast %scan3A_729 : i32 to index
      %swap3A_779 = arith.constant 80 : index
      %swap3A_780 = tpu.vector_load %arg8[%swap3A_777, %swap3A_778, %swap3A_779] {strides = array<i32>} : memref<2x80x128xf32, #tpu.memory_space<vmem>>, vector<1x1x16xf32>,
      %swap3A_781 = vector.shape_cast %swap3A_780 : vector<1x1x16xf32> to vector<16xf32>
      %swap3A_782 = vector.shape_cast %broadcast_in_dim3A_775 : vector<16xf32> to vector<1x1x16xf32>
      tpu.vector_store %arg8[%swap3A_777, %swap3A_778, %swap3A_779], %swap3A_782 {strides = array<i32>} : memref<2x80x128xf32, #tpu.memory_space<vmem>>, vector<1x1x16xf32>,
      %broadcast_in_dim3A_783 = arith.constant 0.000000e+00 : f32
      %broadcast_in_dim3A_784 = vector.broadcast %broadcast_in_dim3A_783 : f32 to vector<16xf32>
      %swap3A_785 = arith.constant 0 : i32
      %swap3A_786 = arith.index_cast %swap3A_785 : i32 to index
      %swap3A_787 = arith.index_cast %scan3A_729 : i32 to index
      %swap3A_788 = arith.constant 96 : index
      %swap3A_789 = tpu.vector_load %arg8[%swap3A_786, %swap3A_787, %swap3A_788] {strides = array<i32>} : memref<2x80x128xf32, #tpu.memory_space<vmem>>, vector<1x1x16xf32>,
      %swap3A_790 = vector.shape_cast %swap3A_789 : vector<1x1x16xf32> to vector<16xf32>
      %swap3A_791 = vector.shape_cast %broadcast_in_dim3A_784 : vector<16xf32> to vector<1x1x16xf32>
      tpu.vector_store %arg8[%swap3A_786, %swap3A_787, %swap3A_788], %swap3A_791 {strides = array<i32>} : memref<2x80x128xf32, #tpu.memory_space<vmem>>, vector<1x1x16xf32>,
      %broadcast_in_dim3A_792 = arith.constant 0.000000e+00 : f32
      %broadcast_in_dim3A_793 = vector.broadcast %broadcast_in_dim3A_792 : f32 to vector<16xf32>
      %swap3A_794 = arith.constant 0 : i32
      %swap3A_795 = arith.index_cast %swap3A_794 : i32 to index
      %swap3A_796 = arith.index_cast %scan3A_729 : i32 to index
      %swap3A_797 = arith.constant 112 : index
      %swap3A_798 = tpu.vector_load %arg8[%swap3A_795, %swap3A_796, %swap3A_797] {strides = array<i32>} : memref<2x80x128xf32, #tpu.memory_space<vmem>>, vector<1x1x16xf32>,
      %swap3A_799 = vector.shape_cast %swap3A_798 : vector<1x1x16xf32> to vector<16xf32>
      %swap3A_800 = vector.shape_cast %broadcast_in_dim3A_793 : vector<16xf32> to vector<1x1x16xf32>
      tpu.vector_store %arg8[%swap3A_795, %swap3A_796, %swap3A_797], %swap3A_800 {strides = array<i32>} : memref<2x80x128xf32, #tpu.memory_space<vmem>>, vector<1x1x16xf32>,
      %scan3A_801 = arith.constant 0 : i32
      scf.yield %scan3A_801 : i32
    }
    %scan3A_6 = arith.constant 80 : i32
    %mul3A_7 = arith.constant 640 : i32
    %mul3A_8 = arith.muli %arg1, %mul3A_7 : i32
    %add3A_9 = arith.constant 0 : i32
    %add3A_10 = arith.addi %mul3A_8, %add3A_9 : i32
    %run_scoped3A = arith.constant 0 : i32
    "tpu.region"() ({
      %run_scoped3A_729 = tpu.sem_alloc : memref<!tpu.dma_semaphore, #tpu.memory_space<semaphore_mem>>
      %dma_start3A_730 = arith.constant 0 : i32
      %dma_start3A_731 = arith.constant 0 : i32
      %dma_start3A_732 = tpu.memref_slice %arg8[%run_scoped3A, %dma_start3A_730, %dma_start3A_731] : memref<2x80x128xf32, #tpu.memory_space<vmem>> -> memref<1x80x128xf32, #tpu.memory_space<vmem>>
      %dma_start3A_733 = tpu.memref_squeeze %dma_start3A_732 : memref<1x80x128xf32, #tpu.memory_space<vmem>> -> memref<80x128xf32, #tpu.memory_space<vmem>>
      %dma_start3A_734 = arith.constant 0 : i32
      %dma_start3A_735 = tpu.memref_slice %arg11[%add3A_10, %dma_start3A_734] : memref<10240x128xf32, #tpu.memory_space<vmem_shared>> -> memref<80x128xf32, #tpu.memory_space<vmem_shared>>
      %dma_start3A_736 = arith.constant 0 : i32
      %dma_start3A_737 = tpu.memref_slice %arg11[%add3A_10, %dma_start3A_736] : memref<10240x128xf32, #tpu.memory_space<vmem_shared>> -> memref<80x128xf32, #tpu.memory_space<vmem_shared>>
      %dma_start3A_738 = arith.constant 0 : i32
      %dma_start3A_739 = arith.constant 0 : i32
      %dma_start3A_740 = tpu.memref_slice %arg8[%run_scoped3A, %dma_start3A_738, %dma_start3A_739] : memref<2x80x128xf32, #tpu.memory_space<vmem>> -> memref<1x80x128xf32, #tpu.memory_space<vmem>>
      %dma_start3A_741 = tpu.memref_squeeze %dma_start3A_740 : memref<1x80x128xf32, #tpu.memory_space<vmem>> -> memref<80x128xf32, #tpu.memory_space<vmem>>
      tpu.enqueue_dma source(%dma_start3A_741 : memref<80x128xf32, #tpu.memory_space<vmem>>) target(%dma_start3A_737 : memref<80x128xf32, #tpu.memory_space<vmem_shared>>) target_semaphore(%run_scoped3A_729 : memref<!tpu.dma_semaphore, #tpu.memory_space<semaphore_mem>>)
      %dma_wait3A_742 = arith.constant 0 : i32
      %dma_wait3A_743 = arith.constant 0 : i32
      %dma_wait3A_744 = tpu.memref_slice %arg8[%run_scoped3A, %dma_wait3A_742, %dma_wait3A_743] : memref<2x80x128xf32, #tpu.memory_space<vmem>> -> memref<1x80x128xf32, #tpu.memory_space<vmem>>
      %dma_wait3A_745 = tpu.memref_squeeze %dma_wait3A_744 : memref<1x80x128xf32, #tpu.memory_space<vmem>> -> memref<80x128xf32, #tpu.memory_space<vmem>>
      %dma_wait3A_746 = arith.constant 0 : i32
      %dma_wait3A_747 = tpu.memref_slice %arg11[%add3A_10, %dma_wait3A_746] : memref<10240x128xf32, #tpu.memory_space<vmem_shared>> -> memref<80x128xf32, #tpu.memory_space<vmem_shared>>
      %dma_wait3A_748 = arith.constant 0 : i32
      %dma_wait3A_749 = tpu.memref_slice %arg11[%add3A_10, %dma_wait3A_748] : memref<10240x128xf32, #tpu.memory_space<vmem_shared>> -> memref<80x128xf32, #tpu.memory_space<vmem_shared>>
      %dma_wait3A_750 = arith.constant 0 : i32
      %dma_wait3A_751 = arith.constant 0 : i32
      %dma_wait3A_752 = tpu.memref_slice %arg8[%run_scoped3A, %dma_wait3A_750, %dma_wait3A_751] : memref<2x80x128xf32, #tpu.memory_space<vmem>> -> memref<1x80x128xf32, #tpu.memory_space<vmem>>
      %dma_wait3A_753 = tpu.memref_squeeze %dma_wait3A_752 : memref<1x80x128xf32, #tpu.memory_space<vmem>> -> memref<80x128xf32, #tpu.memory_space<vmem>>
      tpu.wait_dma2 semaphore(%run_scoped3A_729 : memref<!tpu.dma_semaphore, #tpu.memory_space<semaphore_mem>>) src(%dma_wait3A_753 : memref<80x128xf32, #tpu.memory_space<vmem>>) dst(%dma_wait3A_749 : memref<80x128xf32, #tpu.memory_space<vmem_shared>>)
      tpu.yield
    }) : () -> ()
    %mul3A_11 = arith.constant 640 : i32
    %mul3A_12 = arith.muli %arg1, %mul3A_11 : i32
    %add3A_13 = arith.constant 80 : i32
    %add3A_14 = arith.addi %mul3A_12, %add3A_13 : i32
    %run_scoped3A_15 = arith.constant 0 : i32
    "tpu.region"() ({
      %run_scoped3A_729 = tpu.sem_alloc : memref<!tpu.dma_semaphore, #tpu.memory_space<semaphore_mem>>
      %dma_start3A_730 = arith.constant 0 : i32
      %dma_start3A_731 = arith.constant 0 : i32
      %dma_start3A_732 = tpu.memref_slice %arg8[%run_scoped3A_15, %dma_start3A_730, %dma_start3A_731] : memref<2x80x128xf32, #tpu.memory_space<vmem>> -> memref<1x80x128xf32, #tpu.memory_space<vmem>>
      %dma_start3A_733 = tpu.memref_squeeze %dma_start3A_732 : memref<1x80x128xf32, #tpu.memory_space<vmem>> -> memref<80x128xf32, #tpu.memory_space<vmem>>
      %dma_start3A_734 = arith.constant 0 : i32
      %dma_start3A_735 = tpu.memref_slice %arg11[%add3A_14, %dma_start3A_734] : memref<10240x128xf32, #tpu.memory_space<vmem_shared>> -> memref<80x128xf32, #tpu.memory_space<vmem_shared>>
      %dma_start3A_736 = arith.constant 0 : i32
      %dma_start3A_737 = tpu.memref_slice %arg11[%add3A_14, %dma_start3A_736] : memref<10240x128xf32, #tpu.memory_space<vmem_shared>> -> memref<80x128xf32, #tpu.memory_space<vmem_shared>>
      %dma_start3A_738 = arith.constant 0 : i32
      %dma_start3A_739 = arith.constant 0 : i32
      %dma_start3A_740 = tpu.memref_slice %arg8[%run_scoped3A_15, %dma_start3A_738, %dma_start3A_739] : memref<2x80x128xf32, #tpu.memory_space<vmem>> -> memref<1x80x128xf32, #tpu.memory_space<vmem>>
      %dma_start3A_741 = tpu.memref_squeeze %dma_start3A_740 : memref<1x80x128xf32, #tpu.memory_space<vmem>> -> memref<80x128xf32, #tpu.memory_space<vmem>>
      tpu.enqueue_dma source(%dma_start3A_741 : memref<80x128xf32, #tpu.memory_space<vmem>>) target(%dma_start3A_737 : memref<80x128xf32, #tpu.memory_space<vmem_shared>>) target_semaphore(%run_scoped3A_729 : memref<!tpu.dma_semaphore, #tpu.memory_space<semaphore_mem>>)
      %dma_wait3A_742 = arith.constant 0 : i32
      %dma_wait3A_743 = arith.constant 0 : i32
      %dma_wait3A_744 = tpu.memref_slice %arg8[%run_scoped3A_15, %dma_wait3A_742, %dma_wait3A_743] : memref<2x80x128xf32, #tpu.memory_space<vmem>> -> memref<1x80x128xf32, #tpu.memory_space<vmem>>
      %dma_wait3A_745 = tpu.memref_squeeze %dma_wait3A_744 : memref<1x80x128xf32, #tpu.memory_space<vmem>> -> memref<80x128xf32, #tpu.memory_space<vmem>>
      %dma_wait3A_746 = arith.constant 0 : i32
      %dma_wait3A_747 = tpu.memref_slice %arg11[%add3A_14, %dma_wait3A_746] : memref<10240x128xf32, #tpu.memory_space<vmem_shared>> -> memref<80x128xf32, #tpu.memory_space<vmem_shared>>
      %dma_wait3A_748 = arith.constant 0 : i32
      %dma_wait3A_749 = tpu.memref_slice %arg11[%add3A_14, %dma_wait3A_748] : memref<10240x128xf32, #tpu.memory_space<vmem_shared>> -> memref<80x128xf32, #tpu.memory_space<vmem_shared>>
      %dma_wait3A_750 = arith.constant 0 : i32
      %dma_wait3A_751 = arith.constant 0 : i32
      %dma_wait3A_752 = tpu.memref_slice %arg8[%run_scoped3A_15, %dma_wait3A_750, %dma_wait3A_751] : memref<2x80x128xf32, #tpu.memory_space<vmem>> -> memref<1x80x128xf32, #tpu.memory_space<vmem>>
      %dma_wait3A_753 = tpu.memref_squeeze %dma_wait3A_752 : memref<1x80x128xf32, #tpu.memory_space<vmem>> -> memref<80x128xf32, #tpu.memory_space<vmem>>
      tpu.wait_dma2 semaphore(%run_scoped3A_729 : memref<!tpu.dma_semaphore, #tpu.memory_space<semaphore_mem>>) src(%dma_wait3A_753 : memref<80x128xf32, #tpu.memory_space<vmem>>) dst(%dma_wait3A_749 : memref<80x128xf32, #tpu.memory_space<vmem_shared>>)
      tpu.yield
    }) : () -> ()
    %mul3A_16 = arith.constant 640 : i32
    %mul3A_17 = arith.muli %arg1, %mul3A_16 : i32
    %add3A_18 = arith.constant 160 : i32
    %add3A_19 = arith.addi %mul3A_17, %add3A_18 : i32
    %run_scoped3A_20 = arith.constant 0 : i32
    "tpu.region"() ({
      %run_scoped3A_729 = tpu.sem_alloc : memref<!tpu.dma_semaphore, #tpu.memory_space<semaphore_mem>>
      %dma_start3A_730 = arith.constant 0 : i32
      %dma_start3A_731 = arith.constant 0 : i32
      %dma_start3A_732 = tpu.memref_slice %arg8[%run_scoped3A_20, %dma_start3A_730, %dma_start3A_731] : memref<2x80x128xf32, #tpu.memory_space<vmem>> -> memref<1x80x128xf32, #tpu.memory_space<vmem>>
      %dma_start3A_733 = tpu.memref_squeeze %dma_start3A_732 : memref<1x80x128xf32, #tpu.memory_space<vmem>> -> memref<80x128xf32, #tpu.memory_space<vmem>>
      %dma_start3A_734 = arith.constant 0 : i32
      %dma_start3A_735 = tpu.memref_slice %arg11[%add3A_19, %dma_start3A_734] : memref<10240x128xf32, #tpu.memory_space<vmem_shared>> -> memref<80x128xf32, #tpu.memory_space<vmem_shared>>
      %dma_start3A_736 = arith.constant 0 : i32
      %dma_start3A_737 = tpu.memref_slice %arg11[%add3A_19, %dma_start3A_736] : memref<10240x128xf32, #tpu.memory_space<vmem_shared>> -> memref<80x128xf32, #tpu.memory_space<vmem_shared>>
      %dma_start3A_738 = arith.constant 0 : i32
      %dma_start3A_739 = arith.constant 0 : i32
      %dma_start3A_740 = tpu.memref_slice %arg8[%run_scoped3A_20, %dma_start3A_738, %dma_start3A_739] : memref<2x80x128xf32, #tpu.memory_space<vmem>> -> memref<1x80x128xf32, #tpu.memory_space<vmem>>
      %dma_start3A_741 = tpu.memref_squeeze %dma_start3A_740 : memref<1x80x128xf32, #tpu.memory_space<vmem>> -> memref<80x128xf32, #tpu.memory_space<vmem>>
      tpu.enqueue_dma source(%dma_start3A_741 : memref<80x128xf32, #tpu.memory_space<vmem>>) target(%dma_start3A_737 : memref<80x128xf32, #tpu.memory_space<vmem_shared>>) target_semaphore(%run_scoped3A_729 : memref<!tpu.dma_semaphore, #tpu.memory_space<semaphore_mem>>)
      %dma_wait3A_742 = arith.constant 0 : i32
      %dma_wait3A_743 = arith.constant 0 : i32
      %dma_wait3A_744 = tpu.memref_slice %arg8[%run_scoped3A_20, %dma_wait3A_742, %dma_wait3A_743] : memref<2x80x128xf32, #tpu.memory_space<vmem>> -> memref<1x80x128xf32, #tpu.memory_space<vmem>>
      %dma_wait3A_745 = tpu.memref_squeeze %dma_wait3A_744 : memref<1x80x128xf32, #tpu.memory_space<vmem>> -> memref<80x128xf32, #tpu.memory_space<vmem>>
      %dma_wait3A_746 = arith.constant 0 : i32
      %dma_wait3A_747 = tpu.memref_slice %arg11[%add3A_19, %dma_wait3A_746] : memref<10240x128xf32, #tpu.memory_space<vmem_shared>> -> memref<80x128xf32, #tpu.memory_space<vmem_shared>>
      %dma_wait3A_748 = arith.constant 0 : i32
      %dma_wait3A_749 = tpu.memref_slice %arg11[%add3A_19, %dma_wait3A_748] : memref<10240x128xf32, #tpu.memory_space<vmem_shared>> -> memref<80x128xf32, #tpu.memory_space<vmem_shared>>
      %dma_wait3A_750 = arith.constant 0 : i32
      %dma_wait3A_751 = arith.constant 0 : i32
      %dma_wait3A_752 = tpu.memref_slice %arg8[%run_scoped3A_20, %dma_wait3A_750, %dma_wait3A_751] : memref<2x80x128xf32, #tpu.memory_space<vmem>> -> memref<1x80x128xf32, #tpu.memory_space<vmem>>
      %dma_wait3A_753 = tpu.memref_squeeze %dma_wait3A_752 : memref<1x80x128xf32, #tpu.memory_space<vmem>> -> memref<80x128xf32, #tpu.memory_space<vmem>>
      tpu.wait_dma2 semaphore(%run_scoped3A_729 : memref<!tpu.dma_semaphore, #tpu.memory_space<semaphore_mem>>) src(%dma_wait3A_753 : memref<80x128xf32, #tpu.memory_space<vmem>>) dst(%dma_wait3A_749 : memref<80x128xf32, #tpu.memory_space<vmem_shared>>)
      tpu.yield
    }) : () -> ()
    %mul3A_21 = arith.constant 640 : i32
    %mul3A_22 = arith.muli %arg1, %mul3A_21 : i32
    %add3A_23 = arith.constant 240 : i32
    %add3A_24 = arith.addi %mul3A_22, %add3A_23 : i32
    %run_scoped3A_25 = arith.constant 0 : i32
    "tpu.region"() ({
      %run_scoped3A_729 = tpu.sem_alloc : memref<!tpu.dma_semaphore, #tpu.memory_space<semaphore_mem>>
      %dma_start3A_730 = arith.constant 0 : i32
      %dma_start3A_731 = arith.constant 0 : i32
      %dma_start3A_732 = tpu.memref_slice %arg8[%run_scoped3A_25, %dma_start3A_730, %dma_start3A_731] : memref<2x80x128xf32, #tpu.memory_space<vmem>> -> memref<1x80x128xf32, #tpu.memory_space<vmem>>
      %dma_start3A_733 = tpu.memref_squeeze %dma_start3A_732 : memref<1x80x128xf32, #tpu.memory_space<vmem>> -> memref<80x128xf32, #tpu.memory_space<vmem>>
      %dma_start3A_734 = arith.constant 0 : i32
      %dma_start3A_735 = tpu.memref_slice %arg11[%add3A_24, %dma_start3A_734] : memref<10240x128xf32, #tpu.memory_space<vmem_shared>> -> memref<80x128xf32, #tpu.memory_space<vmem_shared>>
      %dma_start3A_736 = arith.constant 0 : i32
      %dma_start3A_737 = tpu.memref_slice %arg11[%add3A_24, %dma_start3A_736] : memref<10240x128xf32, #tpu.memory_space<vmem_shared>> -> memref<80x128xf32, #tpu.memory_space<vmem_shared>>
      %dma_start3A_738 = arith.constant 0 : i32
      %dma_start3A_739 = arith.constant 0 : i32
      %dma_start3A_740 = tpu.memref_slice %arg8[%run_scoped3A_25, %dma_start3A_738, %dma_start3A_739] : memref<2x80x128xf32, #tpu.memory_space<vmem>> -> memref<1x80x128xf32, #tpu.memory_space<vmem>>
      %dma_start3A_741 = tpu.memref_squeeze %dma_start3A_740 : memref<1x80x128xf32, #tpu.memory_space<vmem>> -> memref<80x128xf32, #tpu.memory_space<vmem>>
      tpu.enqueue_dma source(%dma_start3A_741 : memref<80x128xf32, #tpu.memory_space<vmem>>) target(%dma_start3A_737 : memref<80x128xf32, #tpu.memory_space<vmem_shared>>) target_semaphore(%run_scoped3A_729 : memref<!tpu.dma_semaphore, #tpu.memory_space<semaphore_mem>>)
      %dma_wait3A_742 = arith.constant 0 : i32
      %dma_wait3A_743 = arith.constant 0 : i32
      %dma_wait3A_744 = tpu.memref_slice %arg8[%run_scoped3A_25, %dma_wait3A_742, %dma_wait3A_743] : memref<2x80x128xf32, #tpu.memory_space<vmem>> -> memref<1x80x128xf32, #tpu.memory_space<vmem>>
      %dma_wait3A_745 = tpu.memref_squeeze %dma_wait3A_744 : memref<1x80x128xf32, #tpu.memory_space<vmem>> -> memref<80x128xf32, #tpu.memory_space<vmem>>
      %dma_wait3A_746 = arith.constant 0 : i32
      %dma_wait3A_747 = tpu.memref_slice %arg11[%add3A_24, %dma_wait3A_746] : memref<10240x128xf32, #tpu.memory_space<vmem_shared>> -> memref<80x128xf32, #tpu.memory_space<vmem_shared>>
      %dma_wait3A_748 = arith.constant 0 : i32
      %dma_wait3A_749 = tpu.memref_slice %arg11[%add3A_24, %dma_wait3A_748] : memref<10240x128xf32, #tpu.memory_space<vmem_shared>> -> memref<80x128xf32, #tpu.memory_space<vmem_shared>>
      %dma_wait3A_750 = arith.constant 0 : i32
      %dma_wait3A_751 = arith.constant 0 : i32
      %dma_wait3A_752 = tpu.memref_slice %arg8[%run_scoped3A_25, %dma_wait3A_750, %dma_wait3A_751] : memref<2x80x128xf32, #tpu.memory_space<vmem>> -> memref<1x80x128xf32, #tpu.memory_space<vmem>>
      %dma_wait3A_753 = tpu.memref_squeeze %dma_wait3A_752 : memref<1x80x128xf32, #tpu.memory_space<vmem>> -> memref<80x128xf32, #tpu.memory_space<vmem>>
      tpu.wait_dma2 semaphore(%run_scoped3A_729 : memref<!tpu.dma_semaphore, #tpu.memory_space<semaphore_mem>>) src(%dma_wait3A_753 : memref<80x128xf32, #tpu.memory_space<vmem>>) dst(%dma_wait3A_749 : memref<80x128xf32, #tpu.memory_space<vmem_shared>>)
      tpu.yield
    }) : () -> ()
    %mul3A_26 = arith.constant 640 : i32
    %mul3A_27 = arith.muli %arg1, %mul3A_26 : i32
    %add3A_28 = arith.constant 320 : i32
    %add3A_29 = arith.addi %mul3A_27, %add3A_28 : i32
    %run_scoped3A_30 = arith.constant 0 : i32
    "tpu.region"() ({
      %run_scoped3A_729 = tpu.sem_alloc : memref<!tpu.dma_semaphore, #tpu.memory_space<semaphore_mem>>
      %dma_start3A_730 = arith.constant 0 : i32
      %dma_start3A_731 = arith.constant 0 : i32
      %dma_start3A_732 = tpu.memref_slice %arg8[%run_scoped3A_30, %dma_start3A_730, %dma_start3A_731] : memref<2x80x128xf32, #tpu.memory_space<vmem>> -> memref<1x80x128xf32, #tpu.memory_space<vmem>>
      %dma_start3A_733 = tpu.memref_squeeze %dma_start3A_732 : memref<1x80x128xf32, #tpu.memory_space<vmem>> -> memref<80x128xf32, #tpu.memory_space<vmem>>
      %dma_start3A_734 = arith.constant 0 : i32
      %dma_start3A_735 = tpu.memref_slice %arg11[%add3A_29, %dma_start3A_734] : memref<10240x128xf32, #tpu.memory_space<vmem_shared>> -> memref<80x128xf32, #tpu.memory_space<vmem_shared>>
      %dma_start3A_736 = arith.constant 0 : i32
      %dma_start3A_737 = tpu.memref_slice %arg11[%add3A_29, %dma_start3A_736] : memref<10240x128xf32, #tpu.memory_space<vmem_shared>> -> memref<80x128xf32, #tpu.memory_space<vmem_shared>>
      %dma_start3A_738 = arith.constant 0 : i32
      %dma_start3A_739 = arith.constant 0 : i32
      %dma_start3A_740 = tpu.memref_slice %arg8[%run_scoped3A_30, %dma_start3A_738, %dma_start3A_739] : memref<2x80x128xf32, #tpu.memory_space<vmem>> -> memref<1x80x128xf32, #tpu.memory_space<vmem>>
      %dma_start3A_741 = tpu.memref_squeeze %dma_start3A_740 : memref<1x80x128xf32, #tpu.memory_space<vmem>> -> memref<80x128xf32, #tpu.memory_space<vmem>>
      tpu.enqueue_dma source(%dma_start3A_741 : memref<80x128xf32, #tpu.memory_space<vmem>>) target(%dma_start3A_737 : memref<80x128xf32, #tpu.memory_space<vmem_shared>>) target_semaphore(%run_scoped3A_729 : memref<!tpu.dma_semaphore, #tpu.memory_space<semaphore_mem>>)
      %dma_wait3A_742 = arith.constant 0 : i32
      %dma_wait3A_743 = arith.constant 0 : i32
      %dma_wait3A_744 = tpu.memref_slice %arg8[%run_scoped3A_30, %dma_wait3A_742, %dma_wait3A_743] : memref<2x80x128xf32, #tpu.memory_space<vmem>> -> memref<1x80x128xf32, #tpu.memory_space<vmem>>
      %dma_wait3A_745 = tpu.memref_squeeze %dma_wait3A_744 : memref<1x80x128xf32, #tpu.memory_space<vmem>> -> memref<80x128xf32, #tpu.memory_space<vmem>>
      %dma_wait3A_746 = arith.constant 0 : i32
      %dma_wait3A_747 = tpu.memref_slice %arg11[%add3A_29, %dma_wait3A_746] : memref<10240x128xf32, #tpu.memory_space<vmem_shared>> -> memref<80x128xf32, #tpu.memory_space<vmem_shared>>
      %dma_wait3A_748 = arith.constant 0 : i32
      %dma_wait3A_749 = tpu.memref_slice %arg11[%add3A_29, %dma_wait3A_748] : memref<10240x128xf32, #tpu.memory_space<vmem_shared>> -> memref<80x128xf32, #tpu.memory_space<vmem_shared>>
      %dma_wait3A_750 = arith.constant 0 : i32
      %dma_wait3A_751 = arith.constant 0 : i32
      %dma_wait3A_752 = tpu.memref_slice %arg8[%run_scoped3A_30, %dma_wait3A_750, %dma_wait3A_751] : memref<2x80x128xf32, #tpu.memory_space<vmem>> -> memref<1x80x128xf32, #tpu.memory_space<vmem>>
      %dma_wait3A_753 = tpu.memref_squeeze %dma_wait3A_752 : memref<1x80x128xf32, #tpu.memory_space<vmem>> -> memref<80x128xf32, #tpu.memory_space<vmem>>
      tpu.wait_dma2 semaphore(%run_scoped3A_729 : memref<!tpu.dma_semaphore, #tpu.memory_space<semaphore_mem>>) src(%dma_wait3A_753 : memref<80x128xf32, #tpu.memory_space<vmem>>) dst(%dma_wait3A_749 : memref<80x128xf32, #tpu.memory_space<vmem_shared>>)
      tpu.yield
    }) : () -> ()
    %mul3A_31 = arith.constant 640 : i32
    %mul3A_32 = arith.muli %arg1, %mul3A_31 : i32
    %add3A_33 = arith.constant 400 : i32
    %add3A_34 = arith.addi %mul3A_32, %add3A_33 : i32
    %run_scoped3A_35 = arith.constant 0 : i32
    "tpu.region"() ({
      %run_scoped3A_729 = tpu.sem_alloc : memref<!tpu.dma_semaphore, #tpu.memory_space<semaphore_mem>>
      %dma_start3A_730 = arith.constant 0 : i32
      %dma_start3A_731 = arith.constant 0 : i32
      %dma_start3A_732 = tpu.memref_slice %arg8[%run_scoped3A_35, %dma_start3A_730, %dma_start3A_731] : memref<2x80x128xf32, #tpu.memory_space<vmem>> -> memref<1x80x128xf32, #tpu.memory_space<vmem>>
      %dma_start3A_733 = tpu.memref_squeeze %dma_start3A_732 : memref<1x80x128xf32, #tpu.memory_space<vmem>> -> memref<80x128xf32, #tpu.memory_space<vmem>>
      %dma_start3A_734 = arith.constant 0 : i32
      %dma_start3A_735 = tpu.memref_slice %arg11[%add3A_34, %dma_start3A_734] : memref<10240x128xf32, #tpu.memory_space<vmem_shared>> -> memref<80x128xf32, #tpu.memory_space<vmem_shared>>
      %dma_start3A_736 = arith.constant 0 : i32
      %dma_start3A_737 = tpu.memref_slice %arg11[%add3A_34, %dma_start3A_736] : memref<10240x128xf32, #tpu.memory_space<vmem_shared>> -> memref<80x128xf32, #tpu.memory_space<vmem_shared>>
      %dma_start3A_738 = arith.constant 0 : i32
      %dma_start3A_739 = arith.constant 0 : i32
      %dma_start3A_740 = tpu.memref_slice %arg8[%run_scoped3A_35, %dma_start3A_738, %dma_start3A_739] : memref<2x80x128xf32, #tpu.memory_space<vmem>> -> memref<1x80x128xf32, #tpu.memory_space<vmem>>
      %dma_start3A_741 = tpu.memref_squeeze %dma_start3A_740 : memref<1x80x128xf32, #tpu.memory_space<vmem>> -> memref<80x128xf32, #tpu.memory_space<vmem>>
      tpu.enqueue_dma source(%dma_start3A_741 : memref<80x128xf32, #tpu.memory_space<vmem>>) target(%dma_start3A_737 : memref<80x128xf32, #tpu.memory_space<vmem_shared>>) target_semaphore(%run_scoped3A_729 : memref<!tpu.dma_semaphore, #tpu.memory_space<semaphore_mem>>)
      %dma_wait3A_742 = arith.constant 0 : i32
      %dma_wait3A_743 = arith.constant 0 : i32
      %dma_wait3A_744 = tpu.memref_slice %arg8[%run_scoped3A_35, %dma_wait3A_742, %dma_wait3A_743] : memref<2x80x128xf32, #tpu.memory_space<vmem>> -> memref<1x80x128xf32, #tpu.memory_space<vmem>>
      %dma_wait3A_745 = tpu.memref_squeeze %dma_wait3A_744 : memref<1x80x128xf32, #tpu.memory_space<vmem>> -> memref<80x128xf32, #tpu.memory_space<vmem>>
      %dma_wait3A_746 = arith.constant 0 : i32
      %dma_wait3A_747 = tpu.memref_slice %arg11[%add3A_34, %dma_wait3A_746] : memref<10240x128xf32, #tpu.memory_space<vmem_shared>> -> memref<80x128xf32, #tpu.memory_space<vmem_shared>>
      %dma_wait3A_748 = arith.constant 0 : i32
      %dma_wait3A_749 = tpu.memref_slice %arg11[%add3A_34, %dma_wait3A_748] : memref<10240x128xf32, #tpu.memory_space<vmem_shared>> -> memref<80x128xf32, #tpu.memory_space<vmem_shared>>
      %dma_wait3A_750 = arith.constant 0 : i32
      %dma_wait3A_751 = arith.constant 0 : i32
      %dma_wait3A_752 = tpu.memref_slice %arg8[%run_scoped3A_35, %dma_wait3A_750, %dma_wait3A_751] : memref<2x80x128xf32, #tpu.memory_space<vmem>> -> memref<1x80x128xf32, #tpu.memory_space<vmem>>
      %dma_wait3A_753 = tpu.memref_squeeze %dma_wait3A_752 : memref<1x80x128xf32, #tpu.memory_space<vmem>> -> memref<80x128xf32, #tpu.memory_space<vmem>>
      tpu.wait_dma2 semaphore(%run_scoped3A_729 : memref<!tpu.dma_semaphore, #tpu.memory_space<semaphore_mem>>) src(%dma_wait3A_753 : memref<80x128xf32, #tpu.memory_space<vmem>>) dst(%dma_wait3A_749 : memref<80x128xf32, #tpu.memory_space<vmem_shared>>)
      tpu.yield
    }) : () -> ()
    %mul3A_36 = arith.constant 640 : i32
    %mul3A_37 = arith.muli %arg1, %mul3A_36 : i32
    %add3A_38 = arith.constant 480 : i32
    %add3A_39 = arith.addi %mul3A_37, %add3A_38 : i32
    %run_scoped3A_40 = arith.constant 0 : i32
    "tpu.region"() ({
      %run_scoped3A_729 = tpu.sem_alloc : memref<!tpu.dma_semaphore, #tpu.memory_space<semaphore_mem>>
      %dma_start3A_730 = arith.constant 0 : i32
      %dma_start3A_731 = arith.constant 0 : i32
      %dma_start3A_732 = tpu.memref_slice %arg8[%run_scoped3A_40, %dma_start3A_730, %dma_start3A_731] : memref<2x80x128xf32, #tpu.memory_space<vmem>> -> memref<1x80x128xf32, #tpu.memory_space<vmem>>
      %dma_start3A_733 = tpu.memref_squeeze %dma_start3A_732 : memref<1x80x128xf32, #tpu.memory_space<vmem>> -> memref<80x128xf32, #tpu.memory_space<vmem>>
      %dma_start3A_734 = arith.constant 0 : i32
      %dma_start3A_735 = tpu.memref_slice %arg11[%add3A_39, %dma_start3A_734] : memref<10240x128xf32, #tpu.memory_space<vmem_shared>> -> memref<80x128xf32, #tpu.memory_space<vmem_shared>>
      %dma_start3A_736 = arith.constant 0 : i32
      %dma_start3A_737 = tpu.memref_slice %arg11[%add3A_39, %dma_start3A_736] : memref<10240x128xf32, #tpu.memory_space<vmem_shared>> -> memref<80x128xf32, #tpu.memory_space<vmem_shared>>
      %dma_start3A_738 = arith.constant 0 : i32
      %dma_start3A_739 = arith.constant 0 : i32
      %dma_start3A_740 = tpu.memref_slice %arg8[%run_scoped3A_40, %dma_start3A_738, %dma_start3A_739] : memref<2x80x128xf32, #tpu.memory_space<vmem>> -> memref<1x80x128xf32, #tpu.memory_space<vmem>>
      %dma_start3A_741 = tpu.memref_squeeze %dma_start3A_740 : memref<1x80x128xf32, #tpu.memory_space<vmem>> -> memref<80x128xf32, #tpu.memory_space<vmem>>
      tpu.enqueue_dma source(%dma_start3A_741 : memref<80x128xf32, #tpu.memory_space<vmem>>) target(%dma_start3A_737 : memref<80x128xf32, #tpu.memory_space<vmem_shared>>) target_semaphore(%run_scoped3A_729 : memref<!tpu.dma_semaphore, #tpu.memory_space<semaphore_mem>>)
      %dma_wait3A_742 = arith.constant 0 : i32
      %dma_wait3A_743 = arith.constant 0 : i32
      %dma_wait3A_744 = tpu.memref_slice %arg8[%run_scoped3A_40, %dma_wait3A_742, %dma_wait3A_743] : memref<2x80x128xf32, #tpu.memory_space<vmem>> -> memref<1x80x128xf32, #tpu.memory_space<vmem>>
      %dma_wait3A_745 = tpu.memref_squeeze %dma_wait3A_744 : memref<1x80x128xf32, #tpu.memory_space<vmem>> -> memref<80x128xf32, #tpu.memory_space<vmem>>
      %dma_wait3A_746 = arith.constant 0 : i32
      %dma_wait3A_747 = tpu.memref_slice %arg11[%add3A_39, %dma_wait3A_746] : memref<10240x128xf32, #tpu.memory_space<vmem_shared>> -> memref<80x128xf32, #tpu.memory_space<vmem_shared>>
      %dma_wait3A_748 = arith.constant 0 : i32
      %dma_wait3A_749 = tpu.memref_slice %arg11[%add3A_39, %dma_wait3A_748] : memref<10240x128xf32, #tpu.memory_space<vmem_shared>> -> memref<80x128xf32, #tpu.memory_space<vmem_shared>>
      %dma_wait3A_750 = arith.constant 0 : i32
      %dma_wait3A_751 = arith.constant 0 : i32
      %dma_wait3A_752 = tpu.memref_slice %arg8[%run_scoped3A_40, %dma_wait3A_750, %dma_wait3A_751] : memref<2x80x128xf32, #tpu.memory_space<vmem>> -> memref<1x80x128xf32, #tpu.memory_space<vmem>>
      %dma_wait3A_753 = tpu.memref_squeeze %dma_wait3A_752 : memref<1x80x128xf32, #tpu.memory_space<vmem>> -> memref<80x128xf32, #tpu.memory_space<vmem>>
      tpu.wait_dma2 semaphore(%run_scoped3A_729 : memref<!tpu.dma_semaphore, #tpu.memory_space<semaphore_mem>>) src(%dma_wait3A_753 : memref<80x128xf32, #tpu.memory_space<vmem>>) dst(%dma_wait3A_749 : memref<80x128xf32, #tpu.memory_space<vmem_shared>>)
      tpu.yield
    }) : () -> ()
    %mul3A_41 = arith.constant 640 : i32
    %mul3A_42 = arith.muli %arg1, %mul3A_41 : i32
    %add3A_43 = arith.constant 560 : i32
    %add3A_44 = arith.addi %mul3A_42, %add3A_43 : i32
    %run_scoped3A_45 = arith.constant 0 : i32
    "tpu.region"() ({
      %run_scoped3A_729 = tpu.sem_alloc : memref<!tpu.dma_semaphore, #tpu.memory_space<semaphore_mem>>
      %dma_start3A_730 = arith.constant 0 : i32
      %dma_start3A_731 = arith.constant 0 : i32
      %dma_start3A_732 = tpu.memref_slice %arg8[%run_scoped3A_45, %dma_start3A_730, %dma_start3A_731] : memref<2x80x128xf32, #tpu.memory_space<vmem>> -> memref<1x80x128xf32, #tpu.memory_space<vmem>>
      %dma_start3A_733 = tpu.memref_squeeze %dma_start3A_732 : memref<1x80x128xf32, #tpu.memory_space<vmem>> -> memref<80x128xf32, #tpu.memory_space<vmem>>
      %dma_start3A_734 = arith.constant 0 : i32
      %dma_start3A_735 = tpu.memref_slice %arg11[%add3A_44, %dma_start3A_734] : memref<10240x128xf32, #tpu.memory_space<vmem_shared>> -> memref<80x128xf32, #tpu.memory_space<vmem_shared>>
      %dma_start3A_736 = arith.constant 0 : i32
      %dma_start3A_737 = tpu.memref_slice %arg11[%add3A_44, %dma_start3A_736] : memref<10240x128xf32, #tpu.memory_space<vmem_shared>> -> memref<80x128xf32, #tpu.memory_space<vmem_shared>>
      %dma_start3A_738 = arith.constant 0 : i32
      %dma_start3A_739 = arith.constant 0 : i32
      %dma_start3A_740 = tpu.memref_slice %arg8[%run_scoped3A_45, %dma_start3A_738, %dma_start3A_739] : memref<2x80x128xf32, #tpu.memory_space<vmem>> -> memref<1x80x128xf32, #tpu.memory_space<vmem>>
      %dma_start3A_741 = tpu.memref_squeeze %dma_start3A_740 : memref<1x80x128xf32, #tpu.memory_space<vmem>> -> memref<80x128xf32, #tpu.memory_space<vmem>>
      tpu.enqueue_dma source(%dma_start3A_741 : memref<80x128xf32, #tpu.memory_space<vmem>>) target(%dma_start3A_737 : memref<80x128xf32, #tpu.memory_space<vmem_shared>>) target_semaphore(%run_scoped3A_729 : memref<!tpu.dma_semaphore, #tpu.memory_space<semaphore_mem>>)
      %dma_wait3A_742 = arith.constant 0 : i32
      %dma_wait3A_743 = arith.constant 0 : i32
      %dma_wait3A_744 = tpu.memref_slice %arg8[%run_scoped3A_45, %dma_wait3A_742, %dma_wait3A_743] : memref<2x80x128xf32, #tpu.memory_space<vmem>> -> memref<1x80x128xf32, #tpu.memory_space<vmem>>
      %dma_wait3A_745 = tpu.memref_squeeze %dma_wait3A_744 : memref<1x80x128xf32, #tpu.memory_space<vmem>> -> memref<80x128xf32, #tpu.memory_space<vmem>>
      %dma_wait3A_746 = arith.constant 0 : i32
      %dma_wait3A_747 = tpu.memref_slice %arg11[%add3A_44, %dma_wait3A_746] : memref<10240x128xf32, #tpu.memory_space<vmem_shared>> -> memref<80x128xf32, #tpu.memory_space<vmem_shared>>
      %dma_wait3A_748 = arith.constant 0 : i32
      %dma_wait3A_749 = tpu.memref_slice %arg11[%add3A_44, %dma_wait3A_748] : memref<10240x128xf32, #tpu.memory_space<vmem_shared>> -> memref<80x128xf32, #tpu.memory_space<vmem_shared>>
      %dma_wait3A_750 = arith.constant 0 : i32
      %dma_wait3A_751 = arith.constant 0 : i32
      %dma_wait3A_752 = tpu.memref_slice %arg8[%run_scoped3A_45, %dma_wait3A_750, %dma_wait3A_751] : memref<2x80x128xf32, #tpu.memory_space<vmem>> -> memref<1x80x128xf32, #tpu.memory_space<vmem>>
      %dma_wait3A_753 = tpu.memref_squeeze %dma_wait3A_752 : memref<1x80x128xf32, #tpu.memory_space<vmem>> -> memref<80x128xf32, #tpu.memory_space<vmem>>
      tpu.wait_dma2 semaphore(%run_scoped3A_729 : memref<!tpu.dma_semaphore, #tpu.memory_space<semaphore_mem>>) src(%dma_wait3A_753 : memref<80x128xf32, #tpu.memory_space<vmem>>) dst(%dma_wait3A_749 : memref<80x128xf32, #tpu.memory_space<vmem_shared>>)
      tpu.yield
    }) : () -> ()
    %scan3A_46 = arith.constant 0 : i32
    %scan3A_47 = arith.constant 0 : i32
    %scan3A_48 = arith.constant 40 : i32
    %scan3A_49 = arith.addi %scan3A_47, %scan3A_48 : i32
    %scan3A_50 = arith.constant 1 : i32
    %scan3A_51 = scf.for %scan3A_729 = %scan3A_47 to %scan3A_49 step %scan3A_50 iter_args(%scan3A_730 = %scan3A_46) -> (i32)  : i32 {
      %broadcast_in_dim3A = arith.constant 0.000000e+00 : f32
      %broadcast_in_dim3A_731 = vector.broadcast %broadcast_in_dim3A : f32 to vector<16xf32>
      %mul3A_732 = arith.constant 16 : i32
      %mul3A_733 = arith.muli %scan3A_729, %mul3A_732 : i32
      %swap3A = arith.index_cast %mul3A_733 : i32 to index
      %swap3A_734 = tpu.vector_load %arg10[%swap3A] {strides = array<i32>} : memref<640xf32, #tpu.memory_space<vmem>>, vector<16xf32>,
      %swap3A_735 = vector.shape_cast %swap3A_734 : vector<16xf32> to vector<16xf32>
      %swap3A_736 = vector.shape_cast %broadcast_in_dim3A_731 : vector<16xf32> to vector<16xf32>
      tpu.vector_store %arg10[%swap3A], %swap3A_736 {strides = array<i32>} : memref<640xf32, #tpu.memory_space<vmem>>, vector<16xf32>,
      %scan3A_737 = arith.constant 0 : i32
      scf.yield %scan3A_737 : i32
    }
    %scan3A_52 = arith.constant 40 : i32
    %mul3A_53 = arith.constant 640 : i32
    %mul3A_54 = arith.muli %arg1, %mul3A_53 : i32
    "tpu.region"() ({
      %run_scoped3A_729 = tpu.sem_alloc : memref<!tpu.dma_semaphore, #tpu.memory_space<semaphore_mem>>
      %dma_start3A_730 = tpu.memref_slice %arg12[%mul3A_54] : memref<10240xf32, #tpu.memory_space<vmem_shared>> -> memref<640xf32, #tpu.memory_space<vmem_shared>>
      %dma_start3A_731 = tpu.memref_slice %arg12[%mul3A_54] : memref<10240xf32, #tpu.memory_space<vmem_shared>> -> memref<640xf32, #tpu.memory_space<vmem_shared>>
      tpu.enqueue_dma source(%arg10 : memref<640xf32, #tpu.memory_space<vmem>>) target(%dma_start3A_731 : memref<640xf32, #tpu.memory_space<vmem_shared>>) target_semaphore(%run_scoped3A_729 : memref<!tpu.dma_semaphore, #tpu.memory_space<semaphore_mem>>)
      %dma_wait3A_732 = tpu.memref_slice %arg12[%mul3A_54] : memref<10240xf32, #tpu.memory_space<vmem_shared>> -> memref<640xf32, #tpu.memory_space<vmem_shared>>
      %dma_wait3A_733 = tpu.memref_slice %arg12[%mul3A_54] : memref<10240xf32, #tpu.memory_space<vmem_shared>> -> memref<640xf32, #tpu.memory_space<vmem_shared>>
      tpu.wait_dma2 semaphore(%run_scoped3A_729 : memref<!tpu.dma_semaphore, #tpu.memory_space<semaphore_mem>>) src(%arg10 : memref<640xf32, #tpu.memory_space<vmem>>) dst(%dma_wait3A_733 : memref<640xf32, #tpu.memory_space<vmem_shared>>)
      tpu.yield
    }) : () -> ()
    %barrier3A = arith.constant 0 : index
    tpu.barrier barrier_id(%barrier3A)
    %dma_start3A = arith.constant 0 : i32
    %dma_start3A_55 = arith.constant 0 : i32
    %dma_start3A_56 = arith.constant 0 : i32
    %dma_start3A_57 = arith.constant 0 : i32
    %dma_start3A_58 = tpu.memref_slice %arg7[%dma_start3A_55, %dma_start3A_56, %dma_start3A_57] : memref<4x2x80xi32, #tpu.memory_space<vmem>> -> memref<1x2x80xi32, #tpu.memory_space<vmem>>
    %dma_start3A_59 = tpu.memref_squeeze %dma_start3A_58 : memref<1x2x80xi32, #tpu.memory_space<vmem>> -> memref<2x80xi32, #tpu.memory_space<vmem>>
    %dma_start3A_60 = arith.constant 0 : i32
    %dma_start3A_61 = arith.constant 0 : i32
    %dma_start3A_62 = tpu.memref_slice %arg3[%add3A, %dma_start3A, %dma_start3A_60, %dma_start3A_61] : memref<32x125x2x80xi32, #tpu.memory_space<hbm>> -> memref<1x1x2x80xi32, #tpu.memory_space<hbm>>
    %dma_start3A_63 = tpu.memref_squeeze %dma_start3A_62 : memref<1x1x2x80xi32, #tpu.memory_space<hbm>> -> memref<2x80xi32, #tpu.memory_space<hbm>>
    %dma_start3A_64 = arith.constant 0 : i32
    %dma_start3A_65 = arith.constant 0 : i32
    %dma_start3A_66 = tpu.memref_slice %arg7[%dma_start3A_55, %dma_start3A_64, %dma_start3A_65] : memref<4x2x80xi32, #tpu.memory_space<vmem>> -> memref<1x2x80xi32, #tpu.memory_space<vmem>>
    %dma_start3A_67 = tpu.memref_squeeze %dma_start3A_66 : memref<1x2x80xi32, #tpu.memory_space<vmem>> -> memref<2x80xi32, #tpu.memory_space<vmem>>
    %dma_start3A_68 = arith.constant 0 : i32
    %dma_start3A_69 = arith.constant 0 : i32
    %dma_start3A_70 = tpu.memref_slice %arg3[%add3A, %dma_start3A, %dma_start3A_68, %dma_start3A_69] : memref<32x125x2x80xi32, #tpu.memory_space<hbm>> -> memref<1x1x2x80xi32, #tpu.memory_space<hbm>>
    %dma_start3A_71 = tpu.memref_squeeze %dma_start3A_70 : memref<1x1x2x80xi32, #tpu.memory_space<hbm>> -> memref<2x80xi32, #tpu.memory_space<hbm>>
    tpu.enqueue_dma source(%dma_start3A_71 : memref<2x80xi32, #tpu.memory_space<hbm>>) target(%dma_start3A_67 : memref<2x80xi32, #tpu.memory_space<vmem>>) target_semaphore(%arg17 : memref<!tpu.dma_semaphore, #tpu.memory_space<semaphore_mem>>)
    %dma_start3A_72 = arith.constant 1 : i32
    %dma_start3A_73 = arith.constant 1 : i32
    %dma_start3A_74 = arith.constant 0 : i32
    %dma_start3A_75 = arith.constant 0 : i32
    %dma_start3A_76 = tpu.memref_slice %arg7[%dma_start3A_73, %dma_start3A_74, %dma_start3A_75] : memref<4x2x80xi32, #tpu.memory_space<vmem>> -> memref<1x2x80xi32, #tpu.memory_space<vmem>>
    %dma_start3A_77 = tpu.memref_squeeze %dma_start3A_76 : memref<1x2x80xi32, #tpu.memory_space<vmem>> -> memref<2x80xi32, #tpu.memory_space<vmem>>
    %dma_start3A_78 = arith.constant 0 : i32
    %dma_start3A_79 = arith.constant 0 : i32
    %dma_start3A_80 = tpu.memref_slice %arg3[%add3A, %dma_start3A_72, %dma_start3A_78, %dma_start3A_79] : memref<32x125x2x80xi32, #tpu.memory_space<hbm>> -> memref<1x1x2x80xi32, #tpu.memory_space<hbm>>
    %dma_start3A_81 = tpu.memref_squeeze %dma_start3A_80 : memref<1x1x2x80xi32, #tpu.memory_space<hbm>> -> memref<2x80xi32, #tpu.memory_space<hbm>>
    %dma_start3A_82 = arith.constant 0 : i32
    %dma_start3A_83 = arith.constant 0 : i32
    %dma_start3A_84 = tpu.memref_slice %arg7[%dma_start3A_73, %dma_start3A_82, %dma_start3A_83] : memref<4x2x80xi32, #tpu.memory_space<vmem>> -> memref<1x2x80xi32, #tpu.memory_space<vmem>>
    %dma_start3A_85 = tpu.memref_squeeze %dma_start3A_84 : memref<1x2x80xi32, #tpu.memory_space<vmem>> -> memref<2x80xi32, #tpu.memory_space<vmem>>
    %dma_start3A_86 = arith.constant 0 : i32
    %dma_start3A_87 = arith.constant 0 : i32
    %dma_start3A_88 = tpu.memref_slice %arg3[%add3A, %dma_start3A_72, %dma_start3A_86, %dma_start3A_87] : memref<32x125x2x80xi32, #tpu.memory_space<hbm>> -> memref<1x1x2x80xi32, #tpu.memory_space<hbm>>
    %dma_start3A_89 = tpu.memref_squeeze %dma_start3A_88 : memref<1x1x2x80xi32, #tpu.memory_space<hbm>> -> memref<2x80xi32, #tpu.memory_space<hbm>>
    tpu.enqueue_dma source(%dma_start3A_89 : memref<2x80xi32, #tpu.memory_space<hbm>>) target(%dma_start3A_85 : memref<2x80xi32, #tpu.memory_space<vmem>>) target_semaphore(%arg18 : memref<!tpu.dma_semaphore, #tpu.memory_space<semaphore_mem>>)
    %dma_start3A_90 = arith.constant 2 : i32
    %dma_start3A_91 = arith.constant 2 : i32
    %dma_start3A_92 = arith.constant 0 : i32
    %dma_start3A_93 = arith.constant 0 : i32
    %dma_start3A_94 = tpu.memref_slice %arg7[%dma_start3A_91, %dma_start3A_92, %dma_start3A_93] : memref<4x2x80xi32, #tpu.memory_space<vmem>> -> memref<1x2x80xi32, #tpu.memory_space<vmem>>
    %dma_start3A_95 = tpu.memref_squeeze %dma_start3A_94 : memref<1x2x80xi32, #tpu.memory_space<vmem>> -> memref<2x80xi32, #tpu.memory_space<vmem>>
    %dma_start3A_96 = arith.constant 0 : i32
    %dma_start3A_97 = arith.constant 0 : i32
    %dma_start3A_98 = tpu.memref_slice %arg3[%add3A, %dma_start3A_90, %dma_start3A_96, %dma_start3A_97] : memref<32x125x2x80xi32, #tpu.memory_space<hbm>> -> memref<1x1x2x80xi32, #tpu.memory_space<hbm>>
    %dma_start3A_99 = tpu.memref_squeeze %dma_start3A_98 : memref<1x1x2x80xi32, #tpu.memory_space<hbm>> -> memref<2x80xi32, #tpu.memory_space<hbm>>
    %dma_start3A_100 = arith.constant 0 : i32
    %dma_start3A_101 = arith.constant 0 : i32
    %dma_start3A_102 = tpu.memref_slice %arg7[%dma_start3A_91, %dma_start3A_100, %dma_start3A_101] : memref<4x2x80xi32, #tpu.memory_space<vmem>> -> memref<1x2x80xi32, #tpu.memory_space<vmem>>
    %dma_start3A_103 = tpu.memref_squeeze %dma_start3A_102 : memref<1x2x80xi32, #tpu.memory_space<vmem>> -> memref<2x80xi32, #tpu.memory_space<vmem>>
    %dma_start3A_104 = arith.constant 0 : i32
    %dma_start3A_105 = arith.constant 0 : i32
    %dma_start3A_106 = tpu.memref_slice %arg3[%add3A, %dma_start3A_90, %dma_start3A_104, %dma_start3A_105] : memref<32x125x2x80xi32, #tpu.memory_space<hbm>> -> memref<1x1x2x80xi32, #tpu.memory_space<hbm>>
    %dma_start3A_107 = tpu.memref_squeeze %dma_start3A_106 : memref<1x1x2x80xi32, #tpu.memory_space<hbm>> -> memref<2x80xi32, #tpu.memory_space<hbm>>
    tpu.enqueue_dma source(%dma_start3A_107 : memref<2x80xi32, #tpu.memory_space<hbm>>) target(%dma_start3A_103 : memref<2x80xi32, #tpu.memory_space<vmem>>) target_semaphore(%arg19 : memref<!tpu.dma_semaphore, #tpu.memory_space<semaphore_mem>>)
    %dma_wait3A = arith.constant 0 : i32
    %dma_wait3A_108 = arith.constant 0 : i32
    %dma_wait3A_109 = arith.constant 0 : i32
    %dma_wait3A_110 = arith.constant 0 : i32
    %dma_wait3A_111 = tpu.memref_slice %arg7[%dma_wait3A_108, %dma_wait3A_109, %dma_wait3A_110] : memref<4x2x80xi32, #tpu.memory_space<vmem>> -> memref<1x2x80xi32, #tpu.memory_space<vmem>>
    %dma_wait3A_112 = tpu.memref_squeeze %dma_wait3A_111 : memref<1x2x80xi32, #tpu.memory_space<vmem>> -> memref<2x80xi32, #tpu.memory_space<vmem>>
    %dma_wait3A_113 = arith.constant 0 : i32
    %dma_wait3A_114 = arith.constant 0 : i32
    %dma_wait3A_115 = tpu.memref_slice %arg3[%add3A, %dma_wait3A, %dma_wait3A_113, %dma_wait3A_114] : memref<32x125x2x80xi32, #tpu.memory_space<hbm>> -> memref<1x1x2x80xi32, #tpu.memory_space<hbm>>
    %dma_wait3A_116 = tpu.memref_squeeze %dma_wait3A_115 : memref<1x1x2x80xi32, #tpu.memory_space<hbm>> -> memref<2x80xi32, #tpu.memory_space<hbm>>
    %dma_wait3A_117 = arith.constant 0 : i32
    %dma_wait3A_118 = arith.constant 0 : i32
    %dma_wait3A_119 = tpu.memref_slice %arg7[%dma_wait3A_108, %dma_wait3A_117, %dma_wait3A_118] : memref<4x2x80xi32, #tpu.memory_space<vmem>> -> memref<1x2x80xi32, #tpu.memory_space<vmem>>
    %dma_wait3A_120 = tpu.memref_squeeze %dma_wait3A_119 : memref<1x2x80xi32, #tpu.memory_space<vmem>> -> memref<2x80xi32, #tpu.memory_space<vmem>>
    %dma_wait3A_121 = arith.constant 0 : i32
    %dma_wait3A_122 = arith.constant 0 : i32
    %dma_wait3A_123 = tpu.memref_slice %arg3[%add3A, %dma_wait3A, %dma_wait3A_121, %dma_wait3A_122] : memref<32x125x2x80xi32, #tpu.memory_space<hbm>> -> memref<1x1x2x80xi32, #tpu.memory_space<hbm>>
    %dma_wait3A_124 = tpu.memref_squeeze %dma_wait3A_123 : memref<1x1x2x80xi32, #tpu.memory_space<hbm>> -> memref<2x80xi32, #tpu.memory_space<hbm>>
    tpu.wait_dma2 semaphore(%arg17 : memref<!tpu.dma_semaphore, #tpu.memory_space<semaphore_mem>>) src(%dma_wait3A_124 : memref<2x80xi32, #tpu.memory_space<hbm>>) dst(%dma_wait3A_120 : memref<2x80xi32, #tpu.memory_space<vmem>>)
    %dma_start3A_125 = arith.constant 0 : i32
    %dma_start3A_126 = arith.constant 0 : i32
    %dma_start3A_127 = arith.constant 0 : i32
    %dma_start3A_128 = arith.constant 0 : i32
    %dma_start3A_129 = arith.constant 0 : i32
    %dma_start3A_130 = tpu.memref_slice %arg8[%dma_start3A_127, %dma_start3A_128, %dma_start3A_129] : memref<2x80x128xf32, #tpu.memory_space<vmem>> -> memref<1x80x128xf32, #tpu.memory_space<vmem>>
    %dma_start3A_131 = tpu.memref_squeeze %dma_start3A_130 : memref<1x80x128xf32, #tpu.memory_space<vmem>> -> memref<80x128xf32, #tpu.memory_space<vmem>>
    %dma_start3A_132 = arith.constant 0 : i32
    %dma_start3A_133 = tpu.memref_slice %arg7[%dma_start3A_125, %dma_start3A_126, %dma_start3A_132] : memref<4x2x80xi32, #tpu.memory_space<vmem>> -> memref<1x1x80xi32, #tpu.memory_space<vmem>>
    %dma_start3A_134 = tpu.memref_squeeze %dma_start3A_133 : memref<1x1x80xi32, #tpu.memory_space<vmem>> -> memref<80xi32, #tpu.memory_space<vmem>>
    %dma_start3A_135 = arith.constant 0 : i32
    %dma_start3A_136 = arith.constant 0 : i32
    %dma_start3A_137 = tpu.memref_slice %arg2[%dma_start3A_135, %dma_start3A_136] : memref<10000x128xf32, #tpu.memory_space<hbm>> -> memref<10000x128xf32, #tpu.memory_space<hbm>>
    tpu.enqueue_indirect_dma source(%dma_start3A_137 : memref<10000x128xf32, #tpu.memory_space<hbm>>) target(%dma_start3A_131 : memref<80x128xf32, #tpu.memory_space<vmem>>) offsets(%dma_start3A_134 : memref<80xi32, #tpu.memory_space<vmem>>) semaphore(%arg13 : memref<!tpu.dma_semaphore, #tpu.memory_space<semaphore_mem>>)
    %dma_start3A_138 = arith.constant 0 : i32
    %dma_start3A_139 = arith.constant 1 : i32
    %dma_start3A_140 = arith.constant 0 : i32
    %dma_start3A_141 = arith.constant 0 : i32
    %dma_start3A_142 = tpu.memref_slice %arg9[%dma_start3A_140, %dma_start3A_141] : memref<4x80xf32, #tpu.memory_space<vmem>> -> memref<1x80xf32, #tpu.memory_space<vmem>>
    %dma_start3A_143 = tpu.memref_squeeze %dma_start3A_142 : memref<1x80xf32, #tpu.memory_space<vmem>> -> memref<80xf32, #tpu.memory_space<vmem>>
    %dma_start3A_144 = arith.constant 0 : i32
    %dma_start3A_145 = tpu.memref_slice %arg7[%dma_start3A_138, %dma_start3A_139, %dma_start3A_144] : memref<4x2x80xi32, #tpu.memory_space<vmem>> -> memref<1x1x80xi32, #tpu.memory_space<vmem>>
    %dma_start3A_146 = tpu.memref_squeeze %dma_start3A_145 : memref<1x1x80xi32, #tpu.memory_space<vmem>> -> memref<80xi32, #tpu.memory_space<vmem>>
    %dma_start3A_147 = arith.constant 0 : i32
    %dma_start3A_148 = tpu.memref_slice %arg4[%dma_start3A_147] : memref<10240xf32, #tpu.memory_space<hbm>> -> memref<10240xf32, #tpu.memory_space<hbm>>
    tpu.enqueue_indirect_dma source(%dma_start3A_148 : memref<10240xf32, #tpu.memory_space<hbm>>) target(%dma_start3A_143 : memref<80xf32, #tpu.memory_space<vmem>>) offsets(%dma_start3A_146 : memref<80xi32, #tpu.memory_space<vmem>>) semaphore(%arg21 : memref<!tpu.dma_semaphore, #tpu.memory_space<semaphore_mem>>)
    %dma_wait3A_149 = arith.constant 0 : i32
    %dma_wait3A_150 = arith.constant 0 : i32
    %dma_wait3A_151 = arith.constant 0 : i32
    %dma_wait3A_152 = arith.constant 0 : i32
    %dma_wait3A_153 = arith.constant 0 : i32
    %dma_wait3A_154 = tpu.memref_slice %arg8[%dma_wait3A_151, %dma_wait3A_152, %dma_wait3A_153] : memref<2x80x128xf32, #tpu.memory_space<vmem>> -> memref<1x80x128xf32, #tpu.memory_space<vmem>>
    %dma_wait3A_155 = tpu.memref_squeeze %dma_wait3A_154 : memref<1x80x128xf32, #tpu.memory_space<vmem>> -> memref<80x128xf32, #tpu.memory_space<vmem>>
    %dma_wait3A_156 = arith.constant 0 : i32
    %dma_wait3A_157 = tpu.memref_slice %arg7[%dma_wait3A_149, %dma_wait3A_150, %dma_wait3A_156] : memref<4x2x80xi32, #tpu.memory_space<vmem>> -> memref<1x1x80xi32, #tpu.memory_space<vmem>>
    %dma_wait3A_158 = tpu.memref_squeeze %dma_wait3A_157 : memref<1x1x80xi32, #tpu.memory_space<vmem>> -> memref<80xi32, #tpu.memory_space<vmem>>
    %dma_wait3A_159 = arith.constant 0 : i32
    %dma_wait3A_160 = arith.constant 0 : i32
    %dma_wait3A_161 = tpu.memref_slice %arg2[%dma_wait3A_159, %dma_wait3A_160] : memref<10000x128xf32, #tpu.memory_space<hbm>> -> memref<10000x128xf32, #tpu.memory_space<hbm>>
    tpu.wait_indirect_dma semaphore(%arg13 : memref<!tpu.dma_semaphore, #tpu.memory_space<semaphore_mem>>) src(%dma_wait3A_161 : memref<10000x128xf32, #tpu.memory_space<hbm>>) dst(%dma_wait3A_155 : memref<80x128xf32, #tpu.memory_space<vmem>>)
    %dma_start3A_162 = arith.constant 0 : i32
    %dma_start3A_163 = arith.constant 0 : i32
    %dma_start3A_164 = arith.constant 1 : i32
    %dma_start3A_165 = arith.constant 0 : i32
    %dma_start3A_166 = arith.constant 0 : i32
    %dma_start3A_167 = tpu.memref_slice %arg8[%dma_start3A_162, %dma_start3A_165, %dma_start3A_166] : memref<2x80x128xf32, #tpu.memory_space<vmem>> -> memref<1x80x128xf32, #tpu.memory_space<vmem>>
    %dma_start3A_168 = tpu.memref_squeeze %dma_start3A_167 : memref<1x80x128xf32, #tpu.memory_space<vmem>> -> memref<80x128xf32, #tpu.memory_space<vmem>>
    %dma_start3A_169 = arith.constant 0 : i32
    %dma_start3A_170 = tpu.memref_slice %arg7[%dma_start3A_163, %dma_start3A_164, %dma_start3A_169] : memref<4x2x80xi32, #tpu.memory_space<vmem>> -> memref<1x1x80xi32, #tpu.memory_space<vmem>>
    %dma_start3A_171 = tpu.memref_squeeze %dma_start3A_170 : memref<1x1x80xi32, #tpu.memory_space<vmem>> -> memref<80xi32, #tpu.memory_space<vmem>>
    %dma_start3A_172 = arith.constant 0 : i32
    %dma_start3A_173 = arith.constant 0 : i32
    %dma_start3A_174 = tpu.memref_slice %arg11[%dma_start3A_172, %dma_start3A_173] : memref<10240x128xf32, #tpu.memory_space<vmem_shared>> -> memref<10240x128xf32, #tpu.memory_space<vmem_shared>>
    tpu.enqueue_indirect_dma source(%dma_start3A_168 : memref<80x128xf32, #tpu.memory_space<vmem>>) target(%dma_start3A_174 : memref<10240x128xf32, #tpu.memory_space<vmem_shared>>) offsets(%dma_start3A_171 : memref<80xi32, #tpu.memory_space<vmem>>) semaphore(%arg15 : memref<!tpu.dma_semaphore, #tpu.memory_space<semaphore_mem>>) {add = true}
    %dma_wait3A_175 = arith.constant 0 : i32
    %dma_wait3A_176 = arith.constant 1 : i32
    %dma_wait3A_177 = arith.constant 0 : i32
    %dma_wait3A_178 = arith.constant 0 : i32
    %dma_wait3A_179 = tpu.memref_slice %arg9[%dma_wait3A_177, %dma_wait3A_178] : memref<4x80xf32, #tpu.memory_space<vmem>> -> memref<1x80xf32, #tpu.memory_space<vmem>>
    %dma_wait3A_180 = tpu.memref_squeeze %dma_wait3A_179 : memref<1x80xf32, #tpu.memory_space<vmem>> -> memref<80xf32, #tpu.memory_space<vmem>>
    %dma_wait3A_181 = arith.constant 0 : i32
    %dma_wait3A_182 = tpu.memref_slice %arg7[%dma_wait3A_175, %dma_wait3A_176, %dma_wait3A_181] : memref<4x2x80xi32, #tpu.memory_space<vmem>> -> memref<1x1x80xi32, #tpu.memory_space<vmem>>
    %dma_wait3A_183 = tpu.memref_squeeze %dma_wait3A_182 : memref<1x1x80xi32, #tpu.memory_space<vmem>> -> memref<80xi32, #tpu.memory_space<vmem>>
    %dma_wait3A_184 = arith.constant 0 : i32
    %dma_wait3A_185 = tpu.memref_slice %arg4[%dma_wait3A_184] : memref<10240xf32, #tpu.memory_space<hbm>> -> memref<10240xf32, #tpu.memory_space<hbm>>
    tpu.wait_indirect_dma semaphore(%arg21 : memref<!tpu.dma_semaphore, #tpu.memory_space<semaphore_mem>>) src(%dma_wait3A_185 : memref<10240xf32, #tpu.memory_space<hbm>>) dst(%dma_wait3A_180 : memref<80xf32, #tpu.memory_space<vmem>>)
    %dma_start3A_186 = arith.constant 0 : i32
    %dma_start3A_187 = arith.constant 0 : i32
    %dma_start3A_188 = arith.constant 0 : i32
    %dma_start3A_189 = arith.constant 0 : i32
    %dma_start3A_190 = tpu.memref_slice %arg9[%dma_start3A_186, %dma_start3A_189] : memref<4x80xf32, #tpu.memory_space<vmem>> -> memref<1x80xf32, #tpu.memory_space<vmem>>
    %dma_start3A_191 = tpu.memref_squeeze %dma_start3A_190 : memref<1x80xf32, #tpu.memory_space<vmem>> -> memref<80xf32, #tpu.memory_space<vmem>>
    %dma_start3A_192 = arith.constant 0 : i32
    %dma_start3A_193 = tpu.memref_slice %arg7[%dma_start3A_187, %dma_start3A_188, %dma_start3A_192] : memref<4x2x80xi32, #tpu.memory_space<vmem>> -> memref<1x1x80xi32, #tpu.memory_space<vmem>>
    %dma_start3A_194 = tpu.memref_squeeze %dma_start3A_193 : memref<1x1x80xi32, #tpu.memory_space<vmem>> -> memref<80xi32, #tpu.memory_space<vmem>>
    %dma_start3A_195 = arith.constant 0 : i32
    %dma_start3A_196 = tpu.memref_slice %arg12[%dma_start3A_195] : memref<10240xf32, #tpu.memory_space<vmem_shared>> -> memref<10240xf32, #tpu.memory_space<vmem_shared>>
    tpu.enqueue_indirect_dma source(%dma_start3A_191 : memref<80xf32, #tpu.memory_space<vmem>>) target(%dma_start3A_196 : memref<10240xf32, #tpu.memory_space<vmem_shared>>) offsets(%dma_start3A_194 : memref<80xi32, #tpu.memory_space<vmem>>) semaphore(%arg25 : memref<!tpu.dma_semaphore, #tpu.memory_space<semaphore_mem>>) {add = true}
    %dma_start3A_197 = arith.constant 3 : i32
    %dma_start3A_198 = arith.constant 3 : i32
    %dma_start3A_199 = arith.constant 0 : i32
    %dma_start3A_200 = arith.constant 0 : i32
    %dma_start3A_201 = tpu.memref_slice %arg7[%dma_start3A_198, %dma_start3A_199, %dma_start3A_200] : memref<4x2x80xi32, #tpu.memory_space<vmem>> -> memref<1x2x80xi32, #tpu.memory_space<vmem>>
    %dma_start3A_202 = tpu.memref_squeeze %dma_start3A_201 : memref<1x2x80xi32, #tpu.memory_space<vmem>> -> memref<2x80xi32, #tpu.memory_space<vmem>>
    %dma_start3A_203 = arith.constant 0 : i32
    %dma_start3A_204 = arith.constant 0 : i32
    %dma_start3A_205 = tpu.memref_slice %arg3[%add3A, %dma_start3A_197, %dma_start3A_203, %dma_start3A_204] : memref<32x125x2x80xi32, #tpu.memory_space<hbm>> -> memref<1x1x2x80xi32, #tpu.memory_space<hbm>>
    %dma_start3A_206 = tpu.memref_squeeze %dma_start3A_205 : memref<1x1x2x80xi32, #tpu.memory_space<hbm>> -> memref<2x80xi32, #tpu.memory_space<hbm>>
    %dma_start3A_207 = arith.constant 0 : i32
    %dma_start3A_208 = arith.constant 0 : i32
    %dma_start3A_209 = tpu.memref_slice %arg7[%dma_start3A_198, %dma_start3A_207, %dma_start3A_208] : memref<4x2x80xi32, #tpu.memory_space<vmem>> -> memref<1x2x80xi32, #tpu.memory_space<vmem>>
    %dma_start3A_210 = tpu.memref_squeeze %dma_start3A_209 : memref<1x2x80xi32, #tpu.memory_space<vmem>> -> memref<2x80xi32, #tpu.memory_space<vmem>>
    %dma_start3A_211 = arith.constant 0 : i32
    %dma_start3A_212 = arith.constant 0 : i32
    %dma_start3A_213 = tpu.memref_slice %arg3[%add3A, %dma_start3A_197, %dma_start3A_211, %dma_start3A_212] : memref<32x125x2x80xi32, #tpu.memory_space<hbm>> -> memref<1x1x2x80xi32, #tpu.memory_space<hbm>>
    %dma_start3A_214 = tpu.memref_squeeze %dma_start3A_213 : memref<1x1x2x80xi32, #tpu.memory_space<hbm>> -> memref<2x80xi32, #tpu.memory_space<hbm>>
    tpu.enqueue_dma source(%dma_start3A_214 : memref<2x80xi32, #tpu.memory_space<hbm>>) target(%dma_start3A_210 : memref<2x80xi32, #tpu.memory_space<vmem>>) target_semaphore(%arg20 : memref<!tpu.dma_semaphore, #tpu.memory_space<semaphore_mem>>)
    %dma_wait3A_215 = arith.constant 0 : i32
    %dma_wait3A_216 = arith.constant 1 : i32
    %dma_wait3A_217 = arith.constant 0 : i32
    %dma_wait3A_218 = arith.constant 0 : i32
    %dma_wait3A_219 = tpu.memref_slice %arg7[%dma_wait3A_216, %dma_wait3A_217, %dma_wait3A_218] : memref<4x2x80xi32, #tpu.memory_space<vmem>> -> memref<1x2x80xi32, #tpu.memory_space<vmem>>
    %dma_wait3A_220 = tpu.memref_squeeze %dma_wait3A_219 : memref<1x2x80xi32, #tpu.memory_space<vmem>> -> memref<2x80xi32, #tpu.memory_space<vmem>>
    %dma_wait3A_221 = arith.constant 0 : i32
    %dma_wait3A_222 = arith.constant 0 : i32
    %dma_wait3A_223 = tpu.memref_slice %arg3[%add3A, %dma_wait3A_215, %dma_wait3A_221, %dma_wait3A_222] : memref<32x125x2x80xi32, #tpu.memory_space<hbm>> -> memref<1x1x2x80xi32, #tpu.memory_space<hbm>>
    %dma_wait3A_224 = tpu.memref_squeeze %dma_wait3A_223 : memref<1x1x2x80xi32, #tpu.memory_space<hbm>> -> memref<2x80xi32, #tpu.memory_space<hbm>>
    %dma_wait3A_225 = arith.constant 0 : i32
    %dma_wait3A_226 = arith.constant 0 : i32
    %dma_wait3A_227 = tpu.memref_slice %arg7[%dma_wait3A_216, %dma_wait3A_225, %dma_wait3A_226] : memref<4x2x80xi32, #tpu.memory_space<vmem>> -> memref<1x2x80xi32, #tpu.memory_space<vmem>>
    %dma_wait3A_228 = tpu.memref_squeeze %dma_wait3A_227 : memref<1x2x80xi32, #tpu.memory_space<vmem>> -> memref<2x80xi32, #tpu.memory_space<vmem>>
    %dma_wait3A_229 = arith.constant 0 : i32
    %dma_wait3A_230 = arith.constant 0 : i32
    %dma_wait3A_231 = tpu.memref_slice %arg3[%add3A, %dma_wait3A_215, %dma_wait3A_229, %dma_wait3A_230] : memref<32x125x2x80xi32, #tpu.memory_space<hbm>> -> memref<1x1x2x80xi32, #tpu.memory_space<hbm>>
    %dma_wait3A_232 = tpu.memref_squeeze %dma_wait3A_231 : memref<1x1x2x80xi32, #tpu.memory_space<hbm>> -> memref<2x80xi32, #tpu.memory_space<hbm>>
    tpu.wait_dma2 semaphore(%arg18 : memref<!tpu.dma_semaphore, #tpu.memory_space<semaphore_mem>>) src(%dma_wait3A_232 : memref<2x80xi32, #tpu.memory_space<hbm>>) dst(%dma_wait3A_228 : memref<2x80xi32, #tpu.memory_space<vmem>>)
    %dma_start3A_233 = arith.constant 1 : i32
    %dma_start3A_234 = arith.constant 0 : i32
    %dma_start3A_235 = arith.constant 1 : i32
    %dma_start3A_236 = arith.constant 0 : i32
    %dma_start3A_237 = arith.constant 0 : i32
    %dma_start3A_238 = tpu.memref_slice %arg8[%dma_start3A_235, %dma_start3A_236, %dma_start3A_237] : memref<2x80x128xf32, #tpu.memory_space<vmem>> -> memref<1x80x128xf32, #tpu.memory_space<vmem>>
    %dma_start3A_239 = tpu.memref_squeeze %dma_start3A_238 : memref<1x80x128xf32, #tpu.memory_space<vmem>> -> memref<80x128xf32, #tpu.memory_space<vmem>>
    %dma_start3A_240 = arith.constant 0 : i32
    %dma_start3A_241 = tpu.memref_slice %arg7[%dma_start3A_233, %dma_start3A_234, %dma_start3A_240] : memref<4x2x80xi32, #tpu.memory_space<vmem>> -> memref<1x1x80xi32, #tpu.memory_space<vmem>>
    %dma_start3A_242 = tpu.memref_squeeze %dma_start3A_241 : memref<1x1x80xi32, #tpu.memory_space<vmem>> -> memref<80xi32, #tpu.memory_space<vmem>>
    %dma_start3A_243 = arith.constant 0 : i32
    %dma_start3A_244 = arith.constant 0 : i32
    %dma_start3A_245 = tpu.memref_slice %arg2[%dma_start3A_243, %dma_start3A_244] : memref<10000x128xf32, #tpu.memory_space<hbm>> -> memref<10000x128xf32, #tpu.memory_space<hbm>>
    tpu.enqueue_indirect_dma source(%dma_start3A_245 : memref<10000x128xf32, #tpu.memory_space<hbm>>) target(%dma_start3A_239 : memref<80x128xf32, #tpu.memory_space<vmem>>) offsets(%dma_start3A_242 : memref<80xi32, #tpu.memory_space<vmem>>) semaphore(%arg14 : memref<!tpu.dma_semaphore, #tpu.memory_space<semaphore_mem>>)
    %dma_start3A_246 = arith.constant 1 : i32
    %dma_start3A_247 = arith.constant 1 : i32
    %dma_start3A_248 = arith.constant 1 : i32
    %dma_start3A_249 = arith.constant 0 : i32
    %dma_start3A_250 = tpu.memref_slice %arg9[%dma_start3A_248, %dma_start3A_249] : memref<4x80xf32, #tpu.memory_space<vmem>> -> memref<1x80xf32, #tpu.memory_space<vmem>>
    %dma_start3A_251 = tpu.memref_squeeze %dma_start3A_250 : memref<1x80xf32, #tpu.memory_space<vmem>> -> memref<80xf32, #tpu.memory_space<vmem>>
    %dma_start3A_252 = arith.constant 0 : i32
    %dma_start3A_253 = tpu.memref_slice %arg7[%dma_start3A_246, %dma_start3A_247, %dma_start3A_252] : memref<4x2x80xi32, #tpu.memory_space<vmem>> -> memref<1x1x80xi32, #tpu.memory_space<vmem>>
    %dma_start3A_254 = tpu.memref_squeeze %dma_start3A_253 : memref<1x1x80xi32, #tpu.memory_space<vmem>> -> memref<80xi32, #tpu.memory_space<vmem>>
    %dma_start3A_255 = arith.constant 0 : i32
    %dma_start3A_256 = tpu.memref_slice %arg4[%dma_start3A_255] : memref<10240xf32, #tpu.memory_space<hbm>> -> memref<10240xf32, #tpu.memory_space<hbm>>
    tpu.enqueue_indirect_dma source(%dma_start3A_256 : memref<10240xf32, #tpu.memory_space<hbm>>) target(%dma_start3A_251 : memref<80xf32, #tpu.memory_space<vmem>>) offsets(%dma_start3A_254 : memref<80xi32, #tpu.memory_space<vmem>>) semaphore(%arg22 : memref<!tpu.dma_semaphore, #tpu.memory_space<semaphore_mem>>)
    %scan3A_257 = arith.constant 0 : i32
    %scan3A_258 = arith.constant 0 : i32
    %scan3A_259 = arith.constant 30 : i32
    %scan3A_260 = arith.addi %scan3A_258, %scan3A_259 : i32
    %scan3A_261 = arith.constant 1 : i32
    %scan3A_262 = scf.for %scan3A_729 = %scan3A_258 to %scan3A_260 step %scan3A_261 iter_args(%scan3A_730 = %scan3A_257) -> (i32)  : i32 {
      %mul3A_731 = arith.constant 4 : i32
      %mul3A_732 = arith.muli %mul3A_731, %scan3A_729 : i32
      %add3A_733 = arith.constant 1 : i32
      %add3A_734 = arith.addi %mul3A_732, %add3A_733 : i32
      %dma_wait3A_735 = arith.constant 0 : i32
      %dma_wait3A_736 = arith.constant 0 : i32
      %dma_wait3A_737 = arith.constant 1 : i32
      %dma_wait3A_738 = arith.constant 0 : i32
      %dma_wait3A_739 = arith.constant 0 : i32
      %dma_wait3A_740 = tpu.memref_slice %arg8[%dma_wait3A_737, %dma_wait3A_738, %dma_wait3A_739] : memref<2x80x128xf32, #tpu.memory_space<vmem>> -> memref<1x80x128xf32, #tpu.memory_space<vmem>>
      %dma_wait3A_741 = tpu.memref_squeeze %dma_wait3A_740 : memref<1x80x128xf32, #tpu.memory_space<vmem>> -> memref<80x128xf32, #tpu.memory_space<vmem>>
      %dma_wait3A_742 = arith.constant 0 : i32
      %dma_wait3A_743 = tpu.memref_slice %arg7[%dma_wait3A_735, %dma_wait3A_736, %dma_wait3A_742] : memref<4x2x80xi32, #tpu.memory_space<vmem>> -> memref<1x1x80xi32, #tpu.memory_space<vmem>>
      %dma_wait3A_744 = tpu.memref_squeeze %dma_wait3A_743 : memref<1x1x80xi32, #tpu.memory_space<vmem>> -> memref<80xi32, #tpu.memory_space<vmem>>
      %dma_wait3A_745 = arith.constant 0 : i32
      %dma_wait3A_746 = arith.constant 0 : i32
      %dma_wait3A_747 = tpu.memref_slice %arg2[%dma_wait3A_745, %dma_wait3A_746] : memref<10000x128xf32, #tpu.memory_space<hbm>> -> memref<10000x128xf32, #tpu.memory_space<hbm>>
      tpu.wait_indirect_dma semaphore(%arg14 : memref<!tpu.dma_semaphore, #tpu.memory_space<semaphore_mem>>) src(%dma_wait3A_747 : memref<10000x128xf32, #tpu.memory_space<hbm>>) dst(%dma_wait3A_741 : memref<80x128xf32, #tpu.memory_space<vmem>>)
      %dma_start3A_748 = arith.constant 1 : i32
      %dma_start3A_749 = arith.constant 1 : i32
      %dma_start3A_750 = arith.constant 1 : i32
      %dma_start3A_751 = arith.constant 0 : i32
      %dma_start3A_752 = arith.constant 0 : i32
      %dma_start3A_753 = tpu.memref_slice %arg8[%dma_start3A_748, %dma_start3A_751, %dma_start3A_752] : memref<2x80x128xf32, #tpu.memory_space<vmem>> -> memref<1x80x128xf32, #tpu.memory_space<vmem>>
      %dma_start3A_754 = tpu.memref_squeeze %dma_start3A_753 : memref<1x80x128xf32, #tpu.memory_space<vmem>> -> memref<80x128xf32, #tpu.memory_space<vmem>>
      %dma_start3A_755 = arith.constant 0 : i32
      %dma_start3A_756 = tpu.memref_slice %arg7[%dma_start3A_749, %dma_start3A_750, %dma_start3A_755] : memref<4x2x80xi32, #tpu.memory_space<vmem>> -> memref<1x1x80xi32, #tpu.memory_space<vmem>>
      %dma_start3A_757 = tpu.memref_squeeze %dma_start3A_756 : memref<1x1x80xi32, #tpu.memory_space<vmem>> -> memref<80xi32, #tpu.memory_space<vmem>>
      %dma_start3A_758 = arith.constant 0 : i32
      %dma_start3A_759 = arith.constant 0 : i32
      %dma_start3A_760 = tpu.memref_slice %arg11[%dma_start3A_758, %dma_start3A_759] : memref<10240x128xf32, #tpu.memory_space<vmem_shared>> -> memref<10240x128xf32, #tpu.memory_space<vmem_shared>>
      tpu.enqueue_indirect_dma source(%dma_start3A_754 : memref<80x128xf32, #tpu.memory_space<vmem>>) target(%dma_start3A_760 : memref<10240x128xf32, #tpu.memory_space<vmem_shared>>) offsets(%dma_start3A_757 : memref<80xi32, #tpu.memory_space<vmem>>) semaphore(%arg16 : memref<!tpu.dma_semaphore, #tpu.memory_space<semaphore_mem>>) {add = true}
      %dma_wait3A_761 = arith.constant 0 : i32
      %dma_wait3A_762 = arith.constant 1 : i32
      %dma_wait3A_763 = arith.constant 1 : i32
      %dma_wait3A_764 = arith.constant 0 : i32
      %dma_wait3A_765 = tpu.memref_slice %arg9[%dma_wait3A_763, %dma_wait3A_764] : memref<4x80xf32, #tpu.memory_space<vmem>> -> memref<1x80xf32, #tpu.memory_space<vmem>>
      %dma_wait3A_766 = tpu.memref_squeeze %dma_wait3A_765 : memref<1x80xf32, #tpu.memory_space<vmem>> -> memref<80xf32, #tpu.memory_space<vmem>>
      %dma_wait3A_767 = arith.constant 0 : i32
      %dma_wait3A_768 = tpu.memref_slice %arg7[%dma_wait3A_761, %dma_wait3A_762, %dma_wait3A_767] : memref<4x2x80xi32, #tpu.memory_space<vmem>> -> memref<1x1x80xi32, #tpu.memory_space<vmem>>
      %dma_wait3A_769 = tpu.memref_squeeze %dma_wait3A_768 : memref<1x1x80xi32, #tpu.memory_space<vmem>> -> memref<80xi32, #tpu.memory_space<vmem>>
      %dma_wait3A_770 = arith.constant 0 : i32
      %dma_wait3A_771 = tpu.memref_slice %arg4[%dma_wait3A_770] : memref<10240xf32, #tpu.memory_space<hbm>> -> memref<10240xf32, #tpu.memory_space<hbm>>
      tpu.wait_indirect_dma semaphore(%arg22 : memref<!tpu.dma_semaphore, #tpu.memory_space<semaphore_mem>>) src(%dma_wait3A_771 : memref<10240xf32, #tpu.memory_space<hbm>>) dst(%dma_wait3A_766 : memref<80xf32, #tpu.memory_space<vmem>>)
      %dma_start3A_772 = arith.constant 1 : i32
      %dma_start3A_773 = arith.constant 1 : i32
      %dma_start3A_774 = arith.constant 0 : i32
      %dma_start3A_775 = arith.constant 0 : i32
      %dma_start3A_776 = tpu.memref_slice %arg9[%dma_start3A_772, %dma_start3A_775] : memref<4x80xf32, #tpu.memory_space<vmem>> -> memref<1x80xf32, #tpu.memory_space<vmem>>
      %dma_start3A_777 = tpu.memref_squeeze %dma_start3A_776 : memref<1x80xf32, #tpu.memory_space<vmem>> -> memref<80xf32, #tpu.memory_space<vmem>>
      %dma_start3A_778 = arith.constant 0 : i32
      %dma_start3A_779 = tpu.memref_slice %arg7[%dma_start3A_773, %dma_start3A_774, %dma_start3A_778] : memref<4x2x80xi32, #tpu.memory_space<vmem>> -> memref<1x1x80xi32, #tpu.memory_space<vmem>>
      %dma_start3A_780 = tpu.memref_squeeze %dma_start3A_779 : memref<1x1x80xi32, #tpu.memory_space<vmem>> -> memref<80xi32, #tpu.memory_space<vmem>>
      %dma_start3A_781 = arith.constant 0 : i32
      %dma_start3A_782 = tpu.memref_slice %arg12[%dma_start3A_781] : memref<10240xf32, #tpu.memory_space<vmem_shared>> -> memref<10240xf32, #tpu.memory_space<vmem_shared>>
      tpu.enqueue_indirect_dma source(%dma_start3A_777 : memref<80xf32, #tpu.memory_space<vmem>>) target(%dma_start3A_782 : memref<10240xf32, #tpu.memory_space<vmem_shared>>) offsets(%dma_start3A_780 : memref<80xi32, #tpu.memory_space<vmem>>) semaphore(%arg26 : memref<!tpu.dma_semaphore, #tpu.memory_space<semaphore_mem>>) {add = true}
      %dma_wait3A_783 = arith.constant 0 : i32
      %dma_wait3A_784 = arith.constant 0 : i32
      %dma_wait3A_785 = arith.constant 1 : i32
      %dma_wait3A_786 = arith.constant 0 : i32
      %dma_wait3A_787 = arith.constant 0 : i32
      %dma_wait3A_788 = tpu.memref_slice %arg8[%dma_wait3A_783, %dma_wait3A_786, %dma_wait3A_787] : memref<2x80x128xf32, #tpu.memory_space<vmem>> -> memref<1x80x128xf32, #tpu.memory_space<vmem>>
      %dma_wait3A_789 = tpu.memref_squeeze %dma_wait3A_788 : memref<1x80x128xf32, #tpu.memory_space<vmem>> -> memref<80x128xf32, #tpu.memory_space<vmem>>
      %dma_wait3A_790 = arith.constant 0 : i32
      %dma_wait3A_791 = tpu.memref_slice %arg7[%dma_wait3A_784, %dma_wait3A_785, %dma_wait3A_790] : memref<4x2x80xi32, #tpu.memory_space<vmem>> -> memref<1x1x80xi32, #tpu.memory_space<vmem>>
      %dma_wait3A_792 = tpu.memref_squeeze %dma_wait3A_791 : memref<1x1x80xi32, #tpu.memory_space<vmem>> -> memref<80xi32, #tpu.memory_space<vmem>>
      %dma_wait3A_793 = arith.constant 0 : i32
      %dma_wait3A_794 = arith.constant 0 : i32
      %dma_wait3A_795 = tpu.memref_slice %arg11[%dma_wait3A_793, %dma_wait3A_794] : memref<10240x128xf32, #tpu.memory_space<vmem_shared>> -> memref<10240x128xf32, #tpu.memory_space<vmem_shared>>
      tpu.wait_indirect_dma semaphore(%arg15 : memref<!tpu.dma_semaphore, #tpu.memory_space<semaphore_mem>>) src(%dma_wait3A_789 : memref<80x128xf32, #tpu.memory_space<vmem>>) dst(%dma_wait3A_795 : memref<10240x128xf32, #tpu.memory_space<vmem_shared>>)
      %dma_wait3A_796 = arith.constant 0 : i32
      %dma_wait3A_797 = arith.constant 0 : i32
      %dma_wait3A_798 = arith.constant 0 : i32
      %dma_wait3A_799 = arith.constant 0 : i32
      %dma_wait3A_800 = tpu.memref_slice %arg9[%dma_wait3A_796, %dma_wait3A_799] : memref<4x80xf32, #tpu.memory_space<vmem>> -> memref<1x80xf32, #tpu.memory_space<vmem>>
      %dma_wait3A_801 = tpu.memref_squeeze %dma_wait3A_800 : memref<1x80xf32, #tpu.memory_space<vmem>> -> memref<80xf32, #tpu.memory_space<vmem>>
      %dma_wait3A_802 = arith.constant 0 : i32
      %dma_wait3A_803 = tpu.memref_slice %arg7[%dma_wait3A_797, %dma_wait3A_798, %dma_wait3A_802] : memref<4x2x80xi32, #tpu.memory_space<vmem>> -> memref<1x1x80xi32, #tpu.memory_space<vmem>>
      %dma_wait3A_804 = tpu.memref_squeeze %dma_wait3A_803 : memref<1x1x80xi32, #tpu.memory_space<vmem>> -> memref<80xi32, #tpu.memory_space<vmem>>
      %dma_wait3A_805 = arith.constant 0 : i32
      %dma_wait3A_806 = tpu.memref_slice %arg12[%dma_wait3A_805] : memref<10240xf32, #tpu.memory_space<vmem_shared>> -> memref<10240xf32, #tpu.memory_space<vmem_shared>>
      tpu.wait_indirect_dma semaphore(%arg25 : memref<!tpu.dma_semaphore, #tpu.memory_space<semaphore_mem>>) src(%dma_wait3A_801 : memref<80xf32, #tpu.memory_space<vmem>>) dst(%dma_wait3A_806 : memref<10240xf32, #tpu.memory_space<vmem_shared>>)
      %add3A_807 = arith.constant 3 : i32
      %add3A_808 = arith.addi %add3A_734, %add3A_807 : i32
      %dma_start3A_809 = arith.constant 0 : i32
      %dma_start3A_810 = arith.constant 0 : i32
      %dma_start3A_811 = arith.constant 0 : i32
      %dma_start3A_812 = tpu.memref_slice %arg7[%dma_start3A_809, %dma_start3A_810, %dma_start3A_811] : memref<4x2x80xi32, #tpu.memory_space<vmem>> -> memref<1x2x80xi32, #tpu.memory_space<vmem>>
      %dma_start3A_813 = tpu.memref_squeeze %dma_start3A_812 : memref<1x2x80xi32, #tpu.memory_space<vmem>> -> memref<2x80xi32, #tpu.memory_space<vmem>>
      %dma_start3A_814 = arith.constant 0 : i32
      %dma_start3A_815 = arith.constant 0 : i32
      %dma_start3A_816 = tpu.memref_slice %arg3[%add3A, %add3A_808, %dma_start3A_814, %dma_start3A_815] : memref<32x125x2x80xi32, #tpu.memory_space<hbm>> -> memref<1x1x2x80xi32, #tpu.memory_space<hbm>>
      %dma_start3A_817 = tpu.memref_squeeze %dma_start3A_816 : memref<1x1x2x80xi32, #tpu.memory_space<hbm>> -> memref<2x80xi32, #tpu.memory_space<hbm>>
      %dma_start3A_818 = arith.constant 0 : i32
      %dma_start3A_819 = arith.constant 0 : i32
      %dma_start3A_820 = tpu.memref_slice %arg7[%dma_start3A_809, %dma_start3A_818, %dma_start3A_819] : memref<4x2x80xi32, #tpu.memory_space<vmem>> -> memref<1x2x80xi32, #tpu.memory_space<vmem>>
      %dma_start3A_821 = tpu.memref_squeeze %dma_start3A_820 : memref<1x2x80xi32, #tpu.memory_space<vmem>> -> memref<2x80xi32, #tpu.memory_space<vmem>>
      %dma_start3A_822 = arith.constant 0 : i32
      %dma_start3A_823 = arith.constant 0 : i32
      %dma_start3A_824 = tpu.memref_slice %arg3[%add3A, %add3A_808, %dma_start3A_822, %dma_start3A_823] : memref<32x125x2x80xi32, #tpu.memory_space<hbm>> -> memref<1x1x2x80xi32, #tpu.memory_space<hbm>>
      %dma_start3A_825 = tpu.memref_squeeze %dma_start3A_824 : memref<1x1x2x80xi32, #tpu.memory_space<hbm>> -> memref<2x80xi32, #tpu.memory_space<hbm>>
      tpu.enqueue_dma source(%dma_start3A_825 : memref<2x80xi32, #tpu.memory_space<hbm>>) target(%dma_start3A_821 : memref<2x80xi32, #tpu.memory_space<vmem>>) target_semaphore(%arg17 : memref<!tpu.dma_semaphore, #tpu.memory_space<semaphore_mem>>)
      %dma_wait3A_826 = arith.constant 0 : i32
      %dma_wait3A_827 = arith.constant 2 : i32
      %dma_wait3A_828 = arith.constant 0 : i32
      %dma_wait3A_829 = arith.constant 0 : i32
      %dma_wait3A_830 = tpu.memref_slice %arg7[%dma_wait3A_827, %dma_wait3A_828, %dma_wait3A_829] : memref<4x2x80xi32, #tpu.memory_space<vmem>> -> memref<1x2x80xi32, #tpu.memory_space<vmem>>
      %dma_wait3A_831 = tpu.memref_squeeze %dma_wait3A_830 : memref<1x2x80xi32, #tpu.memory_space<vmem>> -> memref<2x80xi32, #tpu.memory_space<vmem>>
      %dma_wait3A_832 = arith.constant 0 : i32
      %dma_wait3A_833 = arith.constant 0 : i32
      %dma_wait3A_834 = tpu.memref_slice %arg3[%add3A, %dma_wait3A_826, %dma_wait3A_832, %dma_wait3A_833] : memref<32x125x2x80xi32, #tpu.memory_space<hbm>> -> memref<1x1x2x80xi32, #tpu.memory_space<hbm>>
      %dma_wait3A_835 = tpu.memref_squeeze %dma_wait3A_834 : memref<1x1x2x80xi32, #tpu.memory_space<hbm>> -> memref<2x80xi32, #tpu.memory_space<hbm>>
      %dma_wait3A_836 = arith.constant 0 : i32
      %dma_wait3A_837 = arith.constant 0 : i32
      %dma_wait3A_838 = tpu.memref_slice %arg7[%dma_wait3A_827, %dma_wait3A_836, %dma_wait3A_837] : memref<4x2x80xi32, #tpu.memory_space<vmem>> -> memref<1x2x80xi32, #tpu.memory_space<vmem>>
      %dma_wait3A_839 = tpu.memref_squeeze %dma_wait3A_838 : memref<1x2x80xi32, #tpu.memory_space<vmem>> -> memref<2x80xi32, #tpu.memory_space<vmem>>
      %dma_wait3A_840 = arith.constant 0 : i32
      %dma_wait3A_841 = arith.constant 0 : i32
      %dma_wait3A_842 = tpu.memref_slice %arg3[%add3A, %dma_wait3A_826, %dma_wait3A_840, %dma_wait3A_841] : memref<32x125x2x80xi32, #tpu.memory_space<hbm>> -> memref<1x1x2x80xi32, #tpu.memory_space<hbm>>
      %dma_wait3A_843 = tpu.memref_squeeze %dma_wait3A_842 : memref<1x1x2x80xi32, #tpu.memory_space<hbm>> -> memref<2x80xi32, #tpu.memory_space<hbm>>
      tpu.wait_dma2 semaphore(%arg19 : memref<!tpu.dma_semaphore, #tpu.memory_space<semaphore_mem>>) src(%dma_wait3A_843 : memref<2x80xi32, #tpu.memory_space<hbm>>) dst(%dma_wait3A_839 : memref<2x80xi32, #tpu.memory_space<vmem>>)
      %dma_start3A_844 = arith.constant 2 : i32
      %dma_start3A_845 = arith.constant 0 : i32
      %dma_start3A_846 = arith.constant 0 : i32
      %dma_start3A_847 = arith.constant 0 : i32
      %dma_start3A_848 = arith.constant 0 : i32
      %dma_start3A_849 = tpu.memref_slice %arg8[%dma_start3A_846, %dma_start3A_847, %dma_start3A_848] : memref<2x80x128xf32, #tpu.memory_space<vmem>> -> memref<1x80x128xf32, #tpu.memory_space<vmem>>
      %dma_start3A_850 = tpu.memref_squeeze %dma_start3A_849 : memref<1x80x128xf32, #tpu.memory_space<vmem>> -> memref<80x128xf32, #tpu.memory_space<vmem>>
      %dma_start3A_851 = arith.constant 0 : i32
      %dma_start3A_852 = tpu.memref_slice %arg7[%dma_start3A_844, %dma_start3A_845, %dma_start3A_851] : memref<4x2x80xi32, #tpu.memory_space<vmem>> -> memref<1x1x80xi32, #tpu.memory_space<vmem>>
      %dma_start3A_853 = tpu.memref_squeeze %dma_start3A_852 : memref<1x1x80xi32, #tpu.memory_space<vmem>> -> memref<80xi32, #tpu.memory_space<vmem>>
      %dma_start3A_854 = arith.constant 0 : i32
      %dma_start3A_855 = arith.constant 0 : i32
      %dma_start3A_856 = tpu.memref_slice %arg2[%dma_start3A_854, %dma_start3A_855] : memref<10000x128xf32, #tpu.memory_space<hbm>> -> memref<10000x128xf32, #tpu.memory_space<hbm>>
      tpu.enqueue_indirect_dma source(%dma_start3A_856 : memref<10000x128xf32, #tpu.memory_space<hbm>>) target(%dma_start3A_850 : memref<80x128xf32, #tpu.memory_space<vmem>>) offsets(%dma_start3A_853 : memref<80xi32, #tpu.memory_space<vmem>>) semaphore(%arg13 : memref<!tpu.dma_semaphore, #tpu.memory_space<semaphore_mem>>)
      %dma_start3A_857 = arith.constant 2 : i32
      %dma_start3A_858 = arith.constant 1 : i32
      %dma_start3A_859 = arith.constant 2 : i32
      %dma_start3A_860 = arith.constant 0 : i32
      %dma_start3A_861 = tpu.memref_slice %arg9[%dma_start3A_859, %dma_start3A_860] : memref<4x80xf32, #tpu.memory_space<vmem>> -> memref<1x80xf32, #tpu.memory_space<vmem>>
      %dma_start3A_862 = tpu.memref_squeeze %dma_start3A_861 : memref<1x80xf32, #tpu.memory_space<vmem>> -> memref<80xf32, #tpu.memory_space<vmem>>
      %dma_start3A_863 = arith.constant 0 : i32
      %dma_start3A_864 = tpu.memref_slice %arg7[%dma_start3A_857, %dma_start3A_858, %dma_start3A_863] : memref<4x2x80xi32, #tpu.memory_space<vmem>> -> memref<1x1x80xi32, #tpu.memory_space<vmem>>
      %dma_start3A_865 = tpu.memref_squeeze %dma_start3A_864 : memref<1x1x80xi32, #tpu.memory_space<vmem>> -> memref<80xi32, #tpu.memory_space<vmem>>
      %dma_start3A_866 = arith.constant 0 : i32
      %dma_start3A_867 = tpu.memref_slice %arg4[%dma_start3A_866] : memref<10240xf32, #tpu.memory_space<hbm>> -> memref<10240xf32, #tpu.memory_space<hbm>>
      tpu.enqueue_indirect_dma source(%dma_start3A_867 : memref<10240xf32, #tpu.memory_space<hbm>>) target(%dma_start3A_862 : memref<80xf32, #tpu.memory_space<vmem>>) offsets(%dma_start3A_865 : memref<80xi32, #tpu.memory_space<vmem>>) semaphore(%arg23 : memref<!tpu.dma_semaphore, #tpu.memory_space<semaphore_mem>>)
      %add3A_868 = arith.constant 1 : i32
      %add3A_869 = arith.addi %add3A_734, %add3A_868 : i32
      %dma_wait3A_870 = arith.constant 0 : i32
      %dma_wait3A_871 = arith.constant 0 : i32
      %dma_wait3A_872 = arith.constant 0 : i32
      %dma_wait3A_873 = arith.constant 0 : i32
      %dma_wait3A_874 = arith.constant 0 : i32
      %dma_wait3A_875 = tpu.memref_slice %arg8[%dma_wait3A_872, %dma_wait3A_873, %dma_wait3A_874] : memref<2x80x128xf32, #tpu.memory_space<vmem>> -> memref<1x80x128xf32, #tpu.memory_space<vmem>>
      %dma_wait3A_876 = tpu.memref_squeeze %dma_wait3A_875 : memref<1x80x128xf32, #tpu.memory_space<vmem>> -> memref<80x128xf32, #tpu.memory_space<vmem>>
      %dma_wait3A_877 = arith.constant 0 : i32
      %dma_wait3A_878 = tpu.memref_slice %arg7[%dma_wait3A_870, %dma_wait3A_871, %dma_wait3A_877] : memref<4x2x80xi32, #tpu.memory_space<vmem>> -> memref<1x1x80xi32, #tpu.memory_space<vmem>>
      %dma_wait3A_879 = tpu.memref_squeeze %dma_wait3A_878 : memref<1x1x80xi32, #tpu.memory_space<vmem>> -> memref<80xi32, #tpu.memory_space<vmem>>
      %dma_wait3A_880 = arith.constant 0 : i32
      %dma_wait3A_881 = arith.constant 0 : i32
      %dma_wait3A_882 = tpu.memref_slice %arg2[%dma_wait3A_880, %dma_wait3A_881] : memref<10000x128xf32, #tpu.memory_space<hbm>> -> memref<10000x128xf32, #tpu.memory_space<hbm>>
      tpu.wait_indirect_dma semaphore(%arg13 : memref<!tpu.dma_semaphore, #tpu.memory_space<semaphore_mem>>) src(%dma_wait3A_882 : memref<10000x128xf32, #tpu.memory_space<hbm>>) dst(%dma_wait3A_876 : memref<80x128xf32, #tpu.memory_space<vmem>>)
      %dma_start3A_883 = arith.constant 0 : i32
      %dma_start3A_884 = arith.constant 2 : i32
      %dma_start3A_885 = arith.constant 1 : i32
      %dma_start3A_886 = arith.constant 0 : i32
      %dma_start3A_887 = arith.constant 0 : i32
      %dma_start3A_888 = tpu.memref_slice %arg8[%dma_start3A_883, %dma_start3A_886, %dma_start3A_887] : memref<2x80x128xf32, #tpu.memory_space<vmem>> -> memref<1x80x128xf32, #tpu.memory_space<vmem>>
      %dma_start3A_889 = tpu.memref_squeeze %dma_start3A_888 : memref<1x80x128xf32, #tpu.memory_space<vmem>> -> memref<80x128xf32, #tpu.memory_space<vmem>>
      %dma_start3A_890 = arith.constant 0 : i32
      %dma_start3A_891 = tpu.memref_slice %arg7[%dma_start3A_884, %dma_start3A_885, %dma_start3A_890] : memref<4x2x80xi32, #tpu.memory_space<vmem>> -> memref<1x1x80xi32, #tpu.memory_space<vmem>>
      %dma_start3A_892 = tpu.memref_squeeze %dma_start3A_891 : memref<1x1x80xi32, #tpu.memory_space<vmem>> -> memref<80xi32, #tpu.memory_space<vmem>>
      %dma_start3A_893 = arith.constant 0 : i32
      %dma_start3A_894 = arith.constant 0 : i32
      %dma_start3A_895 = tpu.memref_slice %arg11[%dma_start3A_893, %dma_start3A_894] : memref<10240x128xf32, #tpu.memory_space<vmem_shared>> -> memref<10240x128xf32, #tpu.memory_space<vmem_shared>>
      tpu.enqueue_indirect_dma source(%dma_start3A_889 : memref<80x128xf32, #tpu.memory_space<vmem>>) target(%dma_start3A_895 : memref<10240x128xf32, #tpu.memory_space<vmem_shared>>) offsets(%dma_start3A_892 : memref<80xi32, #tpu.memory_space<vmem>>) semaphore(%arg15 : memref<!tpu.dma_semaphore, #tpu.memory_space<semaphore_mem>>) {add = true}
      %dma_wait3A_896 = arith.constant 0 : i32
      %dma_wait3A_897 = arith.constant 1 : i32
      %dma_wait3A_898 = arith.constant 2 : i32
      %dma_wait3A_899 = arith.constant 0 : i32
      %dma_wait3A_900 = tpu.memref_slice %arg9[%dma_wait3A_898, %dma_wait3A_899] : memref<4x80xf32, #tpu.memory_space<vmem>> -> memref<1x80xf32, #tpu.memory_space<vmem>>
      %dma_wait3A_901 = tpu.memref_squeeze %dma_wait3A_900 : memref<1x80xf32, #tpu.memory_space<vmem>> -> memref<80xf32, #tpu.memory_space<vmem>>
      %dma_wait3A_902 = arith.constant 0 : i32
      %dma_wait3A_903 = tpu.memref_slice %arg7[%dma_wait3A_896, %dma_wait3A_897, %dma_wait3A_902] : memref<4x2x80xi32, #tpu.memory_space<vmem>> -> memref<1x1x80xi32, #tpu.memory_space<vmem>>
      %dma_wait3A_904 = tpu.memref_squeeze %dma_wait3A_903 : memref<1x1x80xi32, #tpu.memory_space<vmem>> -> memref<80xi32, #tpu.memory_space<vmem>>
      %dma_wait3A_905 = arith.constant 0 : i32
      %dma_wait3A_906 = tpu.memref_slice %arg4[%dma_wait3A_905] : memref<10240xf32, #tpu.memory_space<hbm>> -> memref<10240xf32, #tpu.memory_space<hbm>>
      tpu.wait_indirect_dma semaphore(%arg23 : memref<!tpu.dma_semaphore, #tpu.memory_space<semaphore_mem>>) src(%dma_wait3A_906 : memref<10240xf32, #tpu.memory_space<hbm>>) dst(%dma_wait3A_901 : memref<80xf32, #tpu.memory_space<vmem>>)
      %dma_start3A_907 = arith.constant 2 : i32
      %dma_start3A_908 = arith.constant 2 : i32
      %dma_start3A_909 = arith.constant 0 : i32
      %dma_start3A_910 = arith.constant 0 : i32
      %dma_start3A_911 = tpu.memref_slice %arg9[%dma_start3A_907, %dma_start3A_910] : memref<4x80xf32, #tpu.memory_space<vmem>> -> memref<1x80xf32, #tpu.memory_space<vmem>>
      %dma_start3A_912 = tpu.memref_squeeze %dma_start3A_911 : memref<1x80xf32, #tpu.memory_space<vmem>> -> memref<80xf32, #tpu.memory_space<vmem>>
      %dma_start3A_913 = arith.constant 0 : i32
      %dma_start3A_914 = tpu.memref_slice %arg7[%dma_start3A_908, %dma_start3A_909, %dma_start3A_913] : memref<4x2x80xi32, #tpu.memory_space<vmem>> -> memref<1x1x80xi32, #tpu.memory_space<vmem>>
      %dma_start3A_915 = tpu.memref_squeeze %dma_start3A_914 : memref<1x1x80xi32, #tpu.memory_space<vmem>> -> memref<80xi32, #tpu.memory_space<vmem>>
      %dma_start3A_916 = arith.constant 0 : i32
      %dma_start3A_917 = tpu.memref_slice %arg12[%dma_start3A_916] : memref<10240xf32, #tpu.memory_space<vmem_shared>> -> memref<10240xf32, #tpu.memory_space<vmem_shared>>
      tpu.enqueue_indirect_dma source(%dma_start3A_912 : memref<80xf32, #tpu.memory_space<vmem>>) target(%dma_start3A_917 : memref<10240xf32, #tpu.memory_space<vmem_shared>>) offsets(%dma_start3A_915 : memref<80xi32, #tpu.memory_space<vmem>>) semaphore(%arg25 : memref<!tpu.dma_semaphore, #tpu.memory_space<semaphore_mem>>) {add = true}
      %dma_wait3A_918 = arith.constant 1 : i32
      %dma_wait3A_919 = arith.constant 0 : i32
      %dma_wait3A_920 = arith.constant 1 : i32
      %dma_wait3A_921 = arith.constant 0 : i32
      %dma_wait3A_922 = arith.constant 0 : i32
      %dma_wait3A_923 = tpu.memref_slice %arg8[%dma_wait3A_918, %dma_wait3A_921, %dma_wait3A_922] : memref<2x80x128xf32, #tpu.memory_space<vmem>> -> memref<1x80x128xf32, #tpu.memory_space<vmem>>
      %dma_wait3A_924 = tpu.memref_squeeze %dma_wait3A_923 : memref<1x80x128xf32, #tpu.memory_space<vmem>> -> memref<80x128xf32, #tpu.memory_space<vmem>>
      %dma_wait3A_925 = arith.constant 0 : i32
      %dma_wait3A_926 = tpu.memref_slice %arg7[%dma_wait3A_919, %dma_wait3A_920, %dma_wait3A_925] : memref<4x2x80xi32, #tpu.memory_space<vmem>> -> memref<1x1x80xi32, #tpu.memory_space<vmem>>
      %dma_wait3A_927 = tpu.memref_squeeze %dma_wait3A_926 : memref<1x1x80xi32, #tpu.memory_space<vmem>> -> memref<80xi32, #tpu.memory_space<vmem>>
      %dma_wait3A_928 = arith.constant 0 : i32
      %dma_wait3A_929 = arith.constant 0 : i32
      %dma_wait3A_930 = tpu.memref_slice %arg11[%dma_wait3A_928, %dma_wait3A_929] : memref<10240x128xf32, #tpu.memory_space<vmem_shared>> -> memref<10240x128xf32, #tpu.memory_space<vmem_shared>>
      tpu.wait_indirect_dma semaphore(%arg16 : memref<!tpu.dma_semaphore, #tpu.memory_space<semaphore_mem>>) src(%dma_wait3A_924 : memref<80x128xf32, #tpu.memory_space<vmem>>) dst(%dma_wait3A_930 : memref<10240x128xf32, #tpu.memory_space<vmem_shared>>)
      %dma_wait3A_931 = arith.constant 0 : i32
      %dma_wait3A_932 = arith.constant 0 : i32
      %dma_wait3A_933 = arith.constant 0 : i32
      %dma_wait3A_934 = arith.constant 0 : i32
      %dma_wait3A_935 = tpu.memref_slice %arg9[%dma_wait3A_931, %dma_wait3A_934] : memref<4x80xf32, #tpu.memory_space<vmem>> -> memref<1x80xf32, #tpu.memory_space<vmem>>
      %dma_wait3A_936 = tpu.memref_squeeze %dma_wait3A_935 : memref<1x80xf32, #tpu.memory_space<vmem>> -> memref<80xf32, #tpu.memory_space<vmem>>
      %dma_wait3A_937 = arith.constant 0 : i32
      %dma_wait3A_938 = tpu.memref_slice %arg7[%dma_wait3A_932, %dma_wait3A_933, %dma_wait3A_937] : memref<4x2x80xi32, #tpu.memory_space<vmem>> -> memref<1x1x80xi32, #tpu.memory_space<vmem>>
      %dma_wait3A_939 = tpu.memref_squeeze %dma_wait3A_938 : memref<1x1x80xi32, #tpu.memory_space<vmem>> -> memref<80xi32, #tpu.memory_space<vmem>>
      %dma_wait3A_940 = arith.constant 0 : i32
      %dma_wait3A_941 = tpu.memref_slice %arg12[%dma_wait3A_940] : memref<10240xf32, #tpu.memory_space<vmem_shared>> -> memref<10240xf32, #tpu.memory_space<vmem_shared>>
      tpu.wait_indirect_dma semaphore(%arg26 : memref<!tpu.dma_semaphore, #tpu.memory_space<semaphore_mem>>) src(%dma_wait3A_936 : memref<80xf32, #tpu.memory_space<vmem>>) dst(%dma_wait3A_941 : memref<10240xf32, #tpu.memory_space<vmem_shared>>)
      %add3A_942 = arith.constant 3 : i32
      %add3A_943 = arith.addi %add3A_869, %add3A_942 : i32
      %dma_start3A_944 = arith.constant 1 : i32
      %dma_start3A_945 = arith.constant 0 : i32
      %dma_start3A_946 = arith.constant 0 : i32
      %dma_start3A_947 = tpu.memref_slice %arg7[%dma_start3A_944, %dma_start3A_945, %dma_start3A_946] : memref<4x2x80xi32, #tpu.memory_space<vmem>> -> memref<1x2x80xi32, #tpu.memory_space<vmem>>
      %dma_start3A_948 = tpu.memref_squeeze %dma_start3A_947 : memref<1x2x80xi32, #tpu.memory_space<vmem>> -> memref<2x80xi32, #tpu.memory_space<vmem>>
      %dma_start3A_949 = arith.constant 0 : i32
      %dma_start3A_950 = arith.constant 0 : i32
      %dma_start3A_951 = tpu.memref_slice %arg3[%add3A, %add3A_943, %dma_start3A_949, %dma_start3A_950] : memref<32x125x2x80xi32, #tpu.memory_space<hbm>> -> memref<1x1x2x80xi32, #tpu.memory_space<hbm>>
      %dma_start3A_952 = tpu.memref_squeeze %dma_start3A_951 : memref<1x1x2x80xi32, #tpu.memory_space<hbm>> -> memref<2x80xi32, #tpu.memory_space<hbm>>
      %dma_start3A_953 = arith.constant 0 : i32
      %dma_start3A_954 = arith.constant 0 : i32
      %dma_start3A_955 = tpu.memref_slice %arg7[%dma_start3A_944, %dma_start3A_953, %dma_start3A_954] : memref<4x2x80xi32, #tpu.memory_space<vmem>> -> memref<1x2x80xi32, #tpu.memory_space<vmem>>
      %dma_start3A_956 = tpu.memref_squeeze %dma_start3A_955 : memref<1x2x80xi32, #tpu.memory_space<vmem>> -> memref<2x80xi32, #tpu.memory_space<vmem>>
      %dma_start3A_957 = arith.constant 0 : i32
      %dma_start3A_958 = arith.constant 0 : i32
      %dma_start3A_959 = tpu.memref_slice %arg3[%add3A, %add3A_943, %dma_start3A_957, %dma_start3A_958] : memref<32x125x2x80xi32, #tpu.memory_space<hbm>> -> memref<1x1x2x80xi32, #tpu.memory_space<hbm>>
      %dma_start3A_960 = tpu.memref_squeeze %dma_start3A_959 : memref<1x1x2x80xi32, #tpu.memory_space<hbm>> -> memref<2x80xi32, #tpu.memory_space<hbm>>
      tpu.enqueue_dma source(%dma_start3A_960 : memref<2x80xi32, #tpu.memory_space<hbm>>) target(%dma_start3A_956 : memref<2x80xi32, #tpu.memory_space<vmem>>) target_semaphore(%arg18 : memref<!tpu.dma_semaphore, #tpu.memory_space<semaphore_mem>>)
      %dma_wait3A_961 = arith.constant 0 : i32
      %dma_wait3A_962 = arith.constant 3 : i32
      %dma_wait3A_963 = arith.constant 0 : i32
      %dma_wait3A_964 = arith.constant 0 : i32
      %dma_wait3A_965 = tpu.memref_slice %arg7[%dma_wait3A_962, %dma_wait3A_963, %dma_wait3A_964] : memref<4x2x80xi32, #tpu.memory_space<vmem>> -> memref<1x2x80xi32, #tpu.memory_space<vmem>>
      %dma_wait3A_966 = tpu.memref_squeeze %dma_wait3A_965 : memref<1x2x80xi32, #tpu.memory_space<vmem>> -> memref<2x80xi32, #tpu.memory_space<vmem>>
      %dma_wait3A_967 = arith.constant 0 : i32
      %dma_wait3A_968 = arith.constant 0 : i32
      %dma_wait3A_969 = tpu.memref_slice %arg3[%add3A, %dma_wait3A_961, %dma_wait3A_967, %dma_wait3A_968] : memref<32x125x2x80xi32, #tpu.memory_space<hbm>> -> memref<1x1x2x80xi32, #tpu.memory_space<hbm>>
      %dma_wait3A_970 = tpu.memref_squeeze %dma_wait3A_969 : memref<1x1x2x80xi32, #tpu.memory_space<hbm>> -> memref<2x80xi32, #tpu.memory_space<hbm>>
      %dma_wait3A_971 = arith.constant 0 : i32
      %dma_wait3A_972 = arith.constant 0 : i32
      %dma_wait3A_973 = tpu.memref_slice %arg7[%dma_wait3A_962, %dma_wait3A_971, %dma_wait3A_972] : memref<4x2x80xi32, #tpu.memory_space<vmem>> -> memref<1x2x80xi32, #tpu.memory_space<vmem>>
      %dma_wait3A_974 = tpu.memref_squeeze %dma_wait3A_973 : memref<1x2x80xi32, #tpu.memory_space<vmem>> -> memref<2x80xi32, #tpu.memory_space<vmem>>
      %dma_wait3A_975 = arith.constant 0 : i32
      %dma_wait3A_976 = arith.constant 0 : i32
      %dma_wait3A_977 = tpu.memref_slice %arg3[%add3A, %dma_wait3A_961, %dma_wait3A_975, %dma_wait3A_976] : memref<32x125x2x80xi32, #tpu.memory_space<hbm>> -> memref<1x1x2x80xi32, #tpu.memory_space<hbm>>
      %dma_wait3A_978 = tpu.memref_squeeze %dma_wait3A_977 : memref<1x1x2x80xi32, #tpu.memory_space<hbm>> -> memref<2x80xi32, #tpu.memory_space<hbm>>
      tpu.wait_dma2 semaphore(%arg20 : memref<!tpu.dma_semaphore, #tpu.memory_space<semaphore_mem>>) src(%dma_wait3A_978 : memref<2x80xi32, #tpu.memory_space<hbm>>) dst(%dma_wait3A_974 : memref<2x80xi32, #tpu.memory_space<vmem>>)
      %dma_start3A_979 = arith.constant 3 : i32
      %dma_start3A_980 = arith.constant 0 : i32
      %dma_start3A_981 = arith.constant 1 : i32
      %dma_start3A_982 = arith.constant 0 : i32
      %dma_start3A_983 = arith.constant 0 : i32
      %dma_start3A_984 = tpu.memref_slice %arg8[%dma_start3A_981, %dma_start3A_982, %dma_start3A_983] : memref<2x80x128xf32, #tpu.memory_space<vmem>> -> memref<1x80x128xf32, #tpu.memory_space<vmem>>
      %dma_start3A_985 = tpu.memref_squeeze %dma_start3A_984 : memref<1x80x128xf32, #tpu.memory_space<vmem>> -> memref<80x128xf32, #tpu.memory_space<vmem>>
      %dma_start3A_986 = arith.constant 0 : i32
      %dma_start3A_987 = tpu.memref_slice %arg7[%dma_start3A_979, %dma_start3A_980, %dma_start3A_986] : memref<4x2x80xi32, #tpu.memory_space<vmem>> -> memref<1x1x80xi32, #tpu.memory_space<vmem>>
      %dma_start3A_988 = tpu.memref_squeeze %dma_start3A_987 : memref<1x1x80xi32, #tpu.memory_space<vmem>> -> memref<80xi32, #tpu.memory_space<vmem>>
      %dma_start3A_989 = arith.constant 0 : i32
      %dma_start3A_990 = arith.constant 0 : i32
      %dma_start3A_991 = tpu.memref_slice %arg2[%dma_start3A_989, %dma_start3A_990] : memref<10000x128xf32, #tpu.memory_space<hbm>> -> memref<10000x128xf32, #tpu.memory_space<hbm>>
      tpu.enqueue_indirect_dma source(%dma_start3A_991 : memref<10000x128xf32, #tpu.memory_space<hbm>>) target(%dma_start3A_985 : memref<80x128xf32, #tpu.memory_space<vmem>>) offsets(%dma_start3A_988 : memref<80xi32, #tpu.memory_space<vmem>>) semaphore(%arg14 : memref<!tpu.dma_semaphore, #tpu.memory_space<semaphore_mem>>)
      %dma_start3A_992 = arith.constant 3 : i32
      %dma_start3A_993 = arith.constant 1 : i32
      %dma_start3A_994 = arith.constant 3 : i32
      %dma_start3A_995 = arith.constant 0 : i32
      %dma_start3A_996 = tpu.memref_slice %arg9[%dma_start3A_994, %dma_start3A_995] : memref<4x80xf32, #tpu.memory_space<vmem>> -> memref<1x80xf32, #tpu.memory_space<vmem>>
      %dma_start3A_997 = tpu.memref_squeeze %dma_start3A_996 : memref<1x80xf32, #tpu.memory_space<vmem>> -> memref<80xf32, #tpu.memory_space<vmem>>
      %dma_start3A_998 = arith.constant 0 : i32
      %dma_start3A_999 = tpu.memref_slice %arg7[%dma_start3A_992, %dma_start3A_993, %dma_start3A_998] : memref<4x2x80xi32, #tpu.memory_space<vmem>> -> memref<1x1x80xi32, #tpu.memory_space<vmem>>
      %dma_start3A_1000 = tpu.memref_squeeze %dma_start3A_999 : memref<1x1x80xi32, #tpu.memory_space<vmem>> -> memref<80xi32, #tpu.memory_space<vmem>>
      %dma_start3A_1001 = arith.constant 0 : i32
      %dma_start3A_1002 = tpu.memref_slice %arg4[%dma_start3A_1001] : memref<10240xf32, #tpu.memory_space<hbm>> -> memref<10240xf32, #tpu.memory_space<hbm>>
      tpu.enqueue_indirect_dma source(%dma_start3A_1002 : memref<10240xf32, #tpu.memory_space<hbm>>) target(%dma_start3A_997 : memref<80xf32, #tpu.memory_space<vmem>>) offsets(%dma_start3A_1000 : memref<80xi32, #tpu.memory_space<vmem>>) semaphore(%arg24 : memref<!tpu.dma_semaphore, #tpu.memory_space<semaphore_mem>>)
      %add3A_1003 = arith.constant 2 : i32
      %add3A_1004 = arith.addi %add3A_734, %add3A_1003 : i32
      %dma_wait3A_1005 = arith.constant 0 : i32
      %dma_wait3A_1006 = arith.constant 0 : i32
      %dma_wait3A_1007 = arith.constant 1 : i32
      %dma_wait3A_1008 = arith.constant 0 : i32
      %dma_wait3A_1009 = arith.constant 0 : i32
      %dma_wait3A_1010 = tpu.memref_slice %arg8[%dma_wait3A_1007, %dma_wait3A_1008, %dma_wait3A_1009] : memref<2x80x128xf32, #tpu.memory_space<vmem>> -> memref<1x80x128xf32, #tpu.memory_space<vmem>>
      %dma_wait3A_1011 = tpu.memref_squeeze %dma_wait3A_1010 : memref<1x80x128xf32, #tpu.memory_space<vmem>> -> memref<80x128xf32, #tpu.memory_space<vmem>>
      %dma_wait3A_1012 = arith.constant 0 : i32
      %dma_wait3A_1013 = tpu.memref_slice %arg7[%dma_wait3A_1005, %dma_wait3A_1006, %dma_wait3A_1012] : memref<4x2x80xi32, #tpu.memory_space<vmem>> -> memref<1x1x80xi32, #tpu.memory_space<vmem>>
      %dma_wait3A_1014 = tpu.memref_squeeze %dma_wait3A_1013 : memref<1x1x80xi32, #tpu.memory_space<vmem>> -> memref<80xi32, #tpu.memory_space<vmem>>
      %dma_wait3A_1015 = arith.constant 0 : i32
      %dma_wait3A_1016 = arith.constant 0 : i32
      %dma_wait3A_1017 = tpu.memref_slice %arg2[%dma_wait3A_1015, %dma_wait3A_1016] : memref<10000x128xf32, #tpu.memory_space<hbm>> -> memref<10000x128xf32, #tpu.memory_space<hbm>>
      tpu.wait_indirect_dma semaphore(%arg14 : memref<!tpu.dma_semaphore, #tpu.memory_space<semaphore_mem>>) src(%dma_wait3A_1017 : memref<10000x128xf32, #tpu.memory_space<hbm>>) dst(%dma_wait3A_1011 : memref<80x128xf32, #tpu.memory_space<vmem>>)
      %dma_start3A_1018 = arith.constant 1 : i32
      %dma_start3A_1019 = arith.constant 3 : i32
      %dma_start3A_1020 = arith.constant 1 : i32
      %dma_start3A_1021 = arith.constant 0 : i32
      %dma_start3A_1022 = arith.constant 0 : i32
      %dma_start3A_1023 = tpu.memref_slice %arg8[%dma_start3A_1018, %dma_start3A_1021, %dma_start3A_1022] : memref<2x80x128xf32, #tpu.memory_space<vmem>> -> memref<1x80x128xf32, #tpu.memory_space<vmem>>
      %dma_start3A_1024 = tpu.memref_squeeze %dma_start3A_1023 : memref<1x80x128xf32, #tpu.memory_space<vmem>> -> memref<80x128xf32, #tpu.memory_space<vmem>>
      %dma_start3A_1025 = arith.constant 0 : i32
      %dma_start3A_1026 = tpu.memref_slice %arg7[%dma_start3A_1019, %dma_start3A_1020, %dma_start3A_1025] : memref<4x2x80xi32, #tpu.memory_space<vmem>> -> memref<1x1x80xi32, #tpu.memory_space<vmem>>
      %dma_start3A_1027 = tpu.memref_squeeze %dma_start3A_1026 : memref<1x1x80xi32, #tpu.memory_space<vmem>> -> memref<80xi32, #tpu.memory_space<vmem>>
      %dma_start3A_1028 = arith.constant 0 : i32
      %dma_start3A_1029 = arith.constant 0 : i32
      %dma_start3A_1030 = tpu.memref_slice %arg11[%dma_start3A_1028, %dma_start3A_1029] : memref<10240x128xf32, #tpu.memory_space<vmem_shared>> -> memref<10240x128xf32, #tpu.memory_space<vmem_shared>>
      tpu.enqueue_indirect_dma source(%dma_start3A_1024 : memref<80x128xf32, #tpu.memory_space<vmem>>) target(%dma_start3A_1030 : memref<10240x128xf32, #tpu.memory_space<vmem_shared>>) offsets(%dma_start3A_1027 : memref<80xi32, #tpu.memory_space<vmem>>) semaphore(%arg16 : memref<!tpu.dma_semaphore, #tpu.memory_space<semaphore_mem>>) {add = true}
      %dma_wait3A_1031 = arith.constant 0 : i32
      %dma_wait3A_1032 = arith.constant 1 : i32
      %dma_wait3A_1033 = arith.constant 3 : i32
      %dma_wait3A_1034 = arith.constant 0 : i32
      %dma_wait3A_1035 = tpu.memref_slice %arg9[%dma_wait3A_1033, %dma_wait3A_1034] : memref<4x80xf32, #tpu.memory_space<vmem>> -> memref<1x80xf32, #tpu.memory_space<vmem>>
      %dma_wait3A_1036 = tpu.memref_squeeze %dma_wait3A_1035 : memref<1x80xf32, #tpu.memory_space<vmem>> -> memref<80xf32, #tpu.memory_space<vmem>>
      %dma_wait3A_1037 = arith.constant 0 : i32
      %dma_wait3A_1038 = tpu.memref_slice %arg7[%dma_wait3A_1031, %dma_wait3A_1032, %dma_wait3A_1037] : memref<4x2x80xi32, #tpu.memory_space<vmem>> -> memref<1x1x80xi32, #tpu.memory_space<vmem>>
      %dma_wait3A_1039 = tpu.memref_squeeze %dma_wait3A_1038 : memref<1x1x80xi32, #tpu.memory_space<vmem>> -> memref<80xi32, #tpu.memory_space<vmem>>
      %dma_wait3A_1040 = arith.constant 0 : i32
      %dma_wait3A_1041 = tpu.memref_slice %arg4[%dma_wait3A_1040] : memref<10240xf32, #tpu.memory_space<hbm>> -> memref<10240xf32, #tpu.memory_space<hbm>>
      tpu.wait_indirect_dma semaphore(%arg24 : memref<!tpu.dma_semaphore, #tpu.memory_space<semaphore_mem>>) src(%dma_wait3A_1041 : memref<10240xf32, #tpu.memory_space<hbm>>) dst(%dma_wait3A_1036 : memref<80xf32, #tpu.memory_space<vmem>>)
      %dma_start3A_1042 = arith.constant 3 : i32
      %dma_start3A_1043 = arith.constant 3 : i32
      %dma_start3A_1044 = arith.constant 0 : i32
      %dma_start3A_1045 = arith.constant 0 : i32
      %dma_start3A_1046 = tpu.memref_slice %arg9[%dma_start3A_1042, %dma_start3A_1045] : memref<4x80xf32, #tpu.memory_space<vmem>> -> memref<1x80xf32, #tpu.memory_space<vmem>>
      %dma_start3A_1047 = tpu.memref_squeeze %dma_start3A_1046 : memref<1x80xf32, #tpu.memory_space<vmem>> -> memref<80xf32, #tpu.memory_space<vmem>>
      %dma_start3A_1048 = arith.constant 0 : i32
      %dma_start3A_1049 = tpu.memref_slice %arg7[%dma_start3A_1043, %dma_start3A_1044, %dma_start3A_1048] : memref<4x2x80xi32, #tpu.memory_space<vmem>> -> memref<1x1x80xi32, #tpu.memory_space<vmem>>
      %dma_start3A_1050 = tpu.memref_squeeze %dma_start3A_1049 : memref<1x1x80xi32, #tpu.memory_space<vmem>> -> memref<80xi32, #tpu.memory_space<vmem>>
      %dma_start3A_1051 = arith.constant 0 : i32
      %dma_start3A_1052 = tpu.memref_slice %arg12[%dma_start3A_1051] : memref<10240xf32, #tpu.memory_space<vmem_shared>> -> memref<10240xf32, #tpu.memory_space<vmem_shared>>
      tpu.enqueue_indirect_dma source(%dma_start3A_1047 : memref<80xf32, #tpu.memory_space<vmem>>) target(%dma_start3A_1052 : memref<10240xf32, #tpu.memory_space<vmem_shared>>) offsets(%dma_start3A_1050 : memref<80xi32, #tpu.memory_space<vmem>>) semaphore(%arg26 : memref<!tpu.dma_semaphore, #tpu.memory_space<semaphore_mem>>) {add = true}
      %dma_wait3A_1053 = arith.constant 0 : i32
      %dma_wait3A_1054 = arith.constant 0 : i32
      %dma_wait3A_1055 = arith.constant 1 : i32
      %dma_wait3A_1056 = arith.constant 0 : i32
      %dma_wait3A_1057 = arith.constant 0 : i32
      %dma_wait3A_1058 = tpu.memref_slice %arg8[%dma_wait3A_1053, %dma_wait3A_1056, %dma_wait3A_1057] : memref<2x80x128xf32, #tpu.memory_space<vmem>> -> memref<1x80x128xf32, #tpu.memory_space<vmem>>
      %dma_wait3A_1059 = tpu.memref_squeeze %dma_wait3A_1058 : memref<1x80x128xf32, #tpu.memory_space<vmem>> -> memref<80x128xf32, #tpu.memory_space<vmem>>
      %dma_wait3A_1060 = arith.constant 0 : i32
      %dma_wait3A_1061 = tpu.memref_slice %arg7[%dma_wait3A_1054, %dma_wait3A_1055, %dma_wait3A_1060] : memref<4x2x80xi32, #tpu.memory_space<vmem>> -> memref<1x1x80xi32, #tpu.memory_space<vmem>>
      %dma_wait3A_1062 = tpu.memref_squeeze %dma_wait3A_1061 : memref<1x1x80xi32, #tpu.memory_space<vmem>> -> memref<80xi32, #tpu.memory_space<vmem>>
      %dma_wait3A_1063 = arith.constant 0 : i32
      %dma_wait3A_1064 = arith.constant 0 : i32
      %dma_wait3A_1065 = tpu.memref_slice %arg11[%dma_wait3A_1063, %dma_wait3A_1064] : memref<10240x128xf32, #tpu.memory_space<vmem_shared>> -> memref<10240x128xf32, #tpu.memory_space<vmem_shared>>
      tpu.wait_indirect_dma semaphore(%arg15 : memref<!tpu.dma_semaphore, #tpu.memory_space<semaphore_mem>>) src(%dma_wait3A_1059 : memref<80x128xf32, #tpu.memory_space<vmem>>) dst(%dma_wait3A_1065 : memref<10240x128xf32, #tpu.memory_space<vmem_shared>>)
      %dma_wait3A_1066 = arith.constant 0 : i32
      %dma_wait3A_1067 = arith.constant 0 : i32
      %dma_wait3A_1068 = arith.constant 0 : i32
      %dma_wait3A_1069 = arith.constant 0 : i32
      %dma_wait3A_1070 = tpu.memref_slice %arg9[%dma_wait3A_1066, %dma_wait3A_1069] : memref<4x80xf32, #tpu.memory_space<vmem>> -> memref<1x80xf32, #tpu.memory_space<vmem>>
      %dma_wait3A_1071 = tpu.memref_squeeze %dma_wait3A_1070 : memref<1x80xf32, #tpu.memory_space<vmem>> -> memref<80xf32, #tpu.memory_space<vmem>>
      %dma_wait3A_1072 = arith.constant 0 : i32
      %dma_wait3A_1073 = tpu.memref_slice %arg7[%dma_wait3A_1067, %dma_wait3A_1068, %dma_wait3A_1072] : memref<4x2x80xi32, #tpu.memory_space<vmem>> -> memref<1x1x80xi32, #tpu.memory_space<vmem>>
      %dma_wait3A_1074 = tpu.memref_squeeze %dma_wait3A_1073 : memref<1x1x80xi32, #tpu.memory_space<vmem>> -> memref<80xi32, #tpu.memory_space<vmem>>
      %dma_wait3A_1075 = arith.constant 0 : i32
      %dma_wait3A_1076 = tpu.memref_slice %arg12[%dma_wait3A_1075] : memref<10240xf32, #tpu.memory_space<vmem_shared>> -> memref<10240xf32, #tpu.memory_space<vmem_shared>>
      tpu.wait_indirect_dma semaphore(%arg25 : memref<!tpu.dma_semaphore, #tpu.memory_space<semaphore_mem>>) src(%dma_wait3A_1071 : memref<80xf32, #tpu.memory_space<vmem>>) dst(%dma_wait3A_1076 : memref<10240xf32, #tpu.memory_space<vmem_shared>>)
      %add3A_1077 = arith.constant 3 : i32
      %add3A_1078 = arith.addi %add3A_1004, %add3A_1077 : i32
      %dma_start3A_1079 = arith.constant 2 : i32
      %dma_start3A_1080 = arith.constant 0 : i32
      %dma_start3A_1081 = arith.constant 0 : i32
      %dma_start3A_1082 = tpu.memref_slice %arg7[%dma_start3A_1079, %dma_start3A_1080, %dma_start3A_1081] : memref<4x2x80xi32, #tpu.memory_space<vmem>> -> memref<1x2x80xi32, #tpu.memory_space<vmem>>
      %dma_start3A_1083 = tpu.memref_squeeze %dma_start3A_1082 : memref<1x2x80xi32, #tpu.memory_space<vmem>> -> memref<2x80xi32, #tpu.memory_space<vmem>>
      %dma_start3A_1084 = arith.constant 0 : i32
      %dma_start3A_1085 = arith.constant 0 : i32
      %dma_start3A_1086 = tpu.memref_slice %arg3[%add3A, %add3A_1078, %dma_start3A_1084, %dma_start3A_1085] : memref<32x125x2x80xi32, #tpu.memory_space<hbm>> -> memref<1x1x2x80xi32, #tpu.memory_space<hbm>>
      %dma_start3A_1087 = tpu.memref_squeeze %dma_start3A_1086 : memref<1x1x2x80xi32, #tpu.memory_space<hbm>> -> memref<2x80xi32, #tpu.memory_space<hbm>>
      %dma_start3A_1088 = arith.constant 0 : i32
      %dma_start3A_1089 = arith.constant 0 : i32
      %dma_start3A_1090 = tpu.memref_slice %arg7[%dma_start3A_1079, %dma_start3A_1088, %dma_start3A_1089] : memref<4x2x80xi32, #tpu.memory_space<vmem>> -> memref<1x2x80xi32, #tpu.memory_space<vmem>>
      %dma_start3A_1091 = tpu.memref_squeeze %dma_start3A_1090 : memref<1x2x80xi32, #tpu.memory_space<vmem>> -> memref<2x80xi32, #tpu.memory_space<vmem>>
      %dma_start3A_1092 = arith.constant 0 : i32
      %dma_start3A_1093 = arith.constant 0 : i32
      %dma_start3A_1094 = tpu.memref_slice %arg3[%add3A, %add3A_1078, %dma_start3A_1092, %dma_start3A_1093] : memref<32x125x2x80xi32, #tpu.memory_space<hbm>> -> memref<1x1x2x80xi32, #tpu.memory_space<hbm>>
      %dma_start3A_1095 = tpu.memref_squeeze %dma_start3A_1094 : memref<1x1x2x80xi32, #tpu.memory_space<hbm>> -> memref<2x80xi32, #tpu.memory_space<hbm>>
      tpu.enqueue_dma source(%dma_start3A_1095 : memref<2x80xi32, #tpu.memory_space<hbm>>) target(%dma_start3A_1091 : memref<2x80xi32, #tpu.memory_space<vmem>>) target_semaphore(%arg19 : memref<!tpu.dma_semaphore, #tpu.memory_space<semaphore_mem>>)
      %dma_wait3A_1096 = arith.constant 0 : i32
      %dma_wait3A_1097 = arith.constant 0 : i32
      %dma_wait3A_1098 = arith.constant 0 : i32
      %dma_wait3A_1099 = arith.constant 0 : i32
      %dma_wait3A_1100 = tpu.memref_slice %arg7[%dma_wait3A_1097, %dma_wait3A_1098, %dma_wait3A_1099] : memref<4x2x80xi32, #tpu.memory_space<vmem>> -> memref<1x2x80xi32, #tpu.memory_space<vmem>>
      %dma_wait3A_1101 = tpu.memref_squeeze %dma_wait3A_1100 : memref<1x2x80xi32, #tpu.memory_space<vmem>> -> memref<2x80xi32, #tpu.memory_space<vmem>>
      %dma_wait3A_1102 = arith.constant 0 : i32
      %dma_wait3A_1103 = arith.constant 0 : i32
      %dma_wait3A_1104 = tpu.memref_slice %arg3[%add3A, %dma_wait3A_1096, %dma_wait3A_1102, %dma_wait3A_1103] : memref<32x125x2x80xi32, #tpu.memory_space<hbm>> -> memref<1x1x2x80xi32, #tpu.memory_space<hbm>>
      %dma_wait3A_1105 = tpu.memref_squeeze %dma_wait3A_1104 : memref<1x1x2x80xi32, #tpu.memory_space<hbm>> -> memref<2x80xi32, #tpu.memory_space<hbm>>
      %dma_wait3A_1106 = arith.constant 0 : i32
      %dma_wait3A_1107 = arith.constant 0 : i32
      %dma_wait3A_1108 = tpu.memref_slice %arg7[%dma_wait3A_1097, %dma_wait3A_1106, %dma_wait3A_1107] : memref<4x2x80xi32, #tpu.memory_space<vmem>> -> memref<1x2x80xi32, #tpu.memory_space<vmem>>
      %dma_wait3A_1109 = tpu.memref_squeeze %dma_wait3A_1108 : memref<1x2x80xi32, #tpu.memory_space<vmem>> -> memref<2x80xi32, #tpu.memory_space<vmem>>
      %dma_wait3A_1110 = arith.constant 0 : i32
      %dma_wait3A_1111 = arith.constant 0 : i32
      %dma_wait3A_1112 = tpu.memref_slice %arg3[%add3A, %dma_wait3A_1096, %dma_wait3A_1110, %dma_wait3A_1111] : memref<32x125x2x80xi32, #tpu.memory_space<hbm>> -> memref<1x1x2x80xi32, #tpu.memory_space<hbm>>
      %dma_wait3A_1113 = tpu.memref_squeeze %dma_wait3A_1112 : memref<1x1x2x80xi32, #tpu.memory_space<hbm>> -> memref<2x80xi32, #tpu.memory_space<hbm>>
      tpu.wait_dma2 semaphore(%arg17 : memref<!tpu.dma_semaphore, #tpu.memory_space<semaphore_mem>>) src(%dma_wait3A_1113 : memref<2x80xi32, #tpu.memory_space<hbm>>) dst(%dma_wait3A_1109 : memref<2x80xi32, #tpu.memory_space<vmem>>)
      %dma_start3A_1114 = arith.constant 0 : i32
      %dma_start3A_1115 = arith.constant 0 : i32
      %dma_start3A_1116 = arith.constant 0 : i32
      %dma_start3A_1117 = arith.constant 0 : i32
      %dma_start3A_1118 = arith.constant 0 : i32
      %dma_start3A_1119 = tpu.memref_slice %arg8[%dma_start3A_1116, %dma_start3A_1117, %dma_start3A_1118] : memref<2x80x128xf32, #tpu.memory_space<vmem>> -> memref<1x80x128xf32, #tpu.memory_space<vmem>>
      %dma_start3A_1120 = tpu.memref_squeeze %dma_start3A_1119 : memref<1x80x128xf32, #tpu.memory_space<vmem>> -> memref<80x128xf32, #tpu.memory_space<vmem>>
      %dma_start3A_1121 = arith.constant 0 : i32
      %dma_start3A_1122 = tpu.memref_slice %arg7[%dma_start3A_1114, %dma_start3A_1115, %dma_start3A_1121] : memref<4x2x80xi32, #tpu.memory_space<vmem>> -> memref<1x1x80xi32, #tpu.memory_space<vmem>>
      %dma_start3A_1123 = tpu.memref_squeeze %dma_start3A_1122 : memref<1x1x80xi32, #tpu.memory_space<vmem>> -> memref<80xi32, #tpu.memory_space<vmem>>
      %dma_start3A_1124 = arith.constant 0 : i32
      %dma_start3A_1125 = arith.constant 0 : i32
      %dma_start3A_1126 = tpu.memref_slice %arg2[%dma_start3A_1124, %dma_start3A_1125] : memref<10000x128xf32, #tpu.memory_space<hbm>> -> memref<10000x128xf32, #tpu.memory_space<hbm>>
      tpu.enqueue_indirect_dma source(%dma_start3A_1126 : memref<10000x128xf32, #tpu.memory_space<hbm>>) target(%dma_start3A_1120 : memref<80x128xf32, #tpu.memory_space<vmem>>) offsets(%dma_start3A_1123 : memref<80xi32, #tpu.memory_space<vmem>>) semaphore(%arg13 : memref<!tpu.dma_semaphore, #tpu.memory_space<semaphore_mem>>)
      %dma_start3A_1127 = arith.constant 0 : i32
      %dma_start3A_1128 = arith.constant 1 : i32
      %dma_start3A_1129 = arith.constant 0 : i32
      %dma_start3A_1130 = arith.constant 0 : i32
      %dma_start3A_1131 = tpu.memref_slice %arg9[%dma_start3A_1129, %dma_start3A_1130] : memref<4x80xf32, #tpu.memory_space<vmem>> -> memref<1x80xf32, #tpu.memory_space<vmem>>
      %dma_start3A_1132 = tpu.memref_squeeze %dma_start3A_1131 : memref<1x80xf32, #tpu.memory_space<vmem>> -> memref<80xf32, #tpu.memory_space<vmem>>
      %dma_start3A_1133 = arith.constant 0 : i32
      %dma_start3A_1134 = tpu.memref_slice %arg7[%dma_start3A_1127, %dma_start3A_1128, %dma_start3A_1133] : memref<4x2x80xi32, #tpu.memory_space<vmem>> -> memref<1x1x80xi32, #tpu.memory_space<vmem>>
      %dma_start3A_1135 = tpu.memref_squeeze %dma_start3A_1134 : memref<1x1x80xi32, #tpu.memory_space<vmem>> -> memref<80xi32, #tpu.memory_space<vmem>>
      %dma_start3A_1136 = arith.constant 0 : i32
      %dma_start3A_1137 = tpu.memref_slice %arg4[%dma_start3A_1136] : memref<10240xf32, #tpu.memory_space<hbm>> -> memref<10240xf32, #tpu.memory_space<hbm>>
      tpu.enqueue_indirect_dma source(%dma_start3A_1137 : memref<10240xf32, #tpu.memory_space<hbm>>) target(%dma_start3A_1132 : memref<80xf32, #tpu.memory_space<vmem>>) offsets(%dma_start3A_1135 : memref<80xi32, #tpu.memory_space<vmem>>) semaphore(%arg21 : memref<!tpu.dma_semaphore, #tpu.memory_space<semaphore_mem>>)
      %add3A_1138 = arith.constant 3 : i32
      %add3A_1139 = arith.addi %add3A_734, %add3A_1138 : i32
      %dma_wait3A_1140 = arith.constant 0 : i32
      %dma_wait3A_1141 = arith.constant 0 : i32
      %dma_wait3A_1142 = arith.constant 0 : i32
      %dma_wait3A_1143 = arith.constant 0 : i32
      %dma_wait3A_1144 = arith.constant 0 : i32
      %dma_wait3A_1145 = tpu.memref_slice %arg8[%dma_wait3A_1142, %dma_wait3A_1143, %dma_wait3A_1144] : memref<2x80x128xf32, #tpu.memory_space<vmem>> -> memref<1x80x128xf32, #tpu.memory_space<vmem>>
      %dma_wait3A_1146 = tpu.memref_squeeze %dma_wait3A_1145 : memref<1x80x128xf32, #tpu.memory_space<vmem>> -> memref<80x128xf32, #tpu.memory_space<vmem>>
      %dma_wait3A_1147 = arith.constant 0 : i32
      %dma_wait3A_1148 = tpu.memref_slice %arg7[%dma_wait3A_1140, %dma_wait3A_1141, %dma_wait3A_1147] : memref<4x2x80xi32, #tpu.memory_space<vmem>> -> memref<1x1x80xi32, #tpu.memory_space<vmem>>
      %dma_wait3A_1149 = tpu.memref_squeeze %dma_wait3A_1148 : memref<1x1x80xi32, #tpu.memory_space<vmem>> -> memref<80xi32, #tpu.memory_space<vmem>>
      %dma_wait3A_1150 = arith.constant 0 : i32
      %dma_wait3A_1151 = arith.constant 0 : i32
      %dma_wait3A_1152 = tpu.memref_slice %arg2[%dma_wait3A_1150, %dma_wait3A_1151] : memref<10000x128xf32, #tpu.memory_space<hbm>> -> memref<10000x128xf32, #tpu.memory_space<hbm>>
      tpu.wait_indirect_dma semaphore(%arg13 : memref<!tpu.dma_semaphore, #tpu.memory_space<semaphore_mem>>) src(%dma_wait3A_1152 : memref<10000x128xf32, #tpu.memory_space<hbm>>) dst(%dma_wait3A_1146 : memref<80x128xf32, #tpu.memory_space<vmem>>)
      %dma_start3A_1153 = arith.constant 0 : i32
      %dma_start3A_1154 = arith.constant 0 : i32
      %dma_start3A_1155 = arith.constant 1 : i32
      %dma_start3A_1156 = arith.constant 0 : i32
      %dma_start3A_1157 = arith.constant 0 : i32
      %dma_start3A_1158 = tpu.memref_slice %arg8[%dma_start3A_1153, %dma_start3A_1156, %dma_start3A_1157] : memref<2x80x128xf32, #tpu.memory_space<vmem>> -> memref<1x80x128xf32, #tpu.memory_space<vmem>>
      %dma_start3A_1159 = tpu.memref_squeeze %dma_start3A_1158 : memref<1x80x128xf32, #tpu.memory_space<vmem>> -> memref<80x128xf32, #tpu.memory_space<vmem>>
      %dma_start3A_1160 = arith.constant 0 : i32
      %dma_start3A_1161 = tpu.memref_slice %arg7[%dma_start3A_1154, %dma_start3A_1155, %dma_start3A_1160] : memref<4x2x80xi32, #tpu.memory_space<vmem>> -> memref<1x1x80xi32, #tpu.memory_space<vmem>>
      %dma_start3A_1162 = tpu.memref_squeeze %dma_start3A_1161 : memref<1x1x80xi32, #tpu.memory_space<vmem>> -> memref<80xi32, #tpu.memory_space<vmem>>
      %dma_start3A_1163 = arith.constant 0 : i32
      %dma_start3A_1164 = arith.constant 0 : i32
      %dma_start3A_1165 = tpu.memref_slice %arg11[%dma_start3A_1163, %dma_start3A_1164] : memref<10240x128xf32, #tpu.memory_space<vmem_shared>> -> memref<10240x128xf32, #tpu.memory_space<vmem_shared>>
      tpu.enqueue_indirect_dma source(%dma_start3A_1159 : memref<80x128xf32, #tpu.memory_space<vmem>>) target(%dma_start3A_1165 : memref<10240x128xf32, #tpu.memory_space<vmem_shared>>) offsets(%dma_start3A_1162 : memref<80xi32, #tpu.memory_space<vmem>>) semaphore(%arg15 : memref<!tpu.dma_semaphore, #tpu.memory_space<semaphore_mem>>) {add = true}
      %dma_wait3A_1166 = arith.constant 0 : i32
      %dma_wait3A_1167 = arith.constant 1 : i32
      %dma_wait3A_1168 = arith.constant 0 : i32
      %dma_wait3A_1169 = arith.constant 0 : i32
      %dma_wait3A_1170 = tpu.memref_slice %arg9[%dma_wait3A_1168, %dma_wait3A_1169] : memref<4x80xf32, #tpu.memory_space<vmem>> -> memref<1x80xf32, #tpu.memory_space<vmem>>
      %dma_wait3A_1171 = tpu.memref_squeeze %dma_wait3A_1170 : memref<1x80xf32, #tpu.memory_space<vmem>> -> memref<80xf32, #tpu.memory_space<vmem>>
      %dma_wait3A_1172 = arith.constant 0 : i32
      %dma_wait3A_1173 = tpu.memref_slice %arg7[%dma_wait3A_1166, %dma_wait3A_1167, %dma_wait3A_1172] : memref<4x2x80xi32, #tpu.memory_space<vmem>> -> memref<1x1x80xi32, #tpu.memory_space<vmem>>
      %dma_wait3A_1174 = tpu.memref_squeeze %dma_wait3A_1173 : memref<1x1x80xi32, #tpu.memory_space<vmem>> -> memref<80xi32, #tpu.memory_space<vmem>>
      %dma_wait3A_1175 = arith.constant 0 : i32
      %dma_wait3A_1176 = tpu.memref_slice %arg4[%dma_wait3A_1175] : memref<10240xf32, #tpu.memory_space<hbm>> -> memref<10240xf32, #tpu.memory_space<hbm>>
      tpu.wait_indirect_dma semaphore(%arg21 : memref<!tpu.dma_semaphore, #tpu.memory_space<semaphore_mem>>) src(%dma_wait3A_1176 : memref<10240xf32, #tpu.memory_space<hbm>>) dst(%dma_wait3A_1171 : memref<80xf32, #tpu.memory_space<vmem>>)
      %dma_start3A_1177 = arith.constant 0 : i32
      %dma_start3A_1178 = arith.constant 0 : i32
      %dma_start3A_1179 = arith.constant 0 : i32
      %dma_start3A_1180 = arith.constant 0 : i32
      %dma_start3A_1181 = tpu.memref_slice %arg9[%dma_start3A_1177, %dma_start3A_1180] : memref<4x80xf32, #tpu.memory_space<vmem>> -> memref<1x80xf32, #tpu.memory_space<vmem>>
      %dma_start3A_1182 = tpu.memref_squeeze %dma_start3A_1181 : memref<1x80xf32, #tpu.memory_space<vmem>> -> memref<80xf32, #tpu.memory_space<vmem>>
      %dma_start3A_1183 = arith.constant 0 : i32
      %dma_start3A_1184 = tpu.memref_slice %arg7[%dma_start3A_1178, %dma_start3A_1179, %dma_start3A_1183] : memref<4x2x80xi32, #tpu.memory_space<vmem>> -> memref<1x1x80xi32, #tpu.memory_space<vmem>>
      %dma_start3A_1185 = tpu.memref_squeeze %dma_start3A_1184 : memref<1x1x80xi32, #tpu.memory_space<vmem>> -> memref<80xi32, #tpu.memory_space<vmem>>
      %dma_start3A_1186 = arith.constant 0 : i32
      %dma_start3A_1187 = tpu.memref_slice %arg12[%dma_start3A_1186] : memref<10240xf32, #tpu.memory_space<vmem_shared>> -> memref<10240xf32, #tpu.memory_space<vmem_shared>>
      tpu.enqueue_indirect_dma source(%dma_start3A_1182 : memref<80xf32, #tpu.memory_space<vmem>>) target(%dma_start3A_1187 : memref<10240xf32, #tpu.memory_space<vmem_shared>>) offsets(%dma_start3A_1185 : memref<80xi32, #tpu.memory_space<vmem>>) semaphore(%arg25 : memref<!tpu.dma_semaphore, #tpu.memory_space<semaphore_mem>>) {add = true}
      %dma_wait3A_1188 = arith.constant 1 : i32
      %dma_wait3A_1189 = arith.constant 0 : i32
      %dma_wait3A_1190 = arith.constant 1 : i32
      %dma_wait3A_1191 = arith.constant 0 : i32
      %dma_wait3A_1192 = arith.constant 0 : i32
      %dma_wait3A_1193 = tpu.memref_slice %arg8[%dma_wait3A_1188, %dma_wait3A_1191, %dma_wait3A_1192] : memref<2x80x128xf32, #tpu.memory_space<vmem>> -> memref<1x80x128xf32, #tpu.memory_space<vmem>>
      %dma_wait3A_1194 = tpu.memref_squeeze %dma_wait3A_1193 : memref<1x80x128xf32, #tpu.memory_space<vmem>> -> memref<80x128xf32, #tpu.memory_space<vmem>>
      %dma_wait3A_1195 = arith.constant 0 : i32
      %dma_wait3A_1196 = tpu.memref_slice %arg7[%dma_wait3A_1189, %dma_wait3A_1190, %dma_wait3A_1195] : memref<4x2x80xi32, #tpu.memory_space<vmem>> -> memref<1x1x80xi32, #tpu.memory_space<vmem>>
      %dma_wait3A_1197 = tpu.memref_squeeze %dma_wait3A_1196 : memref<1x1x80xi32, #tpu.memory_space<vmem>> -> memref<80xi32, #tpu.memory_space<vmem>>
      %dma_wait3A_1198 = arith.constant 0 : i32
      %dma_wait3A_1199 = arith.constant 0 : i32
      %dma_wait3A_1200 = tpu.memref_slice %arg11[%dma_wait3A_1198, %dma_wait3A_1199] : memref<10240x128xf32, #tpu.memory_space<vmem_shared>> -> memref<10240x128xf32, #tpu.memory_space<vmem_shared>>
      tpu.wait_indirect_dma semaphore(%arg16 : memref<!tpu.dma_semaphore, #tpu.memory_space<semaphore_mem>>) src(%dma_wait3A_1194 : memref<80x128xf32, #tpu.memory_space<vmem>>) dst(%dma_wait3A_1200 : memref<10240x128xf32, #tpu.memory_space<vmem_shared>>)
      %dma_wait3A_1201 = arith.constant 0 : i32
      %dma_wait3A_1202 = arith.constant 0 : i32
      %dma_wait3A_1203 = arith.constant 0 : i32
      %dma_wait3A_1204 = arith.constant 0 : i32
      %dma_wait3A_1205 = tpu.memref_slice %arg9[%dma_wait3A_1201, %dma_wait3A_1204] : memref<4x80xf32, #tpu.memory_space<vmem>> -> memref<1x80xf32, #tpu.memory_space<vmem>>
      %dma_wait3A_1206 = tpu.memref_squeeze %dma_wait3A_1205 : memref<1x80xf32, #tpu.memory_space<vmem>> -> memref<80xf32, #tpu.memory_space<vmem>>
      %dma_wait3A_1207 = arith.constant 0 : i32
      %dma_wait3A_1208 = tpu.memref_slice %arg7[%dma_wait3A_1202, %dma_wait3A_1203, %dma_wait3A_1207] : memref<4x2x80xi32, #tpu.memory_space<vmem>> -> memref<1x1x80xi32, #tpu.memory_space<vmem>>
      %dma_wait3A_1209 = tpu.memref_squeeze %dma_wait3A_1208 : memref<1x1x80xi32, #tpu.memory_space<vmem>> -> memref<80xi32, #tpu.memory_space<vmem>>
      %dma_wait3A_1210 = arith.constant 0 : i32
      %dma_wait3A_1211 = tpu.memref_slice %arg12[%dma_wait3A_1210] : memref<10240xf32, #tpu.memory_space<vmem_shared>> -> memref<10240xf32, #tpu.memory_space<vmem_shared>>
      tpu.wait_indirect_dma semaphore(%arg26 : memref<!tpu.dma_semaphore, #tpu.memory_space<semaphore_mem>>) src(%dma_wait3A_1206 : memref<80xf32, #tpu.memory_space<vmem>>) dst(%dma_wait3A_1211 : memref<10240xf32, #tpu.memory_space<vmem_shared>>)
      %add3A_1212 = arith.constant 3 : i32
      %add3A_1213 = arith.addi %add3A_1139, %add3A_1212 : i32
      %dma_start3A_1214 = arith.constant 3 : i32
      %dma_start3A_1215 = arith.constant 0 : i32
      %dma_start3A_1216 = arith.constant 0 : i32
      %dma_start3A_1217 = tpu.memref_slice %arg7[%dma_start3A_1214, %dma_start3A_1215, %dma_start3A_1216] : memref<4x2x80xi32, #tpu.memory_space<vmem>> -> memref<1x2x80xi32, #tpu.memory_space<vmem>>
      %dma_start3A_1218 = tpu.memref_squeeze %dma_start3A_1217 : memref<1x2x80xi32, #tpu.memory_space<vmem>> -> memref<2x80xi32, #tpu.memory_space<vmem>>
      %dma_start3A_1219 = arith.constant 0 : i32
      %dma_start3A_1220 = arith.constant 0 : i32
      %dma_start3A_1221 = tpu.memref_slice %arg3[%add3A, %add3A_1213, %dma_start3A_1219, %dma_start3A_1220] : memref<32x125x2x80xi32, #tpu.memory_space<hbm>> -> memref<1x1x2x80xi32, #tpu.memory_space<hbm>>
      %dma_start3A_1222 = tpu.memref_squeeze %dma_start3A_1221 : memref<1x1x2x80xi32, #tpu.memory_space<hbm>> -> memref<2x80xi32, #tpu.memory_space<hbm>>
      %dma_start3A_1223 = arith.constant 0 : i32
      %dma_start3A_1224 = arith.constant 0 : i32
      %dma_start3A_1225 = tpu.memref_slice %arg7[%dma_start3A_1214, %dma_start3A_1223, %dma_start3A_1224] : memref<4x2x80xi32, #tpu.memory_space<vmem>> -> memref<1x2x80xi32, #tpu.memory_space<vmem>>
      %dma_start3A_1226 = tpu.memref_squeeze %dma_start3A_1225 : memref<1x2x80xi32, #tpu.memory_space<vmem>> -> memref<2x80xi32, #tpu.memory_space<vmem>>
      %dma_start3A_1227 = arith.constant 0 : i32
      %dma_start3A_1228 = arith.constant 0 : i32
      %dma_start3A_1229 = tpu.memref_slice %arg3[%add3A, %add3A_1213, %dma_start3A_1227, %dma_start3A_1228] : memref<32x125x2x80xi32, #tpu.memory_space<hbm>> -> memref<1x1x2x80xi32, #tpu.memory_space<hbm>>
      %dma_start3A_1230 = tpu.memref_squeeze %dma_start3A_1229 : memref<1x1x2x80xi32, #tpu.memory_space<hbm>> -> memref<2x80xi32, #tpu.memory_space<hbm>>
      tpu.enqueue_dma source(%dma_start3A_1230 : memref<2x80xi32, #tpu.memory_space<hbm>>) target(%dma_start3A_1226 : memref<2x80xi32, #tpu.memory_space<vmem>>) target_semaphore(%arg20 : memref<!tpu.dma_semaphore, #tpu.memory_space<semaphore_mem>>)
      %dma_wait3A_1231 = arith.constant 0 : i32
      %dma_wait3A_1232 = arith.constant 1 : i32
      %dma_wait3A_1233 = arith.constant 0 : i32
      %dma_wait3A_1234 = arith.constant 0 : i32
      %dma_wait3A_1235 = tpu.memref_slice %arg7[%dma_wait3A_1232, %dma_wait3A_1233, %dma_wait3A_1234] : memref<4x2x80xi32, #tpu.memory_space<vmem>> -> memref<1x2x80xi32, #tpu.memory_space<vmem>>
      %dma_wait3A_1236 = tpu.memref_squeeze %dma_wait3A_1235 : memref<1x2x80xi32, #tpu.memory_space<vmem>> -> memref<2x80xi32, #tpu.memory_space<vmem>>
      %dma_wait3A_1237 = arith.constant 0 : i32
      %dma_wait3A_1238 = arith.constant 0 : i32
      %dma_wait3A_1239 = tpu.memref_slice %arg3[%add3A, %dma_wait3A_1231, %dma_wait3A_1237, %dma_wait3A_1238] : memref<32x125x2x80xi32, #tpu.memory_space<hbm>> -> memref<1x1x2x80xi32, #tpu.memory_space<hbm>>
      %dma_wait3A_1240 = tpu.memref_squeeze %dma_wait3A_1239 : memref<1x1x2x80xi32, #tpu.memory_space<hbm>> -> memref<2x80xi32, #tpu.memory_space<hbm>>
      %dma_wait3A_1241 = arith.constant 0 : i32
      %dma_wait3A_1242 = arith.constant 0 : i32
      %dma_wait3A_1243 = tpu.memref_slice %arg7[%dma_wait3A_1232, %dma_wait3A_1241, %dma_wait3A_1242] : memref<4x2x80xi32, #tpu.memory_space<vmem>> -> memref<1x2x80xi32, #tpu.memory_space<vmem>>
      %dma_wait3A_1244 = tpu.memref_squeeze %dma_wait3A_1243 : memref<1x2x80xi32, #tpu.memory_space<vmem>> -> memref<2x80xi32, #tpu.memory_space<vmem>>
      %dma_wait3A_1245 = arith.constant 0 : i32
      %dma_wait3A_1246 = arith.constant 0 : i32
      %dma_wait3A_1247 = tpu.memref_slice %arg3[%add3A, %dma_wait3A_1231, %dma_wait3A_1245, %dma_wait3A_1246] : memref<32x125x2x80xi32, #tpu.memory_space<hbm>> -> memref<1x1x2x80xi32, #tpu.memory_space<hbm>>
      %dma_wait3A_1248 = tpu.memref_squeeze %dma_wait3A_1247 : memref<1x1x2x80xi32, #tpu.memory_space<hbm>> -> memref<2x80xi32, #tpu.memory_space<hbm>>
      tpu.wait_dma2 semaphore(%arg18 : memref<!tpu.dma_semaphore, #tpu.memory_space<semaphore_mem>>) src(%dma_wait3A_1248 : memref<2x80xi32, #tpu.memory_space<hbm>>) dst(%dma_wait3A_1244 : memref<2x80xi32, #tpu.memory_space<vmem>>)
      %dma_start3A_1249 = arith.constant 1 : i32
      %dma_start3A_1250 = arith.constant 0 : i32
      %dma_start3A_1251 = arith.constant 1 : i32
      %dma_start3A_1252 = arith.constant 0 : i32
      %dma_start3A_1253 = arith.constant 0 : i32
      %dma_start3A_1254 = tpu.memref_slice %arg8[%dma_start3A_1251, %dma_start3A_1252, %dma_start3A_1253] : memref<2x80x128xf32, #tpu.memory_space<vmem>> -> memref<1x80x128xf32, #tpu.memory_space<vmem>>
      %dma_start3A_1255 = tpu.memref_squeeze %dma_start3A_1254 : memref<1x80x128xf32, #tpu.memory_space<vmem>> -> memref<80x128xf32, #tpu.memory_space<vmem>>
      %dma_start3A_1256 = arith.constant 0 : i32
      %dma_start3A_1257 = tpu.memref_slice %arg7[%dma_start3A_1249, %dma_start3A_1250, %dma_start3A_1256] : memref<4x2x80xi32, #tpu.memory_space<vmem>> -> memref<1x1x80xi32, #tpu.memory_space<vmem>>
      %dma_start3A_1258 = tpu.memref_squeeze %dma_start3A_1257 : memref<1x1x80xi32, #tpu.memory_space<vmem>> -> memref<80xi32, #tpu.memory_space<vmem>>
      %dma_start3A_1259 = arith.constant 0 : i32
      %dma_start3A_1260 = arith.constant 0 : i32
      %dma_start3A_1261 = tpu.memref_slice %arg2[%dma_start3A_1259, %dma_start3A_1260] : memref<10000x128xf32, #tpu.memory_space<hbm>> -> memref<10000x128xf32, #tpu.memory_space<hbm>>
      tpu.enqueue_indirect_dma source(%dma_start3A_1261 : memref<10000x128xf32, #tpu.memory_space<hbm>>) target(%dma_start3A_1255 : memref<80x128xf32, #tpu.memory_space<vmem>>) offsets(%dma_start3A_1258 : memref<80xi32, #tpu.memory_space<vmem>>) semaphore(%arg14 : memref<!tpu.dma_semaphore, #tpu.memory_space<semaphore_mem>>)
      %dma_start3A_1262 = arith.constant 1 : i32
      %dma_start3A_1263 = arith.constant 1 : i32
      %dma_start3A_1264 = arith.constant 1 : i32
      %dma_start3A_1265 = arith.constant 0 : i32
      %dma_start3A_1266 = tpu.memref_slice %arg9[%dma_start3A_1264, %dma_start3A_1265] : memref<4x80xf32, #tpu.memory_space<vmem>> -> memref<1x80xf32, #tpu.memory_space<vmem>>
      %dma_start3A_1267 = tpu.memref_squeeze %dma_start3A_1266 : memref<1x80xf32, #tpu.memory_space<vmem>> -> memref<80xf32, #tpu.memory_space<vmem>>
      %dma_start3A_1268 = arith.constant 0 : i32
      %dma_start3A_1269 = tpu.memref_slice %arg7[%dma_start3A_1262, %dma_start3A_1263, %dma_start3A_1268] : memref<4x2x80xi32, #tpu.memory_space<vmem>> -> memref<1x1x80xi32, #tpu.memory_space<vmem>>
      %dma_start3A_1270 = tpu.memref_squeeze %dma_start3A_1269 : memref<1x1x80xi32, #tpu.memory_space<vmem>> -> memref<80xi32, #tpu.memory_space<vmem>>
      %dma_start3A_1271 = arith.constant 0 : i32
      %dma_start3A_1272 = tpu.memref_slice %arg4[%dma_start3A_1271] : memref<10240xf32, #tpu.memory_space<hbm>> -> memref<10240xf32, #tpu.memory_space<hbm>>
      tpu.enqueue_indirect_dma source(%dma_start3A_1272 : memref<10240xf32, #tpu.memory_space<hbm>>) target(%dma_start3A_1267 : memref<80xf32, #tpu.memory_space<vmem>>) offsets(%dma_start3A_1270 : memref<80xi32, #tpu.memory_space<vmem>>) semaphore(%arg22 : memref<!tpu.dma_semaphore, #tpu.memory_space<semaphore_mem>>)
      %scan3A_1273 = arith.constant 0 : i32
      scf.yield %scan3A_1273 : i32
    }
    %scan3A_263 = arith.constant 30 : i32
    %dma_wait3A_264 = arith.constant 0 : i32
    %dma_wait3A_265 = arith.constant 0 : i32
    %dma_wait3A_266 = arith.constant 1 : i32
    %dma_wait3A_267 = arith.constant 0 : i32
    %dma_wait3A_268 = arith.constant 0 : i32
    %dma_wait3A_269 = tpu.memref_slice %arg8[%dma_wait3A_266, %dma_wait3A_267, %dma_wait3A_268] : memref<2x80x128xf32, #tpu.memory_space<vmem>> -> memref<1x80x128xf32, #tpu.memory_space<vmem>>
    %dma_wait3A_270 = tpu.memref_squeeze %dma_wait3A_269 : memref<1x80x128xf32, #tpu.memory_space<vmem>> -> memref<80x128xf32, #tpu.memory_space<vmem>>
    %dma_wait3A_271 = arith.constant 0 : i32
    %dma_wait3A_272 = tpu.memref_slice %arg7[%dma_wait3A_264, %dma_wait3A_265, %dma_wait3A_271] : memref<4x2x80xi32, #tpu.memory_space<vmem>> -> memref<1x1x80xi32, #tpu.memory_space<vmem>>
    %dma_wait3A_273 = tpu.memref_squeeze %dma_wait3A_272 : memref<1x1x80xi32, #tpu.memory_space<vmem>> -> memref<80xi32, #tpu.memory_space<vmem>>
    %dma_wait3A_274 = arith.constant 0 : i32
    %dma_wait3A_275 = arith.constant 0 : i32
    %dma_wait3A_276 = tpu.memref_slice %arg2[%dma_wait3A_274, %dma_wait3A_275] : memref<10000x128xf32, #tpu.memory_space<hbm>> -> memref<10000x128xf32, #tpu.memory_space<hbm>>
    tpu.wait_indirect_dma semaphore(%arg14 : memref<!tpu.dma_semaphore, #tpu.memory_space<semaphore_mem>>) src(%dma_wait3A_276 : memref<10000x128xf32, #tpu.memory_space<hbm>>) dst(%dma_wait3A_270 : memref<80x128xf32, #tpu.memory_space<vmem>>)
    %dma_start3A_277 = arith.constant 1 : i32
    %dma_start3A_278 = arith.constant 1 : i32
    %dma_start3A_279 = arith.constant 1 : i32
    %dma_start3A_280 = arith.constant 0 : i32
    %dma_start3A_281 = arith.constant 0 : i32
    %dma_start3A_282 = tpu.memref_slice %arg8[%dma_start3A_277, %dma_start3A_280, %dma_start3A_281] : memref<2x80x128xf32, #tpu.memory_space<vmem>> -> memref<1x80x128xf32, #tpu.memory_space<vmem>>
    %dma_start3A_283 = tpu.memref_squeeze %dma_start3A_282 : memref<1x80x128xf32, #tpu.memory_space<vmem>> -> memref<80x128xf32, #tpu.memory_space<vmem>>
    %dma_start3A_284 = arith.constant 0 : i32
    %dma_start3A_285 = tpu.memref_slice %arg7[%dma_start3A_278, %dma_start3A_279, %dma_start3A_284] : memref<4x2x80xi32, #tpu.memory_space<vmem>> -> memref<1x1x80xi32, #tpu.memory_space<vmem>>
    %dma_start3A_286 = tpu.memref_squeeze %dma_start3A_285 : memref<1x1x80xi32, #tpu.memory_space<vmem>> -> memref<80xi32, #tpu.memory_space<vmem>>
    %dma_start3A_287 = arith.constant 0 : i32
    %dma_start3A_288 = arith.constant 0 : i32
    %dma_start3A_289 = tpu.memref_slice %arg11[%dma_start3A_287, %dma_start3A_288] : memref<10240x128xf32, #tpu.memory_space<vmem_shared>> -> memref<10240x128xf32, #tpu.memory_space<vmem_shared>>
    tpu.enqueue_indirect_dma source(%dma_start3A_283 : memref<80x128xf32, #tpu.memory_space<vmem>>) target(%dma_start3A_289 : memref<10240x128xf32, #tpu.memory_space<vmem_shared>>) offsets(%dma_start3A_286 : memref<80xi32, #tpu.memory_space<vmem>>) semaphore(%arg16 : memref<!tpu.dma_semaphore, #tpu.memory_space<semaphore_mem>>) {add = true}
    %dma_wait3A_290 = arith.constant 0 : i32
    %dma_wait3A_291 = arith.constant 1 : i32
    %dma_wait3A_292 = arith.constant 1 : i32
    %dma_wait3A_293 = arith.constant 0 : i32
    %dma_wait3A_294 = tpu.memref_slice %arg9[%dma_wait3A_292, %dma_wait3A_293] : memref<4x80xf32, #tpu.memory_space<vmem>> -> memref<1x80xf32, #tpu.memory_space<vmem>>
    %dma_wait3A_295 = tpu.memref_squeeze %dma_wait3A_294 : memref<1x80xf32, #tpu.memory_space<vmem>> -> memref<80xf32, #tpu.memory_space<vmem>>
    %dma_wait3A_296 = arith.constant 0 : i32
    %dma_wait3A_297 = tpu.memref_slice %arg7[%dma_wait3A_290, %dma_wait3A_291, %dma_wait3A_296] : memref<4x2x80xi32, #tpu.memory_space<vmem>> -> memref<1x1x80xi32, #tpu.memory_space<vmem>>
    %dma_wait3A_298 = tpu.memref_squeeze %dma_wait3A_297 : memref<1x1x80xi32, #tpu.memory_space<vmem>> -> memref<80xi32, #tpu.memory_space<vmem>>
    %dma_wait3A_299 = arith.constant 0 : i32
    %dma_wait3A_300 = tpu.memref_slice %arg4[%dma_wait3A_299] : memref<10240xf32, #tpu.memory_space<hbm>> -> memref<10240xf32, #tpu.memory_space<hbm>>
    tpu.wait_indirect_dma semaphore(%arg22 : memref<!tpu.dma_semaphore, #tpu.memory_space<semaphore_mem>>) src(%dma_wait3A_300 : memref<10240xf32, #tpu.memory_space<hbm>>) dst(%dma_wait3A_295 : memref<80xf32, #tpu.memory_space<vmem>>)
    %dma_start3A_301 = arith.constant 1 : i32
    %dma_start3A_302 = arith.constant 1 : i32
    %dma_start3A_303 = arith.constant 0 : i32
    %dma_start3A_304 = arith.constant 0 : i32
    %dma_start3A_305 = tpu.memref_slice %arg9[%dma_start3A_301, %dma_start3A_304] : memref<4x80xf32, #tpu.memory_space<vmem>> -> memref<1x80xf32, #tpu.memory_space<vmem>>
    %dma_start3A_306 = tpu.memref_squeeze %dma_start3A_305 : memref<1x80xf32, #tpu.memory_space<vmem>> -> memref<80xf32, #tpu.memory_space<vmem>>
    %dma_start3A_307 = arith.constant 0 : i32
    %dma_start3A_308 = tpu.memref_slice %arg7[%dma_start3A_302, %dma_start3A_303, %dma_start3A_307] : memref<4x2x80xi32, #tpu.memory_space<vmem>> -> memref<1x1x80xi32, #tpu.memory_space<vmem>>
    %dma_start3A_309 = tpu.memref_squeeze %dma_start3A_308 : memref<1x1x80xi32, #tpu.memory_space<vmem>> -> memref<80xi32, #tpu.memory_space<vmem>>
    %dma_start3A_310 = arith.constant 0 : i32
    %dma_start3A_311 = tpu.memref_slice %arg12[%dma_start3A_310] : memref<10240xf32, #tpu.memory_space<vmem_shared>> -> memref<10240xf32, #tpu.memory_space<vmem_shared>>
    tpu.enqueue_indirect_dma source(%dma_start3A_306 : memref<80xf32, #tpu.memory_space<vmem>>) target(%dma_start3A_311 : memref<10240xf32, #tpu.memory_space<vmem_shared>>) offsets(%dma_start3A_309 : memref<80xi32, #tpu.memory_space<vmem>>) semaphore(%arg26 : memref<!tpu.dma_semaphore, #tpu.memory_space<semaphore_mem>>) {add = true}
    %dma_wait3A_312 = arith.constant 0 : i32
    %dma_wait3A_313 = arith.constant 0 : i32
    %dma_wait3A_314 = arith.constant 1 : i32
    %dma_wait3A_315 = arith.constant 0 : i32
    %dma_wait3A_316 = arith.constant 0 : i32
    %dma_wait3A_317 = tpu.memref_slice %arg8[%dma_wait3A_312, %dma_wait3A_315, %dma_wait3A_316] : memref<2x80x128xf32, #tpu.memory_space<vmem>> -> memref<1x80x128xf32, #tpu.memory_space<vmem>>
    %dma_wait3A_318 = tpu.memref_squeeze %dma_wait3A_317 : memref<1x80x128xf32, #tpu.memory_space<vmem>> -> memref<80x128xf32, #tpu.memory_space<vmem>>
    %dma_wait3A_319 = arith.constant 0 : i32
    %dma_wait3A_320 = tpu.memref_slice %arg7[%dma_wait3A_313, %dma_wait3A_314, %dma_wait3A_319] : memref<4x2x80xi32, #tpu.memory_space<vmem>> -> memref<1x1x80xi32, #tpu.memory_space<vmem>>
    %dma_wait3A_321 = tpu.memref_squeeze %dma_wait3A_320 : memref<1x1x80xi32, #tpu.memory_space<vmem>> -> memref<80xi32, #tpu.memory_space<vmem>>
    %dma_wait3A_322 = arith.constant 0 : i32
    %dma_wait3A_323 = arith.constant 0 : i32
    %dma_wait3A_324 = tpu.memref_slice %arg11[%dma_wait3A_322, %dma_wait3A_323] : memref<10240x128xf32, #tpu.memory_space<vmem_shared>> -> memref<10240x128xf32, #tpu.memory_space<vmem_shared>>
    tpu.wait_indirect_dma semaphore(%arg15 : memref<!tpu.dma_semaphore, #tpu.memory_space<semaphore_mem>>) src(%dma_wait3A_318 : memref<80x128xf32, #tpu.memory_space<vmem>>) dst(%dma_wait3A_324 : memref<10240x128xf32, #tpu.memory_space<vmem_shared>>)
    %dma_wait3A_325 = arith.constant 0 : i32
    %dma_wait3A_326 = arith.constant 0 : i32
    %dma_wait3A_327 = arith.constant 0 : i32
    %dma_wait3A_328 = arith.constant 0 : i32
    %dma_wait3A_329 = tpu.memref_slice %arg9[%dma_wait3A_325, %dma_wait3A_328] : memref<4x80xf32, #tpu.memory_space<vmem>> -> memref<1x80xf32, #tpu.memory_space<vmem>>
    %dma_wait3A_330 = tpu.memref_squeeze %dma_wait3A_329 : memref<1x80xf32, #tpu.memory_space<vmem>> -> memref<80xf32, #tpu.memory_space<vmem>>
    %dma_wait3A_331 = arith.constant 0 : i32
    %dma_wait3A_332 = tpu.memref_slice %arg7[%dma_wait3A_326, %dma_wait3A_327, %dma_wait3A_331] : memref<4x2x80xi32, #tpu.memory_space<vmem>> -> memref<1x1x80xi32, #tpu.memory_space<vmem>>
    %dma_wait3A_333 = tpu.memref_squeeze %dma_wait3A_332 : memref<1x1x80xi32, #tpu.memory_space<vmem>> -> memref<80xi32, #tpu.memory_space<vmem>>
    %dma_wait3A_334 = arith.constant 0 : i32
    %dma_wait3A_335 = tpu.memref_slice %arg12[%dma_wait3A_334] : memref<10240xf32, #tpu.memory_space<vmem_shared>> -> memref<10240xf32, #tpu.memory_space<vmem_shared>>
    tpu.wait_indirect_dma semaphore(%arg25 : memref<!tpu.dma_semaphore, #tpu.memory_space<semaphore_mem>>) src(%dma_wait3A_330 : memref<80xf32, #tpu.memory_space<vmem>>) dst(%dma_wait3A_335 : memref<10240xf32, #tpu.memory_space<vmem_shared>>)
    %dma_start3A_336 = arith.constant 124 : i32
    %dma_start3A_337 = arith.constant 0 : i32
    %dma_start3A_338 = arith.constant 0 : i32
    %dma_start3A_339 = arith.constant 0 : i32
    %dma_start3A_340 = tpu.memref_slice %arg7[%dma_start3A_337, %dma_start3A_338, %dma_start3A_339] : memref<4x2x80xi32, #tpu.memory_space<vmem>> -> memref<1x2x80xi32, #tpu.memory_space<vmem>>
    %dma_start3A_341 = tpu.memref_squeeze %dma_start3A_340 : memref<1x2x80xi32, #tpu.memory_space<vmem>> -> memref<2x80xi32, #tpu.memory_space<vmem>>
    %dma_start3A_342 = arith.constant 0 : i32
    %dma_start3A_343 = arith.constant 0 : i32
    %dma_start3A_344 = tpu.memref_slice %arg3[%add3A, %dma_start3A_336, %dma_start3A_342, %dma_start3A_343] : memref<32x125x2x80xi32, #tpu.memory_space<hbm>> -> memref<1x1x2x80xi32, #tpu.memory_space<hbm>>
    %dma_start3A_345 = tpu.memref_squeeze %dma_start3A_344 : memref<1x1x2x80xi32, #tpu.memory_space<hbm>> -> memref<2x80xi32, #tpu.memory_space<hbm>>
    %dma_start3A_346 = arith.constant 0 : i32
    %dma_start3A_347 = arith.constant 0 : i32
    %dma_start3A_348 = tpu.memref_slice %arg7[%dma_start3A_337, %dma_start3A_346, %dma_start3A_347] : memref<4x2x80xi32, #tpu.memory_space<vmem>> -> memref<1x2x80xi32, #tpu.memory_space<vmem>>
    %dma_start3A_349 = tpu.memref_squeeze %dma_start3A_348 : memref<1x2x80xi32, #tpu.memory_space<vmem>> -> memref<2x80xi32, #tpu.memory_space<vmem>>
    %dma_start3A_350 = arith.constant 0 : i32
    %dma_start3A_351 = arith.constant 0 : i32
    %dma_start3A_352 = tpu.memref_slice %arg3[%add3A, %dma_start3A_336, %dma_start3A_350, %dma_start3A_351] : memref<32x125x2x80xi32, #tpu.memory_space<hbm>> -> memref<1x1x2x80xi32, #tpu.memory_space<hbm>>
    %dma_start3A_353 = tpu.memref_squeeze %dma_start3A_352 : memref<1x1x2x80xi32, #tpu.memory_space<hbm>> -> memref<2x80xi32, #tpu.memory_space<hbm>>
    tpu.enqueue_dma source(%dma_start3A_353 : memref<2x80xi32, #tpu.memory_space<hbm>>) target(%dma_start3A_349 : memref<2x80xi32, #tpu.memory_space<vmem>>) target_semaphore(%arg17 : memref<!tpu.dma_semaphore, #tpu.memory_space<semaphore_mem>>)
    %dma_wait3A_354 = arith.constant 0 : i32
    %dma_wait3A_355 = arith.constant 2 : i32
    %dma_wait3A_356 = arith.constant 0 : i32
    %dma_wait3A_357 = arith.constant 0 : i32
    %dma_wait3A_358 = tpu.memref_slice %arg7[%dma_wait3A_355, %dma_wait3A_356, %dma_wait3A_357] : memref<4x2x80xi32, #tpu.memory_space<vmem>> -> memref<1x2x80xi32, #tpu.memory_space<vmem>>
    %dma_wait3A_359 = tpu.memref_squeeze %dma_wait3A_358 : memref<1x2x80xi32, #tpu.memory_space<vmem>> -> memref<2x80xi32, #tpu.memory_space<vmem>>
    %dma_wait3A_360 = arith.constant 0 : i32
    %dma_wait3A_361 = arith.constant 0 : i32
    %dma_wait3A_362 = tpu.memref_slice %arg3[%add3A, %dma_wait3A_354, %dma_wait3A_360, %dma_wait3A_361] : memref<32x125x2x80xi32, #tpu.memory_space<hbm>> -> memref<1x1x2x80xi32, #tpu.memory_space<hbm>>
    %dma_wait3A_363 = tpu.memref_squeeze %dma_wait3A_362 : memref<1x1x2x80xi32, #tpu.memory_space<hbm>> -> memref<2x80xi32, #tpu.memory_space<hbm>>
    %dma_wait3A_364 = arith.constant 0 : i32
    %dma_wait3A_365 = arith.constant 0 : i32
    %dma_wait3A_366 = tpu.memref_slice %arg7[%dma_wait3A_355, %dma_wait3A_364, %dma_wait3A_365] : memref<4x2x80xi32, #tpu.memory_space<vmem>> -> memref<1x2x80xi32, #tpu.memory_space<vmem>>
    %dma_wait3A_367 = tpu.memref_squeeze %dma_wait3A_366 : memref<1x2x80xi32, #tpu.memory_space<vmem>> -> memref<2x80xi32, #tpu.memory_space<vmem>>
    %dma_wait3A_368 = arith.constant 0 : i32
    %dma_wait3A_369 = arith.constant 0 : i32
    %dma_wait3A_370 = tpu.memref_slice %arg3[%add3A, %dma_wait3A_354, %dma_wait3A_368, %dma_wait3A_369] : memref<32x125x2x80xi32, #tpu.memory_space<hbm>> -> memref<1x1x2x80xi32, #tpu.memory_space<hbm>>
    %dma_wait3A_371 = tpu.memref_squeeze %dma_wait3A_370 : memref<1x1x2x80xi32, #tpu.memory_space<hbm>> -> memref<2x80xi32, #tpu.memory_space<hbm>>
    tpu.wait_dma2 semaphore(%arg19 : memref<!tpu.dma_semaphore, #tpu.memory_space<semaphore_mem>>) src(%dma_wait3A_371 : memref<2x80xi32, #tpu.memory_space<hbm>>) dst(%dma_wait3A_367 : memref<2x80xi32, #tpu.memory_space<vmem>>)
    %dma_start3A_372 = arith.constant 2 : i32
    %dma_start3A_373 = arith.constant 0 : i32
    %dma_start3A_374 = arith.constant 0 : i32
    %dma_start3A_375 = arith.constant 0 : i32
    %dma_start3A_376 = arith.constant 0 : i32
    %dma_start3A_377 = tpu.memref_slice %arg8[%dma_start3A_374, %dma_start3A_375, %dma_start3A_376] : memref<2x80x128xf32, #tpu.memory_space<vmem>> -> memref<1x80x128xf32, #tpu.memory_space<vmem>>
    %dma_start3A_378 = tpu.memref_squeeze %dma_start3A_377 : memref<1x80x128xf32, #tpu.memory_space<vmem>> -> memref<80x128xf32, #tpu.memory_space<vmem>>
    %dma_start3A_379 = arith.constant 0 : i32
    %dma_start3A_380 = tpu.memref_slice %arg7[%dma_start3A_372, %dma_start3A_373, %dma_start3A_379] : memref<4x2x80xi32, #tpu.memory_space<vmem>> -> memref<1x1x80xi32, #tpu.memory_space<vmem>>
    %dma_start3A_381 = tpu.memref_squeeze %dma_start3A_380 : memref<1x1x80xi32, #tpu.memory_space<vmem>> -> memref<80xi32, #tpu.memory_space<vmem>>
    %dma_start3A_382 = arith.constant 0 : i32
    %dma_start3A_383 = arith.constant 0 : i32
    %dma_start3A_384 = tpu.memref_slice %arg2[%dma_start3A_382, %dma_start3A_383] : memref<10000x128xf32, #tpu.memory_space<hbm>> -> memref<10000x128xf32, #tpu.memory_space<hbm>>
    tpu.enqueue_indirect_dma source(%dma_start3A_384 : memref<10000x128xf32, #tpu.memory_space<hbm>>) target(%dma_start3A_378 : memref<80x128xf32, #tpu.memory_space<vmem>>) offsets(%dma_start3A_381 : memref<80xi32, #tpu.memory_space<vmem>>) semaphore(%arg13 : memref<!tpu.dma_semaphore, #tpu.memory_space<semaphore_mem>>)
    %dma_start3A_385 = arith.constant 2 : i32
    %dma_start3A_386 = arith.constant 1 : i32
    %dma_start3A_387 = arith.constant 2 : i32
    %dma_start3A_388 = arith.constant 0 : i32
    %dma_start3A_389 = tpu.memref_slice %arg9[%dma_start3A_387, %dma_start3A_388] : memref<4x80xf32, #tpu.memory_space<vmem>> -> memref<1x80xf32, #tpu.memory_space<vmem>>
    %dma_start3A_390 = tpu.memref_squeeze %dma_start3A_389 : memref<1x80xf32, #tpu.memory_space<vmem>> -> memref<80xf32, #tpu.memory_space<vmem>>
    %dma_start3A_391 = arith.constant 0 : i32
    %dma_start3A_392 = tpu.memref_slice %arg7[%dma_start3A_385, %dma_start3A_386, %dma_start3A_391] : memref<4x2x80xi32, #tpu.memory_space<vmem>> -> memref<1x1x80xi32, #tpu.memory_space<vmem>>
    %dma_start3A_393 = tpu.memref_squeeze %dma_start3A_392 : memref<1x1x80xi32, #tpu.memory_space<vmem>> -> memref<80xi32, #tpu.memory_space<vmem>>
    %dma_start3A_394 = arith.constant 0 : i32
    %dma_start3A_395 = tpu.memref_slice %arg4[%dma_start3A_394] : memref<10240xf32, #tpu.memory_space<hbm>> -> memref<10240xf32, #tpu.memory_space<hbm>>
    tpu.enqueue_indirect_dma source(%dma_start3A_395 : memref<10240xf32, #tpu.memory_space<hbm>>) target(%dma_start3A_390 : memref<80xf32, #tpu.memory_space<vmem>>) offsets(%dma_start3A_393 : memref<80xi32, #tpu.memory_space<vmem>>) semaphore(%arg23 : memref<!tpu.dma_semaphore, #tpu.memory_space<semaphore_mem>>)
    %dma_wait3A_396 = arith.constant 0 : i32
    %dma_wait3A_397 = arith.constant 0 : i32
    %dma_wait3A_398 = arith.constant 0 : i32
    %dma_wait3A_399 = arith.constant 0 : i32
    %dma_wait3A_400 = arith.constant 0 : i32
    %dma_wait3A_401 = tpu.memref_slice %arg8[%dma_wait3A_398, %dma_wait3A_399, %dma_wait3A_400] : memref<2x80x128xf32, #tpu.memory_space<vmem>> -> memref<1x80x128xf32, #tpu.memory_space<vmem>>
    %dma_wait3A_402 = tpu.memref_squeeze %dma_wait3A_401 : memref<1x80x128xf32, #tpu.memory_space<vmem>> -> memref<80x128xf32, #tpu.memory_space<vmem>>
    %dma_wait3A_403 = arith.constant 0 : i32
    %dma_wait3A_404 = tpu.memref_slice %arg7[%dma_wait3A_396, %dma_wait3A_397, %dma_wait3A_403] : memref<4x2x80xi32, #tpu.memory_space<vmem>> -> memref<1x1x80xi32, #tpu.memory_space<vmem>>
    %dma_wait3A_405 = tpu.memref_squeeze %dma_wait3A_404 : memref<1x1x80xi32, #tpu.memory_space<vmem>> -> memref<80xi32, #tpu.memory_space<vmem>>
    %dma_wait3A_406 = arith.constant 0 : i32
    %dma_wait3A_407 = arith.constant 0 : i32
    %dma_wait3A_408 = tpu.memref_slice %arg2[%dma_wait3A_406, %dma_wait3A_407] : memref<10000x128xf32, #tpu.memory_space<hbm>> -> memref<10000x128xf32, #tpu.memory_space<hbm>>
    tpu.wait_indirect_dma semaphore(%arg13 : memref<!tpu.dma_semaphore, #tpu.memory_space<semaphore_mem>>) src(%dma_wait3A_408 : memref<10000x128xf32, #tpu.memory_space<hbm>>) dst(%dma_wait3A_402 : memref<80x128xf32, #tpu.memory_space<vmem>>)
    %dma_start3A_409 = arith.constant 0 : i32
    %dma_start3A_410 = arith.constant 2 : i32
    %dma_start3A_411 = arith.constant 1 : i32
    %dma_start3A_412 = arith.constant 0 : i32
    %dma_start3A_413 = arith.constant 0 : i32
    %dma_start3A_414 = tpu.memref_slice %arg8[%dma_start3A_409, %dma_start3A_412, %dma_start3A_413] : memref<2x80x128xf32, #tpu.memory_space<vmem>> -> memref<1x80x128xf32, #tpu.memory_space<vmem>>
    %dma_start3A_415 = tpu.memref_squeeze %dma_start3A_414 : memref<1x80x128xf32, #tpu.memory_space<vmem>> -> memref<80x128xf32, #tpu.memory_space<vmem>>
    %dma_start3A_416 = arith.constant 0 : i32
    %dma_start3A_417 = tpu.memref_slice %arg7[%dma_start3A_410, %dma_start3A_411, %dma_start3A_416] : memref<4x2x80xi32, #tpu.memory_space<vmem>> -> memref<1x1x80xi32, #tpu.memory_space<vmem>>
    %dma_start3A_418 = tpu.memref_squeeze %dma_start3A_417 : memref<1x1x80xi32, #tpu.memory_space<vmem>> -> memref<80xi32, #tpu.memory_space<vmem>>
    %dma_start3A_419 = arith.constant 0 : i32
    %dma_start3A_420 = arith.constant 0 : i32
    %dma_start3A_421 = tpu.memref_slice %arg11[%dma_start3A_419, %dma_start3A_420] : memref<10240x128xf32, #tpu.memory_space<vmem_shared>> -> memref<10240x128xf32, #tpu.memory_space<vmem_shared>>
    tpu.enqueue_indirect_dma source(%dma_start3A_415 : memref<80x128xf32, #tpu.memory_space<vmem>>) target(%dma_start3A_421 : memref<10240x128xf32, #tpu.memory_space<vmem_shared>>) offsets(%dma_start3A_418 : memref<80xi32, #tpu.memory_space<vmem>>) semaphore(%arg15 : memref<!tpu.dma_semaphore, #tpu.memory_space<semaphore_mem>>) {add = true}
    %dma_wait3A_422 = arith.constant 0 : i32
    %dma_wait3A_423 = arith.constant 1 : i32
    %dma_wait3A_424 = arith.constant 2 : i32
    %dma_wait3A_425 = arith.constant 0 : i32
    %dma_wait3A_426 = tpu.memref_slice %arg9[%dma_wait3A_424, %dma_wait3A_425] : memref<4x80xf32, #tpu.memory_space<vmem>> -> memref<1x80xf32, #tpu.memory_space<vmem>>
    %dma_wait3A_427 = tpu.memref_squeeze %dma_wait3A_426 : memref<1x80xf32, #tpu.memory_space<vmem>> -> memref<80xf32, #tpu.memory_space<vmem>>
    %dma_wait3A_428 = arith.constant 0 : i32
    %dma_wait3A_429 = tpu.memref_slice %arg7[%dma_wait3A_422, %dma_wait3A_423, %dma_wait3A_428] : memref<4x2x80xi32, #tpu.memory_space<vmem>> -> memref<1x1x80xi32, #tpu.memory_space<vmem>>
    %dma_wait3A_430 = tpu.memref_squeeze %dma_wait3A_429 : memref<1x1x80xi32, #tpu.memory_space<vmem>> -> memref<80xi32, #tpu.memory_space<vmem>>
    %dma_wait3A_431 = arith.constant 0 : i32
    %dma_wait3A_432 = tpu.memref_slice %arg4[%dma_wait3A_431] : memref<10240xf32, #tpu.memory_space<hbm>> -> memref<10240xf32, #tpu.memory_space<hbm>>
    tpu.wait_indirect_dma semaphore(%arg23 : memref<!tpu.dma_semaphore, #tpu.memory_space<semaphore_mem>>) src(%dma_wait3A_432 : memref<10240xf32, #tpu.memory_space<hbm>>) dst(%dma_wait3A_427 : memref<80xf32, #tpu.memory_space<vmem>>)
    %dma_start3A_433 = arith.constant 2 : i32
    %dma_start3A_434 = arith.constant 2 : i32
    %dma_start3A_435 = arith.constant 0 : i32
    %dma_start3A_436 = arith.constant 0 : i32
    %dma_start3A_437 = tpu.memref_slice %arg9[%dma_start3A_433, %dma_start3A_436] : memref<4x80xf32, #tpu.memory_space<vmem>> -> memref<1x80xf32, #tpu.memory_space<vmem>>
    %dma_start3A_438 = tpu.memref_squeeze %dma_start3A_437 : memref<1x80xf32, #tpu.memory_space<vmem>> -> memref<80xf32, #tpu.memory_space<vmem>>
    %dma_start3A_439 = arith.constant 0 : i32
    %dma_start3A_440 = tpu.memref_slice %arg7[%dma_start3A_434, %dma_start3A_435, %dma_start3A_439] : memref<4x2x80xi32, #tpu.memory_space<vmem>> -> memref<1x1x80xi32, #tpu.memory_space<vmem>>
    %dma_start3A_441 = tpu.memref_squeeze %dma_start3A_440 : memref<1x1x80xi32, #tpu.memory_space<vmem>> -> memref<80xi32, #tpu.memory_space<vmem>>
    %dma_start3A_442 = arith.constant 0 : i32
    %dma_start3A_443 = tpu.memref_slice %arg12[%dma_start3A_442] : memref<10240xf32, #tpu.memory_space<vmem_shared>> -> memref<10240xf32, #tpu.memory_space<vmem_shared>>
    tpu.enqueue_indirect_dma source(%dma_start3A_438 : memref<80xf32, #tpu.memory_space<vmem>>) target(%dma_start3A_443 : memref<10240xf32, #tpu.memory_space<vmem_shared>>) offsets(%dma_start3A_441 : memref<80xi32, #tpu.memory_space<vmem>>) semaphore(%arg25 : memref<!tpu.dma_semaphore, #tpu.memory_space<semaphore_mem>>) {add = true}
    %dma_wait3A_444 = arith.constant 1 : i32
    %dma_wait3A_445 = arith.constant 0 : i32
    %dma_wait3A_446 = arith.constant 1 : i32
    %dma_wait3A_447 = arith.constant 0 : i32
    %dma_wait3A_448 = arith.constant 0 : i32
    %dma_wait3A_449 = tpu.memref_slice %arg8[%dma_wait3A_444, %dma_wait3A_447, %dma_wait3A_448] : memref<2x80x128xf32, #tpu.memory_space<vmem>> -> memref<1x80x128xf32, #tpu.memory_space<vmem>>
    %dma_wait3A_450 = tpu.memref_squeeze %dma_wait3A_449 : memref<1x80x128xf32, #tpu.memory_space<vmem>> -> memref<80x128xf32, #tpu.memory_space<vmem>>
    %dma_wait3A_451 = arith.constant 0 : i32
    %dma_wait3A_452 = tpu.memref_slice %arg7[%dma_wait3A_445, %dma_wait3A_446, %dma_wait3A_451] : memref<4x2x80xi32, #tpu.memory_space<vmem>> -> memref<1x1x80xi32, #tpu.memory_space<vmem>>
    %dma_wait3A_453 = tpu.memref_squeeze %dma_wait3A_452 : memref<1x1x80xi32, #tpu.memory_space<vmem>> -> memref<80xi32, #tpu.memory_space<vmem>>
    %dma_wait3A_454 = arith.constant 0 : i32
    %dma_wait3A_455 = arith.constant 0 : i32
    %dma_wait3A_456 = tpu.memref_slice %arg11[%dma_wait3A_454, %dma_wait3A_455] : memref<10240x128xf32, #tpu.memory_space<vmem_shared>> -> memref<10240x128xf32, #tpu.memory_space<vmem_shared>>
    tpu.wait_indirect_dma semaphore(%arg16 : memref<!tpu.dma_semaphore, #tpu.memory_space<semaphore_mem>>) src(%dma_wait3A_450 : memref<80x128xf32, #tpu.memory_space<vmem>>) dst(%dma_wait3A_456 : memref<10240x128xf32, #tpu.memory_space<vmem_shared>>)
    %dma_wait3A_457 = arith.constant 0 : i32
    %dma_wait3A_458 = arith.constant 0 : i32
    %dma_wait3A_459 = arith.constant 0 : i32
    %dma_wait3A_460 = arith.constant 0 : i32
    %dma_wait3A_461 = tpu.memref_slice %arg9[%dma_wait3A_457, %dma_wait3A_460] : memref<4x80xf32, #tpu.memory_space<vmem>> -> memref<1x80xf32, #tpu.memory_space<vmem>>
    %dma_wait3A_462 = tpu.memref_squeeze %dma_wait3A_461 : memref<1x80xf32, #tpu.memory_space<vmem>> -> memref<80xf32, #tpu.memory_space<vmem>>
    %dma_wait3A_463 = arith.constant 0 : i32
    %dma_wait3A_464 = tpu.memref_slice %arg7[%dma_wait3A_458, %dma_wait3A_459, %dma_wait3A_463] : memref<4x2x80xi32, #tpu.memory_space<vmem>> -> memref<1x1x80xi32, #tpu.memory_space<vmem>>
    %dma_wait3A_465 = tpu.memref_squeeze %dma_wait3A_464 : memref<1x1x80xi32, #tpu.memory_space<vmem>> -> memref<80xi32, #tpu.memory_space<vmem>>
    %dma_wait3A_466 = arith.constant 0 : i32
    %dma_wait3A_467 = tpu.memref_slice %arg12[%dma_wait3A_466] : memref<10240xf32, #tpu.memory_space<vmem_shared>> -> memref<10240xf32, #tpu.memory_space<vmem_shared>>
    tpu.wait_indirect_dma semaphore(%arg26 : memref<!tpu.dma_semaphore, #tpu.memory_space<semaphore_mem>>) src(%dma_wait3A_462 : memref<80xf32, #tpu.memory_space<vmem>>) dst(%dma_wait3A_467 : memref<10240xf32, #tpu.memory_space<vmem_shared>>)
    %dma_wait3A_468 = arith.constant 0 : i32
    %dma_wait3A_469 = arith.constant 3 : i32
    %dma_wait3A_470 = arith.constant 0 : i32
    %dma_wait3A_471 = arith.constant 0 : i32
    %dma_wait3A_472 = tpu.memref_slice %arg7[%dma_wait3A_469, %dma_wait3A_470, %dma_wait3A_471] : memref<4x2x80xi32, #tpu.memory_space<vmem>> -> memref<1x2x80xi32, #tpu.memory_space<vmem>>
    %dma_wait3A_473 = tpu.memref_squeeze %dma_wait3A_472 : memref<1x2x80xi32, #tpu.memory_space<vmem>> -> memref<2x80xi32, #tpu.memory_space<vmem>>
    %dma_wait3A_474 = arith.constant 0 : i32
    %dma_wait3A_475 = arith.constant 0 : i32
    %dma_wait3A_476 = tpu.memref_slice %arg3[%add3A, %dma_wait3A_468, %dma_wait3A_474, %dma_wait3A_475] : memref<32x125x2x80xi32, #tpu.memory_space<hbm>> -> memref<1x1x2x80xi32, #tpu.memory_space<hbm>>
    %dma_wait3A_477 = tpu.memref_squeeze %dma_wait3A_476 : memref<1x1x2x80xi32, #tpu.memory_space<hbm>> -> memref<2x80xi32, #tpu.memory_space<hbm>>
    %dma_wait3A_478 = arith.constant 0 : i32
    %dma_wait3A_479 = arith.constant 0 : i32
    %dma_wait3A_480 = tpu.memref_slice %arg7[%dma_wait3A_469, %dma_wait3A_478, %dma_wait3A_479] : memref<4x2x80xi32, #tpu.memory_space<vmem>> -> memref<1x2x80xi32, #tpu.memory_space<vmem>>
    %dma_wait3A_481 = tpu.memref_squeeze %dma_wait3A_480 : memref<1x2x80xi32, #tpu.memory_space<vmem>> -> memref<2x80xi32, #tpu.memory_space<vmem>>
    %dma_wait3A_482 = arith.constant 0 : i32
    %dma_wait3A_483 = arith.constant 0 : i32
    %dma_wait3A_484 = tpu.memref_slice %arg3[%add3A, %dma_wait3A_468, %dma_wait3A_482, %dma_wait3A_483] : memref<32x125x2x80xi32, #tpu.memory_space<hbm>> -> memref<1x1x2x80xi32, #tpu.memory_space<hbm>>
    %dma_wait3A_485 = tpu.memref_squeeze %dma_wait3A_484 : memref<1x1x2x80xi32, #tpu.memory_space<hbm>> -> memref<2x80xi32, #tpu.memory_space<hbm>>
    tpu.wait_dma2 semaphore(%arg20 : memref<!tpu.dma_semaphore, #tpu.memory_space<semaphore_mem>>) src(%dma_wait3A_485 : memref<2x80xi32, #tpu.memory_space<hbm>>) dst(%dma_wait3A_481 : memref<2x80xi32, #tpu.memory_space<vmem>>)
    %dma_start3A_486 = arith.constant 3 : i32
    %dma_start3A_487 = arith.constant 0 : i32
    %dma_start3A_488 = arith.constant 1 : i32
    %dma_start3A_489 = arith.constant 0 : i32
    %dma_start3A_490 = arith.constant 0 : i32
    %dma_start3A_491 = tpu.memref_slice %arg8[%dma_start3A_488, %dma_start3A_489, %dma_start3A_490] : memref<2x80x128xf32, #tpu.memory_space<vmem>> -> memref<1x80x128xf32, #tpu.memory_space<vmem>>
    %dma_start3A_492 = tpu.memref_squeeze %dma_start3A_491 : memref<1x80x128xf32, #tpu.memory_space<vmem>> -> memref<80x128xf32, #tpu.memory_space<vmem>>
    %dma_start3A_493 = arith.constant 0 : i32
    %dma_start3A_494 = tpu.memref_slice %arg7[%dma_start3A_486, %dma_start3A_487, %dma_start3A_493] : memref<4x2x80xi32, #tpu.memory_space<vmem>> -> memref<1x1x80xi32, #tpu.memory_space<vmem>>
    %dma_start3A_495 = tpu.memref_squeeze %dma_start3A_494 : memref<1x1x80xi32, #tpu.memory_space<vmem>> -> memref<80xi32, #tpu.memory_space<vmem>>
    %dma_start3A_496 = arith.constant 0 : i32
    %dma_start3A_497 = arith.constant 0 : i32
    %dma_start3A_498 = tpu.memref_slice %arg2[%dma_start3A_496, %dma_start3A_497] : memref<10000x128xf32, #tpu.memory_space<hbm>> -> memref<10000x128xf32, #tpu.memory_space<hbm>>
    tpu.enqueue_indirect_dma source(%dma_start3A_498 : memref<10000x128xf32, #tpu.memory_space<hbm>>) target(%dma_start3A_492 : memref<80x128xf32, #tpu.memory_space<vmem>>) offsets(%dma_start3A_495 : memref<80xi32, #tpu.memory_space<vmem>>) semaphore(%arg14 : memref<!tpu.dma_semaphore, #tpu.memory_space<semaphore_mem>>)
    %dma_start3A_499 = arith.constant 3 : i32
    %dma_start3A_500 = arith.constant 1 : i32
    %dma_start3A_501 = arith.constant 3 : i32
    %dma_start3A_502 = arith.constant 0 : i32
    %dma_start3A_503 = tpu.memref_slice %arg9[%dma_start3A_501, %dma_start3A_502] : memref<4x80xf32, #tpu.memory_space<vmem>> -> memref<1x80xf32, #tpu.memory_space<vmem>>
    %dma_start3A_504 = tpu.memref_squeeze %dma_start3A_503 : memref<1x80xf32, #tpu.memory_space<vmem>> -> memref<80xf32, #tpu.memory_space<vmem>>
    %dma_start3A_505 = arith.constant 0 : i32
    %dma_start3A_506 = tpu.memref_slice %arg7[%dma_start3A_499, %dma_start3A_500, %dma_start3A_505] : memref<4x2x80xi32, #tpu.memory_space<vmem>> -> memref<1x1x80xi32, #tpu.memory_space<vmem>>
    %dma_start3A_507 = tpu.memref_squeeze %dma_start3A_506 : memref<1x1x80xi32, #tpu.memory_space<vmem>> -> memref<80xi32, #tpu.memory_space<vmem>>
    %dma_start3A_508 = arith.constant 0 : i32
    %dma_start3A_509 = tpu.memref_slice %arg4[%dma_start3A_508] : memref<10240xf32, #tpu.memory_space<hbm>> -> memref<10240xf32, #tpu.memory_space<hbm>>
    tpu.enqueue_indirect_dma source(%dma_start3A_509 : memref<10240xf32, #tpu.memory_space<hbm>>) target(%dma_start3A_504 : memref<80xf32, #tpu.memory_space<vmem>>) offsets(%dma_start3A_507 : memref<80xi32, #tpu.memory_space<vmem>>) semaphore(%arg24 : memref<!tpu.dma_semaphore, #tpu.memory_space<semaphore_mem>>)
    %dma_wait3A_510 = arith.constant 0 : i32
    %dma_wait3A_511 = arith.constant 0 : i32
    %dma_wait3A_512 = arith.constant 1 : i32
    %dma_wait3A_513 = arith.constant 0 : i32
    %dma_wait3A_514 = arith.constant 0 : i32
    %dma_wait3A_515 = tpu.memref_slice %arg8[%dma_wait3A_512, %dma_wait3A_513, %dma_wait3A_514] : memref<2x80x128xf32, #tpu.memory_space<vmem>> -> memref<1x80x128xf32, #tpu.memory_space<vmem>>
    %dma_wait3A_516 = tpu.memref_squeeze %dma_wait3A_515 : memref<1x80x128xf32, #tpu.memory_space<vmem>> -> memref<80x128xf32, #tpu.memory_space<vmem>>
    %dma_wait3A_517 = arith.constant 0 : i32
    %dma_wait3A_518 = tpu.memref_slice %arg7[%dma_wait3A_510, %dma_wait3A_511, %dma_wait3A_517] : memref<4x2x80xi32, #tpu.memory_space<vmem>> -> memref<1x1x80xi32, #tpu.memory_space<vmem>>
    %dma_wait3A_519 = tpu.memref_squeeze %dma_wait3A_518 : memref<1x1x80xi32, #tpu.memory_space<vmem>> -> memref<80xi32, #tpu.memory_space<vmem>>
    %dma_wait3A_520 = arith.constant 0 : i32
    %dma_wait3A_521 = arith.constant 0 : i32
    %dma_wait3A_522 = tpu.memref_slice %arg2[%dma_wait3A_520, %dma_wait3A_521] : memref<10000x128xf32, #tpu.memory_space<hbm>> -> memref<10000x128xf32, #tpu.memory_space<hbm>>
    tpu.wait_indirect_dma semaphore(%arg14 : memref<!tpu.dma_semaphore, #tpu.memory_space<semaphore_mem>>) src(%dma_wait3A_522 : memref<10000x128xf32, #tpu.memory_space<hbm>>) dst(%dma_wait3A_516 : memref<80x128xf32, #tpu.memory_space<vmem>>)
    %dma_start3A_523 = arith.constant 1 : i32
    %dma_start3A_524 = arith.constant 3 : i32
    %dma_start3A_525 = arith.constant 1 : i32
    %dma_start3A_526 = arith.constant 0 : i32
    %dma_start3A_527 = arith.constant 0 : i32
    %dma_start3A_528 = tpu.memref_slice %arg8[%dma_start3A_523, %dma_start3A_526, %dma_start3A_527] : memref<2x80x128xf32, #tpu.memory_space<vmem>> -> memref<1x80x128xf32, #tpu.memory_space<vmem>>
    %dma_start3A_529 = tpu.memref_squeeze %dma_start3A_528 : memref<1x80x128xf32, #tpu.memory_space<vmem>> -> memref<80x128xf32, #tpu.memory_space<vmem>>
    %dma_start3A_530 = arith.constant 0 : i32
    %dma_start3A_531 = tpu.memref_slice %arg7[%dma_start3A_524, %dma_start3A_525, %dma_start3A_530] : memref<4x2x80xi32, #tpu.memory_space<vmem>> -> memref<1x1x80xi32, #tpu.memory_space<vmem>>
    %dma_start3A_532 = tpu.memref_squeeze %dma_start3A_531 : memref<1x1x80xi32, #tpu.memory_space<vmem>> -> memref<80xi32, #tpu.memory_space<vmem>>
    %dma_start3A_533 = arith.constant 0 : i32
    %dma_start3A_534 = arith.constant 0 : i32
    %dma_start3A_535 = tpu.memref_slice %arg11[%dma_start3A_533, %dma_start3A_534] : memref<10240x128xf32, #tpu.memory_space<vmem_shared>> -> memref<10240x128xf32, #tpu.memory_space<vmem_shared>>
    tpu.enqueue_indirect_dma source(%dma_start3A_529 : memref<80x128xf32, #tpu.memory_space<vmem>>) target(%dma_start3A_535 : memref<10240x128xf32, #tpu.memory_space<vmem_shared>>) offsets(%dma_start3A_532 : memref<80xi32, #tpu.memory_space<vmem>>) semaphore(%arg16 : memref<!tpu.dma_semaphore, #tpu.memory_space<semaphore_mem>>) {add = true}
    %dma_wait3A_536 = arith.constant 0 : i32
    %dma_wait3A_537 = arith.constant 1 : i32
    %dma_wait3A_538 = arith.constant 3 : i32
    %dma_wait3A_539 = arith.constant 0 : i32
    %dma_wait3A_540 = tpu.memref_slice %arg9[%dma_wait3A_538, %dma_wait3A_539] : memref<4x80xf32, #tpu.memory_space<vmem>> -> memref<1x80xf32, #tpu.memory_space<vmem>>
    %dma_wait3A_541 = tpu.memref_squeeze %dma_wait3A_540 : memref<1x80xf32, #tpu.memory_space<vmem>> -> memref<80xf32, #tpu.memory_space<vmem>>
    %dma_wait3A_542 = arith.constant 0 : i32
    %dma_wait3A_543 = tpu.memref_slice %arg7[%dma_wait3A_536, %dma_wait3A_537, %dma_wait3A_542] : memref<4x2x80xi32, #tpu.memory_space<vmem>> -> memref<1x1x80xi32, #tpu.memory_space<vmem>>
    %dma_wait3A_544 = tpu.memref_squeeze %dma_wait3A_543 : memref<1x1x80xi32, #tpu.memory_space<vmem>> -> memref<80xi32, #tpu.memory_space<vmem>>
    %dma_wait3A_545 = arith.constant 0 : i32
    %dma_wait3A_546 = tpu.memref_slice %arg4[%dma_wait3A_545] : memref<10240xf32, #tpu.memory_space<hbm>> -> memref<10240xf32, #tpu.memory_space<hbm>>
    tpu.wait_indirect_dma semaphore(%arg24 : memref<!tpu.dma_semaphore, #tpu.memory_space<semaphore_mem>>) src(%dma_wait3A_546 : memref<10240xf32, #tpu.memory_space<hbm>>) dst(%dma_wait3A_541 : memref<80xf32, #tpu.memory_space<vmem>>)
    %dma_start3A_547 = arith.constant 3 : i32
    %dma_start3A_548 = arith.constant 3 : i32
    %dma_start3A_549 = arith.constant 0 : i32
    %dma_start3A_550 = arith.constant 0 : i32
    %dma_start3A_551 = tpu.memref_slice %arg9[%dma_start3A_547, %dma_start3A_550] : memref<4x80xf32, #tpu.memory_space<vmem>> -> memref<1x80xf32, #tpu.memory_space<vmem>>
    %dma_start3A_552 = tpu.memref_squeeze %dma_start3A_551 : memref<1x80xf32, #tpu.memory_space<vmem>> -> memref<80xf32, #tpu.memory_space<vmem>>
    %dma_start3A_553 = arith.constant 0 : i32
    %dma_start3A_554 = tpu.memref_slice %arg7[%dma_start3A_548, %dma_start3A_549, %dma_start3A_553] : memref<4x2x80xi32, #tpu.memory_space<vmem>> -> memref<1x1x80xi32, #tpu.memory_space<vmem>>
    %dma_start3A_555 = tpu.memref_squeeze %dma_start3A_554 : memref<1x1x80xi32, #tpu.memory_space<vmem>> -> memref<80xi32, #tpu.memory_space<vmem>>
    %dma_start3A_556 = arith.constant 0 : i32
    %dma_start3A_557 = tpu.memref_slice %arg12[%dma_start3A_556] : memref<10240xf32, #tpu.memory_space<vmem_shared>> -> memref<10240xf32, #tpu.memory_space<vmem_shared>>
    tpu.enqueue_indirect_dma source(%dma_start3A_552 : memref<80xf32, #tpu.memory_space<vmem>>) target(%dma_start3A_557 : memref<10240xf32, #tpu.memory_space<vmem_shared>>) offsets(%dma_start3A_555 : memref<80xi32, #tpu.memory_space<vmem>>) semaphore(%arg26 : memref<!tpu.dma_semaphore, #tpu.memory_space<semaphore_mem>>) {add = true}
    %dma_wait3A_558 = arith.constant 0 : i32
    %dma_wait3A_559 = arith.constant 0 : i32
    %dma_wait3A_560 = arith.constant 1 : i32
    %dma_wait3A_561 = arith.constant 0 : i32
    %dma_wait3A_562 = arith.constant 0 : i32
    %dma_wait3A_563 = tpu.memref_slice %arg8[%dma_wait3A_558, %dma_wait3A_561, %dma_wait3A_562] : memref<2x80x128xf32, #tpu.memory_space<vmem>> -> memref<1x80x128xf32, #tpu.memory_space<vmem>>
    %dma_wait3A_564 = tpu.memref_squeeze %dma_wait3A_563 : memref<1x80x128xf32, #tpu.memory_space<vmem>> -> memref<80x128xf32, #tpu.memory_space<vmem>>
    %dma_wait3A_565 = arith.constant 0 : i32
    %dma_wait3A_566 = tpu.memref_slice %arg7[%dma_wait3A_559, %dma_wait3A_560, %dma_wait3A_565] : memref<4x2x80xi32, #tpu.memory_space<vmem>> -> memref<1x1x80xi32, #tpu.memory_space<vmem>>
    %dma_wait3A_567 = tpu.memref_squeeze %dma_wait3A_566 : memref<1x1x80xi32, #tpu.memory_space<vmem>> -> memref<80xi32, #tpu.memory_space<vmem>>
    %dma_wait3A_568 = arith.constant 0 : i32
    %dma_wait3A_569 = arith.constant 0 : i32
    %dma_wait3A_570 = tpu.memref_slice %arg11[%dma_wait3A_568, %dma_wait3A_569] : memref<10240x128xf32, #tpu.memory_space<vmem_shared>> -> memref<10240x128xf32, #tpu.memory_space<vmem_shared>>
    tpu.wait_indirect_dma semaphore(%arg15 : memref<!tpu.dma_semaphore, #tpu.memory_space<semaphore_mem>>) src(%dma_wait3A_564 : memref<80x128xf32, #tpu.memory_space<vmem>>) dst(%dma_wait3A_570 : memref<10240x128xf32, #tpu.memory_space<vmem_shared>>)
    %dma_wait3A_571 = arith.constant 0 : i32
    %dma_wait3A_572 = arith.constant 0 : i32
    %dma_wait3A_573 = arith.constant 0 : i32
    %dma_wait3A_574 = arith.constant 0 : i32
    %dma_wait3A_575 = tpu.memref_slice %arg9[%dma_wait3A_571, %dma_wait3A_574] : memref<4x80xf32, #tpu.memory_space<vmem>> -> memref<1x80xf32, #tpu.memory_space<vmem>>
    %dma_wait3A_576 = tpu.memref_squeeze %dma_wait3A_575 : memref<1x80xf32, #tpu.memory_space<vmem>> -> memref<80xf32, #tpu.memory_space<vmem>>
    %dma_wait3A_577 = arith.constant 0 : i32
    %dma_wait3A_578 = tpu.memref_slice %arg7[%dma_wait3A_572, %dma_wait3A_573, %dma_wait3A_577] : memref<4x2x80xi32, #tpu.memory_space<vmem>> -> memref<1x1x80xi32, #tpu.memory_space<vmem>>
    %dma_wait3A_579 = tpu.memref_squeeze %dma_wait3A_578 : memref<1x1x80xi32, #tpu.memory_space<vmem>> -> memref<80xi32, #tpu.memory_space<vmem>>
    %dma_wait3A_580 = arith.constant 0 : i32
    %dma_wait3A_581 = tpu.memref_slice %arg12[%dma_wait3A_580] : memref<10240xf32, #tpu.memory_space<vmem_shared>> -> memref<10240xf32, #tpu.memory_space<vmem_shared>>
    tpu.wait_indirect_dma semaphore(%arg25 : memref<!tpu.dma_semaphore, #tpu.memory_space<semaphore_mem>>) src(%dma_wait3A_576 : memref<80xf32, #tpu.memory_space<vmem>>) dst(%dma_wait3A_581 : memref<10240xf32, #tpu.memory_space<vmem_shared>>)
    %dma_wait3A_582 = arith.constant 0 : i32
    %dma_wait3A_583 = arith.constant 0 : i32
    %dma_wait3A_584 = arith.constant 0 : i32
    %dma_wait3A_585 = arith.constant 0 : i32
    %dma_wait3A_586 = tpu.memref_slice %arg7[%dma_wait3A_583, %dma_wait3A_584, %dma_wait3A_585] : memref<4x2x80xi32, #tpu.memory_space<vmem>> -> memref<1x2x80xi32, #tpu.memory_space<vmem>>
    %dma_wait3A_587 = tpu.memref_squeeze %dma_wait3A_586 : memref<1x2x80xi32, #tpu.memory_space<vmem>> -> memref<2x80xi32, #tpu.memory_space<vmem>>
    %dma_wait3A_588 = arith.constant 0 : i32
    %dma_wait3A_589 = arith.constant 0 : i32
    %dma_wait3A_590 = tpu.memref_slice %arg3[%add3A, %dma_wait3A_582, %dma_wait3A_588, %dma_wait3A_589] : memref<32x125x2x80xi32, #tpu.memory_space<hbm>> -> memref<1x1x2x80xi32, #tpu.memory_space<hbm>>
    %dma_wait3A_591 = tpu.memref_squeeze %dma_wait3A_590 : memref<1x1x2x80xi32, #tpu.memory_space<hbm>> -> memref<2x80xi32, #tpu.memory_space<hbm>>
    %dma_wait3A_592 = arith.constant 0 : i32
    %dma_wait3A_593 = arith.constant 0 : i32
    %dma_wait3A_594 = tpu.memref_slice %arg7[%dma_wait3A_583, %dma_wait3A_592, %dma_wait3A_593] : memref<4x2x80xi32, #tpu.memory_space<vmem>> -> memref<1x2x80xi32, #tpu.memory_space<vmem>>
    %dma_wait3A_595 = tpu.memref_squeeze %dma_wait3A_594 : memref<1x2x80xi32, #tpu.memory_space<vmem>> -> memref<2x80xi32, #tpu.memory_space<vmem>>
    %dma_wait3A_596 = arith.constant 0 : i32
    %dma_wait3A_597 = arith.constant 0 : i32
    %dma_wait3A_598 = tpu.memref_slice %arg3[%add3A, %dma_wait3A_582, %dma_wait3A_596, %dma_wait3A_597] : memref<32x125x2x80xi32, #tpu.memory_space<hbm>> -> memref<1x1x2x80xi32, #tpu.memory_space<hbm>>
    %dma_wait3A_599 = tpu.memref_squeeze %dma_wait3A_598 : memref<1x1x2x80xi32, #tpu.memory_space<hbm>> -> memref<2x80xi32, #tpu.memory_space<hbm>>
    tpu.wait_dma2 semaphore(%arg17 : memref<!tpu.dma_semaphore, #tpu.memory_space<semaphore_mem>>) src(%dma_wait3A_599 : memref<2x80xi32, #tpu.memory_space<hbm>>) dst(%dma_wait3A_595 : memref<2x80xi32, #tpu.memory_space<vmem>>)
    %dma_start3A_600 = arith.constant 0 : i32
    %dma_start3A_601 = arith.constant 0 : i32
    %dma_start3A_602 = arith.constant 0 : i32
    %dma_start3A_603 = arith.constant 0 : i32
    %dma_start3A_604 = arith.constant 0 : i32
    %dma_start3A_605 = tpu.memref_slice %arg8[%dma_start3A_602, %dma_start3A_603, %dma_start3A_604] : memref<2x80x128xf32, #tpu.memory_space<vmem>> -> memref<1x80x128xf32, #tpu.memory_space<vmem>>
    %dma_start3A_606 = tpu.memref_squeeze %dma_start3A_605 : memref<1x80x128xf32, #tpu.memory_space<vmem>> -> memref<80x128xf32, #tpu.memory_space<vmem>>
    %dma_start3A_607 = arith.constant 0 : i32
    %dma_start3A_608 = tpu.memref_slice %arg7[%dma_start3A_600, %dma_start3A_601, %dma_start3A_607] : memref<4x2x80xi32, #tpu.memory_space<vmem>> -> memref<1x1x80xi32, #tpu.memory_space<vmem>>
    %dma_start3A_609 = tpu.memref_squeeze %dma_start3A_608 : memref<1x1x80xi32, #tpu.memory_space<vmem>> -> memref<80xi32, #tpu.memory_space<vmem>>
    %dma_start3A_610 = arith.constant 0 : i32
    %dma_start3A_611 = arith.constant 0 : i32
    %dma_start3A_612 = tpu.memref_slice %arg2[%dma_start3A_610, %dma_start3A_611] : memref<10000x128xf32, #tpu.memory_space<hbm>> -> memref<10000x128xf32, #tpu.memory_space<hbm>>
    tpu.enqueue_indirect_dma source(%dma_start3A_612 : memref<10000x128xf32, #tpu.memory_space<hbm>>) target(%dma_start3A_606 : memref<80x128xf32, #tpu.memory_space<vmem>>) offsets(%dma_start3A_609 : memref<80xi32, #tpu.memory_space<vmem>>) semaphore(%arg13 : memref<!tpu.dma_semaphore, #tpu.memory_space<semaphore_mem>>)
    %dma_start3A_613 = arith.constant 0 : i32
    %dma_start3A_614 = arith.constant 1 : i32
    %dma_start3A_615 = arith.constant 0 : i32
    %dma_start3A_616 = arith.constant 0 : i32
    %dma_start3A_617 = tpu.memref_slice %arg9[%dma_start3A_615, %dma_start3A_616] : memref<4x80xf32, #tpu.memory_space<vmem>> -> memref<1x80xf32, #tpu.memory_space<vmem>>
    %dma_start3A_618 = tpu.memref_squeeze %dma_start3A_617 : memref<1x80xf32, #tpu.memory_space<vmem>> -> memref<80xf32, #tpu.memory_space<vmem>>
    %dma_start3A_619 = arith.constant 0 : i32
    %dma_start3A_620 = tpu.memref_slice %arg7[%dma_start3A_613, %dma_start3A_614, %dma_start3A_619] : memref<4x2x80xi32, #tpu.memory_space<vmem>> -> memref<1x1x80xi32, #tpu.memory_space<vmem>>
    %dma_start3A_621 = tpu.memref_squeeze %dma_start3A_620 : memref<1x1x80xi32, #tpu.memory_space<vmem>> -> memref<80xi32, #tpu.memory_space<vmem>>
    %dma_start3A_622 = arith.constant 0 : i32
    %dma_start3A_623 = tpu.memref_slice %arg4[%dma_start3A_622] : memref<10240xf32, #tpu.memory_space<hbm>> -> memref<10240xf32, #tpu.memory_space<hbm>>
    tpu.enqueue_indirect_dma source(%dma_start3A_623 : memref<10240xf32, #tpu.memory_space<hbm>>) target(%dma_start3A_618 : memref<80xf32, #tpu.memory_space<vmem>>) offsets(%dma_start3A_621 : memref<80xi32, #tpu.memory_space<vmem>>) semaphore(%arg21 : memref<!tpu.dma_semaphore, #tpu.memory_space<semaphore_mem>>)
    %dma_wait3A_624 = arith.constant 0 : i32
    %dma_wait3A_625 = arith.constant 0 : i32
    %dma_wait3A_626 = arith.constant 0 : i32
    %dma_wait3A_627 = arith.constant 0 : i32
    %dma_wait3A_628 = arith.constant 0 : i32
    %dma_wait3A_629 = tpu.memref_slice %arg8[%dma_wait3A_626, %dma_wait3A_627, %dma_wait3A_628] : memref<2x80x128xf32, #tpu.memory_space<vmem>> -> memref<1x80x128xf32, #tpu.memory_space<vmem>>
    %dma_wait3A_630 = tpu.memref_squeeze %dma_wait3A_629 : memref<1x80x128xf32, #tpu.memory_space<vmem>> -> memref<80x128xf32, #tpu.memory_space<vmem>>
    %dma_wait3A_631 = arith.constant 0 : i32
    %dma_wait3A_632 = tpu.memref_slice %arg7[%dma_wait3A_624, %dma_wait3A_625, %dma_wait3A_631] : memref<4x2x80xi32, #tpu.memory_space<vmem>> -> memref<1x1x80xi32, #tpu.memory_space<vmem>>
    %dma_wait3A_633 = tpu.memref_squeeze %dma_wait3A_632 : memref<1x1x80xi32, #tpu.memory_space<vmem>> -> memref<80xi32, #tpu.memory_space<vmem>>
    %dma_wait3A_634 = arith.constant 0 : i32
    %dma_wait3A_635 = arith.constant 0 : i32
    %dma_wait3A_636 = tpu.memref_slice %arg2[%dma_wait3A_634, %dma_wait3A_635] : memref<10000x128xf32, #tpu.memory_space<hbm>> -> memref<10000x128xf32, #tpu.memory_space<hbm>>
    tpu.wait_indirect_dma semaphore(%arg13 : memref<!tpu.dma_semaphore, #tpu.memory_space<semaphore_mem>>) src(%dma_wait3A_636 : memref<10000x128xf32, #tpu.memory_space<hbm>>) dst(%dma_wait3A_630 : memref<80x128xf32, #tpu.memory_space<vmem>>)
    %dma_start3A_637 = arith.constant 0 : i32
    %dma_start3A_638 = arith.constant 0 : i32
    %dma_start3A_639 = arith.constant 1 : i32
    %dma_start3A_640 = arith.constant 0 : i32
    %dma_start3A_641 = arith.constant 0 : i32
    %dma_start3A_642 = tpu.memref_slice %arg8[%dma_start3A_637, %dma_start3A_640, %dma_start3A_641] : memref<2x80x128xf32, #tpu.memory_space<vmem>> -> memref<1x80x128xf32, #tpu.memory_space<vmem>>
    %dma_start3A_643 = tpu.memref_squeeze %dma_start3A_642 : memref<1x80x128xf32, #tpu.memory_space<vmem>> -> memref<80x128xf32, #tpu.memory_space<vmem>>
    %dma_start3A_644 = arith.constant 0 : i32
    %dma_start3A_645 = tpu.memref_slice %arg7[%dma_start3A_638, %dma_start3A_639, %dma_start3A_644] : memref<4x2x80xi32, #tpu.memory_space<vmem>> -> memref<1x1x80xi32, #tpu.memory_space<vmem>>
    %dma_start3A_646 = tpu.memref_squeeze %dma_start3A_645 : memref<1x1x80xi32, #tpu.memory_space<vmem>> -> memref<80xi32, #tpu.memory_space<vmem>>
    %dma_start3A_647 = arith.constant 0 : i32
    %dma_start3A_648 = arith.constant 0 : i32
    %dma_start3A_649 = tpu.memref_slice %arg11[%dma_start3A_647, %dma_start3A_648] : memref<10240x128xf32, #tpu.memory_space<vmem_shared>> -> memref<10240x128xf32, #tpu.memory_space<vmem_shared>>
    tpu.enqueue_indirect_dma source(%dma_start3A_643 : memref<80x128xf32, #tpu.memory_space<vmem>>) target(%dma_start3A_649 : memref<10240x128xf32, #tpu.memory_space<vmem_shared>>) offsets(%dma_start3A_646 : memref<80xi32, #tpu.memory_space<vmem>>) semaphore(%arg15 : memref<!tpu.dma_semaphore, #tpu.memory_space<semaphore_mem>>) {add = true}
    %dma_wait3A_650 = arith.constant 0 : i32
    %dma_wait3A_651 = arith.constant 1 : i32
    %dma_wait3A_652 = arith.constant 0 : i32
    %dma_wait3A_653 = arith.constant 0 : i32
    %dma_wait3A_654 = tpu.memref_slice %arg9[%dma_wait3A_652, %dma_wait3A_653] : memref<4x80xf32, #tpu.memory_space<vmem>> -> memref<1x80xf32, #tpu.memory_space<vmem>>
    %dma_wait3A_655 = tpu.memref_squeeze %dma_wait3A_654 : memref<1x80xf32, #tpu.memory_space<vmem>> -> memref<80xf32, #tpu.memory_space<vmem>>
    %dma_wait3A_656 = arith.constant 0 : i32
    %dma_wait3A_657 = tpu.memref_slice %arg7[%dma_wait3A_650, %dma_wait3A_651, %dma_wait3A_656] : memref<4x2x80xi32, #tpu.memory_space<vmem>> -> memref<1x1x80xi32, #tpu.memory_space<vmem>>
    %dma_wait3A_658 = tpu.memref_squeeze %dma_wait3A_657 : memref<1x1x80xi32, #tpu.memory_space<vmem>> -> memref<80xi32, #tpu.memory_space<vmem>>
    %dma_wait3A_659 = arith.constant 0 : i32
    %dma_wait3A_660 = tpu.memref_slice %arg4[%dma_wait3A_659] : memref<10240xf32, #tpu.memory_space<hbm>> -> memref<10240xf32, #tpu.memory_space<hbm>>
    tpu.wait_indirect_dma semaphore(%arg21 : memref<!tpu.dma_semaphore, #tpu.memory_space<semaphore_mem>>) src(%dma_wait3A_660 : memref<10240xf32, #tpu.memory_space<hbm>>) dst(%dma_wait3A_655 : memref<80xf32, #tpu.memory_space<vmem>>)
    %dma_start3A_661 = arith.constant 0 : i32
    %dma_start3A_662 = arith.constant 0 : i32
    %dma_start3A_663 = arith.constant 0 : i32
    %dma_start3A_664 = arith.constant 0 : i32
    %dma_start3A_665 = tpu.memref_slice %arg9[%dma_start3A_661, %dma_start3A_664] : memref<4x80xf32, #tpu.memory_space<vmem>> -> memref<1x80xf32, #tpu.memory_space<vmem>>
    %dma_start3A_666 = tpu.memref_squeeze %dma_start3A_665 : memref<1x80xf32, #tpu.memory_space<vmem>> -> memref<80xf32, #tpu.memory_space<vmem>>
    %dma_start3A_667 = arith.constant 0 : i32
    %dma_start3A_668 = tpu.memref_slice %arg7[%dma_start3A_662, %dma_start3A_663, %dma_start3A_667] : memref<4x2x80xi32, #tpu.memory_space<vmem>> -> memref<1x1x80xi32, #tpu.memory_space<vmem>>
    %dma_start3A_669 = tpu.memref_squeeze %dma_start3A_668 : memref<1x1x80xi32, #tpu.memory_space<vmem>> -> memref<80xi32, #tpu.memory_space<vmem>>
    %dma_start3A_670 = arith.constant 0 : i32
    %dma_start3A_671 = tpu.memref_slice %arg12[%dma_start3A_670] : memref<10240xf32, #tpu.memory_space<vmem_shared>> -> memref<10240xf32, #tpu.memory_space<vmem_shared>>
    tpu.enqueue_indirect_dma source(%dma_start3A_666 : memref<80xf32, #tpu.memory_space<vmem>>) target(%dma_start3A_671 : memref<10240xf32, #tpu.memory_space<vmem_shared>>) offsets(%dma_start3A_669 : memref<80xi32, #tpu.memory_space<vmem>>) semaphore(%arg25 : memref<!tpu.dma_semaphore, #tpu.memory_space<semaphore_mem>>) {add = true}
    %dma_wait3A_672 = arith.constant 1 : i32
    %dma_wait3A_673 = arith.constant 0 : i32
    %dma_wait3A_674 = arith.constant 1 : i32
    %dma_wait3A_675 = arith.constant 0 : i32
    %dma_wait3A_676 = arith.constant 0 : i32
    %dma_wait3A_677 = tpu.memref_slice %arg8[%dma_wait3A_672, %dma_wait3A_675, %dma_wait3A_676] : memref<2x80x128xf32, #tpu.memory_space<vmem>> -> memref<1x80x128xf32, #tpu.memory_space<vmem>>
    %dma_wait3A_678 = tpu.memref_squeeze %dma_wait3A_677 : memref<1x80x128xf32, #tpu.memory_space<vmem>> -> memref<80x128xf32, #tpu.memory_space<vmem>>
    %dma_wait3A_679 = arith.constant 0 : i32
    %dma_wait3A_680 = tpu.memref_slice %arg7[%dma_wait3A_673, %dma_wait3A_674, %dma_wait3A_679] : memref<4x2x80xi32, #tpu.memory_space<vmem>> -> memref<1x1x80xi32, #tpu.memory_space<vmem>>
    %dma_wait3A_681 = tpu.memref_squeeze %dma_wait3A_680 : memref<1x1x80xi32, #tpu.memory_space<vmem>> -> memref<80xi32, #tpu.memory_space<vmem>>
    %dma_wait3A_682 = arith.constant 0 : i32
    %dma_wait3A_683 = arith.constant 0 : i32
    %dma_wait3A_684 = tpu.memref_slice %arg11[%dma_wait3A_682, %dma_wait3A_683] : memref<10240x128xf32, #tpu.memory_space<vmem_shared>> -> memref<10240x128xf32, #tpu.memory_space<vmem_shared>>
    tpu.wait_indirect_dma semaphore(%arg16 : memref<!tpu.dma_semaphore, #tpu.memory_space<semaphore_mem>>) src(%dma_wait3A_678 : memref<80x128xf32, #tpu.memory_space<vmem>>) dst(%dma_wait3A_684 : memref<10240x128xf32, #tpu.memory_space<vmem_shared>>)
    %dma_wait3A_685 = arith.constant 0 : i32
    %dma_wait3A_686 = arith.constant 0 : i32
    %dma_wait3A_687 = arith.constant 0 : i32
    %dma_wait3A_688 = arith.constant 0 : i32
    %dma_wait3A_689 = tpu.memref_slice %arg9[%dma_wait3A_685, %dma_wait3A_688] : memref<4x80xf32, #tpu.memory_space<vmem>> -> memref<1x80xf32, #tpu.memory_space<vmem>>
    %dma_wait3A_690 = tpu.memref_squeeze %dma_wait3A_689 : memref<1x80xf32, #tpu.memory_space<vmem>> -> memref<80xf32, #tpu.memory_space<vmem>>
    %dma_wait3A_691 = arith.constant 0 : i32
    %dma_wait3A_692 = tpu.memref_slice %arg7[%dma_wait3A_686, %dma_wait3A_687, %dma_wait3A_691] : memref<4x2x80xi32, #tpu.memory_space<vmem>> -> memref<1x1x80xi32, #tpu.memory_space<vmem>>
    %dma_wait3A_693 = tpu.memref_squeeze %dma_wait3A_692 : memref<1x1x80xi32, #tpu.memory_space<vmem>> -> memref<80xi32, #tpu.memory_space<vmem>>
    %dma_wait3A_694 = arith.constant 0 : i32
    %dma_wait3A_695 = tpu.memref_slice %arg12[%dma_wait3A_694] : memref<10240xf32, #tpu.memory_space<vmem_shared>> -> memref<10240xf32, #tpu.memory_space<vmem_shared>>
    tpu.wait_indirect_dma semaphore(%arg26 : memref<!tpu.dma_semaphore, #tpu.memory_space<semaphore_mem>>) src(%dma_wait3A_690 : memref<80xf32, #tpu.memory_space<vmem>>) dst(%dma_wait3A_695 : memref<10240xf32, #tpu.memory_space<vmem_shared>>)
    %dma_wait3A_696 = arith.constant 0 : i32
    %dma_wait3A_697 = arith.constant 0 : i32
    %dma_wait3A_698 = arith.constant 1 : i32
    %dma_wait3A_699 = arith.constant 0 : i32
    %dma_wait3A_700 = arith.constant 0 : i32
    %dma_wait3A_701 = tpu.memref_slice %arg8[%dma_wait3A_696, %dma_wait3A_699, %dma_wait3A_700] : memref<2x80x128xf32, #tpu.memory_space<vmem>> -> memref<1x80x128xf32, #tpu.memory_space<vmem>>
    %dma_wait3A_702 = tpu.memref_squeeze %dma_wait3A_701 : memref<1x80x128xf32, #tpu.memory_space<vmem>> -> memref<80x128xf32, #tpu.memory_space<vmem>>
    %dma_wait3A_703 = arith.constant 0 : i32
    %dma_wait3A_704 = tpu.memref_slice %arg7[%dma_wait3A_697, %dma_wait3A_698, %dma_wait3A_703] : memref<4x2x80xi32, #tpu.memory_space<vmem>> -> memref<1x1x80xi32, #tpu.memory_space<vmem>>
    %dma_wait3A_705 = tpu.memref_squeeze %dma_wait3A_704 : memref<1x1x80xi32, #tpu.memory_space<vmem>> -> memref<80xi32, #tpu.memory_space<vmem>>
    %dma_wait3A_706 = arith.constant 0 : i32
    %dma_wait3A_707 = arith.constant 0 : i32
    %dma_wait3A_708 = tpu.memref_slice %arg11[%dma_wait3A_706, %dma_wait3A_707] : memref<10240x128xf32, #tpu.memory_space<vmem_shared>> -> memref<10240x128xf32, #tpu.memory_space<vmem_shared>>
    tpu.wait_indirect_dma semaphore(%arg15 : memref<!tpu.dma_semaphore, #tpu.memory_space<semaphore_mem>>) src(%dma_wait3A_702 : memref<80x128xf32, #tpu.memory_space<vmem>>) dst(%dma_wait3A_708 : memref<10240x128xf32, #tpu.memory_space<vmem_shared>>)
    %dma_wait3A_709 = arith.constant 0 : i32
    %dma_wait3A_710 = arith.constant 0 : i32
    %dma_wait3A_711 = arith.constant 0 : i32
    %dma_wait3A_712 = arith.constant 0 : i32
    %dma_wait3A_713 = tpu.memref_slice %arg9[%dma_wait3A_709, %dma_wait3A_712] : memref<4x80xf32, #tpu.memory_space<vmem>> -> memref<1x80xf32, #tpu.memory_space<vmem>>
    %dma_wait3A_714 = tpu.memref_squeeze %dma_wait3A_713 : memref<1x80xf32, #tpu.memory_space<vmem>> -> memref<80xf32, #tpu.memory_space<vmem>>
    %dma_wait3A_715 = arith.constant 0 : i32
    %dma_wait3A_716 = tpu.memref_slice %arg7[%dma_wait3A_710, %dma_wait3A_711, %dma_wait3A_715] : memref<4x2x80xi32, #tpu.memory_space<vmem>> -> memref<1x1x80xi32, #tpu.memory_space<vmem>>
    %dma_wait3A_717 = tpu.memref_squeeze %dma_wait3A_716 : memref<1x1x80xi32, #tpu.memory_space<vmem>> -> memref<80xi32, #tpu.memory_space<vmem>>
    %dma_wait3A_718 = arith.constant 0 : i32
    %dma_wait3A_719 = tpu.memref_slice %arg12[%dma_wait3A_718] : memref<10240xf32, #tpu.memory_space<vmem_shared>> -> memref<10240xf32, #tpu.memory_space<vmem_shared>>
    tpu.wait_indirect_dma semaphore(%arg25 : memref<!tpu.dma_semaphore, #tpu.memory_space<semaphore_mem>>) src(%dma_wait3A_714 : memref<80xf32, #tpu.memory_space<vmem>>) dst(%dma_wait3A_719 : memref<10240xf32, #tpu.memory_space<vmem_shared>>)
    %barrier3A_720 = arith.constant 0 : index
    tpu.barrier barrier_id(%barrier3A_720)
    %mul3A_721 = arith.constant 640 : i32
    %mul3A_722 = arith.muli %arg1, %mul3A_721 : i32
    %mul3A_723 = arith.constant 640 : i32
    %mul3A_724 = arith.muli %arg1, %mul3A_723 : i32
    "tpu.region"() ({
      %run_scoped3A_729 = tpu.sem_alloc : memref<!tpu.dma_semaphore, #tpu.memory_space<semaphore_mem>>
      %dma_start3A_730 = arith.constant 0 : i32
      %dma_start3A_731 = tpu.memref_slice %arg5[%arg0, %mul3A_724, %dma_start3A_730] : memref<2x10240x128xf32, #tpu.memory_space<hbm>> -> memref<1x640x128xf32, #tpu.memory_space<hbm>>
      %dma_start3A_732 = tpu.memref_squeeze %dma_start3A_731 : memref<1x640x128xf32, #tpu.memory_space<hbm>> -> memref<640x128xf32, #tpu.memory_space<hbm>>
      %dma_start3A_733 = arith.constant 0 : i32
      %dma_start3A_734 = tpu.memref_slice %arg11[%mul3A_722, %dma_start3A_733] : memref<10240x128xf32, #tpu.memory_space<vmem_shared>> -> memref<640x128xf32, #tpu.memory_space<vmem_shared>>
      tpu.enqueue_dma source(%dma_start3A_734 : memref<640x128xf32, #tpu.memory_space<vmem_shared>>) target(%dma_start3A_732 : memref<640x128xf32, #tpu.memory_space<hbm>>) target_semaphore(%run_scoped3A_729 : memref<!tpu.dma_semaphore, #tpu.memory_space<semaphore_mem>>)
      %dma_wait3A_735 = arith.constant 0 : i32
      %dma_wait3A_736 = tpu.memref_slice %arg5[%arg0, %mul3A_724, %dma_wait3A_735] : memref<2x10240x128xf32, #tpu.memory_space<hbm>> -> memref<1x640x128xf32, #tpu.memory_space<hbm>>
      %dma_wait3A_737 = tpu.memref_squeeze %dma_wait3A_736 : memref<1x640x128xf32, #tpu.memory_space<hbm>> -> memref<640x128xf32, #tpu.memory_space<hbm>>
      %dma_wait3A_738 = arith.constant 0 : i32
      %dma_wait3A_739 = tpu.memref_slice %arg11[%mul3A_722, %dma_wait3A_738] : memref<10240x128xf32, #tpu.memory_space<vmem_shared>> -> memref<640x128xf32, #tpu.memory_space<vmem_shared>>
      tpu.wait_dma2 semaphore(%run_scoped3A_729 : memref<!tpu.dma_semaphore, #tpu.memory_space<semaphore_mem>>) src(%dma_wait3A_739 : memref<640x128xf32, #tpu.memory_space<vmem_shared>>) dst(%dma_wait3A_737 : memref<640x128xf32, #tpu.memory_space<hbm>>)
      tpu.yield
    }) : () -> ()
    %mul3A_725 = arith.constant 640 : i32
    %mul3A_726 = arith.muli %arg1, %mul3A_725 : i32
    %mul3A_727 = arith.constant 640 : i32
    %mul3A_728 = arith.muli %arg1, %mul3A_727 : i32
    "tpu.region"() ({
      %run_scoped3A_729 = tpu.sem_alloc : memref<!tpu.dma_semaphore, #tpu.memory_space<semaphore_mem>>
      %dma_start3A_730 = tpu.memref_slice %arg6[%arg0, %mul3A_728] : memref<2x10240xf32, #tpu.memory_space<hbm>> -> memref<1x640xf32, #tpu.memory_space<hbm>>
      %dma_start3A_731 = tpu.memref_squeeze %dma_start3A_730 : memref<1x640xf32, #tpu.memory_space<hbm>> -> memref<640xf32, #tpu.memory_space<hbm>>
      %dma_start3A_732 = tpu.memref_slice %arg12[%mul3A_726] : memref<10240xf32, #tpu.memory_space<vmem_shared>> -> memref<640xf32, #tpu.memory_space<vmem_shared>>
      tpu.enqueue_dma source(%dma_start3A_732 : memref<640xf32, #tpu.memory_space<vmem_shared>>) target(%dma_start3A_731 : memref<640xf32, #tpu.memory_space<hbm>>) target_semaphore(%run_scoped3A_729 : memref<!tpu.dma_semaphore, #tpu.memory_space<semaphore_mem>>)
      %dma_wait3A_733 = tpu.memref_slice %arg6[%arg0, %mul3A_728] : memref<2x10240xf32, #tpu.memory_space<hbm>> -> memref<1x640xf32, #tpu.memory_space<hbm>>
      %dma_wait3A_734 = tpu.memref_squeeze %dma_wait3A_733 : memref<1x640xf32, #tpu.memory_space<hbm>> -> memref<640xf32, #tpu.memory_space<hbm>>
      %dma_wait3A_735 = tpu.memref_slice %arg12[%mul3A_726] : memref<10240xf32, #tpu.memory_space<vmem_shared>> -> memref<640xf32, #tpu.memory_space<vmem_shared>>
      tpu.wait_dma2 semaphore(%run_scoped3A_729 : memref<!tpu.dma_semaphore, #tpu.memory_space<semaphore_mem>>) src(%dma_wait3A_735 : memref<640xf32, #tpu.memory_space<vmem_shared>>) dst(%dma_wait3A_734 : memref<640xf32, #tpu.memory_space<hbm>>)
      tpu.yield
    }) : () -> ()
    return
  }
}

#map = affine_map<(d0, d1) -> (0, 0, 0, 0)>
#map1 = affine_map<(d0, d1) -> (0, 0)>
module attributes {stable_mosaic.version = 14 : i64} {
  func.func @_deg_kernel(%arg0: i32, %arg1: i32, %arg2: memref<32x125x2x80xi32, #tpu.memory_space<hbm>>, %arg3: memref<2x10240xf32, #tpu.memory_space<hbm>>, %arg4: memref<2x10240xf32, #tpu.memory_space<hbm>>, %arg5: memref<125x2x80xi32, #tpu.memory_space<vmem>>, %arg6: memref<80xf32, #tpu.memory_space<vmem>>, %arg7: memref<640xf32, #tpu.memory_space<vmem>>, %arg8: memref<10240xf32, #tpu.memory_space<vmem_shared>>, %arg9: memref<10240xf32, #tpu.memory_space<vmem_shared>>, %arg10: memref<!tpu.dma_semaphore, #tpu.memory_space<semaphore_mem>>, %arg11: memref<!tpu.dma_semaphore, #tpu.memory_space<semaphore_mem>>) attributes {dimension_semantics = [#tpu.dimension_semantics<core_parallel>, #tpu.dimension_semantics<subcore_parallel>], iteration_bounds = array<i64: 2, 16>, scalar_prefetch = 0 : i64, scratch_operands = 7 : i64, tpu.core_type = #tpu.core_type<sc_vector_subcore>, window_params = [{transform_indices = #map}, {transform_indices = #map1}, {transform_indices = #map1}]} {
    %mul3A = arith.constant 16 : i32
    %mul3A_0 = arith.muli %arg0, %mul3A : i32
    %add3A = arith.addi %mul3A_0, %arg1 : i32
    "tpu.region"() ({
      %run_scoped3A = tpu.sem_alloc : memref<!tpu.dma_semaphore, #tpu.memory_space<semaphore_mem>>
      %dma_start3A = arith.constant 0 : i32
      %dma_start3A_41 = arith.constant 0 : i32
      %dma_start3A_42 = arith.constant 0 : i32
      %dma_start3A_43 = tpu.memref_slice %arg2[%add3A, %dma_start3A, %dma_start3A_41, %dma_start3A_42] : memref<32x125x2x80xi32, #tpu.memory_space<hbm>> -> memref<1x125x2x80xi32, #tpu.memory_space<hbm>>
      %dma_start3A_44 = tpu.memref_squeeze %dma_start3A_43 : memref<1x125x2x80xi32, #tpu.memory_space<hbm>> -> memref<125x2x80xi32, #tpu.memory_space<hbm>>
      %dma_start3A_45 = arith.constant 0 : i32
      %dma_start3A_46 = arith.constant 0 : i32
      %dma_start3A_47 = arith.constant 0 : i32
      %dma_start3A_48 = tpu.memref_slice %arg2[%add3A, %dma_start3A_45, %dma_start3A_46, %dma_start3A_47] : memref<32x125x2x80xi32, #tpu.memory_space<hbm>> -> memref<1x125x2x80xi32, #tpu.memory_space<hbm>>
      %dma_start3A_49 = tpu.memref_squeeze %dma_start3A_48 : memref<1x125x2x80xi32, #tpu.memory_space<hbm>> -> memref<125x2x80xi32, #tpu.memory_space<hbm>>
      tpu.enqueue_dma source(%dma_start3A_49 : memref<125x2x80xi32, #tpu.memory_space<hbm>>) target(%arg5 : memref<125x2x80xi32, #tpu.memory_space<vmem>>) target_semaphore(%run_scoped3A : memref<!tpu.dma_semaphore, #tpu.memory_space<semaphore_mem>>)
      %dma_wait3A = arith.constant 0 : i32
      %dma_wait3A_50 = arith.constant 0 : i32
      %dma_wait3A_51 = arith.constant 0 : i32
      %dma_wait3A_52 = tpu.memref_slice %arg2[%add3A, %dma_wait3A, %dma_wait3A_50, %dma_wait3A_51] : memref<32x125x2x80xi32, #tpu.memory_space<hbm>> -> memref<1x125x2x80xi32, #tpu.memory_space<hbm>>
      %dma_wait3A_53 = tpu.memref_squeeze %dma_wait3A_52 : memref<1x125x2x80xi32, #tpu.memory_space<hbm>> -> memref<125x2x80xi32, #tpu.memory_space<hbm>>
      %dma_wait3A_54 = arith.constant 0 : i32
      %dma_wait3A_55 = arith.constant 0 : i32
      %dma_wait3A_56 = arith.constant 0 : i32
      %dma_wait3A_57 = tpu.memref_slice %arg2[%add3A, %dma_wait3A_54, %dma_wait3A_55, %dma_wait3A_56] : memref<32x125x2x80xi32, #tpu.memory_space<hbm>> -> memref<1x125x2x80xi32, #tpu.memory_space<hbm>>
      %dma_wait3A_58 = tpu.memref_squeeze %dma_wait3A_57 : memref<1x125x2x80xi32, #tpu.memory_space<hbm>> -> memref<125x2x80xi32, #tpu.memory_space<hbm>>
      tpu.wait_dma2 semaphore(%run_scoped3A : memref<!tpu.dma_semaphore, #tpu.memory_space<semaphore_mem>>) src(%dma_wait3A_58 : memref<125x2x80xi32, #tpu.memory_space<hbm>>) dst(%arg5 : memref<125x2x80xi32, #tpu.memory_space<vmem>>)
      tpu.yield
    }) : () -> ()
    %scan3A = arith.constant 0 : i32
    %scan3A_1 = arith.constant 0 : i32
    %scan3A_2 = arith.constant 5 : i32
    %scan3A_3 = arith.addi %scan3A_1, %scan3A_2 : i32
    %scan3A_4 = arith.constant 1 : i32
    %scan3A_5 = scf.for %scan3A_41 = %scan3A_1 to %scan3A_3 step %scan3A_4 iter_args(%scan3A_42 = %scan3A) -> (i32)  : i32 {
      %broadcast_in_dim3A = arith.constant 1.000000e+00 : f32
      %broadcast_in_dim3A_43 = vector.broadcast %broadcast_in_dim3A : f32 to vector<16xf32>
      %mul3A_44 = arith.constant 16 : i32
      %mul3A_45 = arith.muli %scan3A_41, %mul3A_44 : i32
      %swap3A = arith.index_cast %mul3A_45 : i32 to index
      %swap3A_46 = tpu.vector_load %arg6[%swap3A] {strides = array<i32>} : memref<80xf32, #tpu.memory_space<vmem>>, vector<16xf32>,
      %swap3A_47 = vector.shape_cast %swap3A_46 : vector<16xf32> to vector<16xf32>
      %swap3A_48 = vector.shape_cast %broadcast_in_dim3A_43 : vector<16xf32> to vector<16xf32>
      tpu.vector_store %arg6[%swap3A], %swap3A_48 {strides = array<i32>} : memref<80xf32, #tpu.memory_space<vmem>>, vector<16xf32>,
      %scan3A_49 = arith.constant 0 : i32
      scf.yield %scan3A_49 : i32
    }
    %scan3A_6 = arith.constant 5 : i32
    %scan3A_7 = arith.constant 0 : i32
    %scan3A_8 = arith.constant 0 : i32
    %scan3A_9 = arith.constant 40 : i32
    %scan3A_10 = arith.addi %scan3A_8, %scan3A_9 : i32
    %scan3A_11 = arith.constant 1 : i32
    %scan3A_12 = scf.for %scan3A_41 = %scan3A_8 to %scan3A_10 step %scan3A_11 iter_args(%scan3A_42 = %scan3A_7) -> (i32)  : i32 {
      %broadcast_in_dim3A = arith.constant 0.000000e+00 : f32
      %broadcast_in_dim3A_43 = vector.broadcast %broadcast_in_dim3A : f32 to vector<16xf32>
      %mul3A_44 = arith.constant 16 : i32
      %mul3A_45 = arith.muli %scan3A_41, %mul3A_44 : i32
      %swap3A = arith.index_cast %mul3A_45 : i32 to index
      %swap3A_46 = tpu.vector_load %arg7[%swap3A] {strides = array<i32>} : memref<640xf32, #tpu.memory_space<vmem>>, vector<16xf32>,
      %swap3A_47 = vector.shape_cast %swap3A_46 : vector<16xf32> to vector<16xf32>
      %swap3A_48 = vector.shape_cast %broadcast_in_dim3A_43 : vector<16xf32> to vector<16xf32>
      tpu.vector_store %arg7[%swap3A], %swap3A_48 {strides = array<i32>} : memref<640xf32, #tpu.memory_space<vmem>>, vector<16xf32>,
      %scan3A_49 = arith.constant 0 : i32
      scf.yield %scan3A_49 : i32
    }
    %scan3A_13 = arith.constant 40 : i32
    %mul3A_14 = arith.constant 640 : i32
    %mul3A_15 = arith.muli %arg1, %mul3A_14 : i32
    "tpu.region"() ({
      %run_scoped3A = tpu.sem_alloc : memref<!tpu.dma_semaphore, #tpu.memory_space<semaphore_mem>>
      %dma_start3A = tpu.memref_slice %arg8[%mul3A_15] : memref<10240xf32, #tpu.memory_space<vmem_shared>> -> memref<640xf32, #tpu.memory_space<vmem_shared>>
      %dma_start3A_41 = tpu.memref_slice %arg8[%mul3A_15] : memref<10240xf32, #tpu.memory_space<vmem_shared>> -> memref<640xf32, #tpu.memory_space<vmem_shared>>
      tpu.enqueue_dma source(%arg7 : memref<640xf32, #tpu.memory_space<vmem>>) target(%dma_start3A_41 : memref<640xf32, #tpu.memory_space<vmem_shared>>) target_semaphore(%run_scoped3A : memref<!tpu.dma_semaphore, #tpu.memory_space<semaphore_mem>>)
      %dma_wait3A = tpu.memref_slice %arg8[%mul3A_15] : memref<10240xf32, #tpu.memory_space<vmem_shared>> -> memref<640xf32, #tpu.memory_space<vmem_shared>>
      %dma_wait3A_42 = tpu.memref_slice %arg8[%mul3A_15] : memref<10240xf32, #tpu.memory_space<vmem_shared>> -> memref<640xf32, #tpu.memory_space<vmem_shared>>
      tpu.wait_dma2 semaphore(%run_scoped3A : memref<!tpu.dma_semaphore, #tpu.memory_space<semaphore_mem>>) src(%arg7 : memref<640xf32, #tpu.memory_space<vmem>>) dst(%dma_wait3A_42 : memref<640xf32, #tpu.memory_space<vmem_shared>>)
      tpu.yield
    }) : () -> ()
    %mul3A_16 = arith.constant 640 : i32
    %mul3A_17 = arith.muli %arg1, %mul3A_16 : i32
    "tpu.region"() ({
      %run_scoped3A = tpu.sem_alloc : memref<!tpu.dma_semaphore, #tpu.memory_space<semaphore_mem>>
      %dma_start3A = tpu.memref_slice %arg9[%mul3A_17] : memref<10240xf32, #tpu.memory_space<vmem_shared>> -> memref<640xf32, #tpu.memory_space<vmem_shared>>
      %dma_start3A_41 = tpu.memref_slice %arg9[%mul3A_17] : memref<10240xf32, #tpu.memory_space<vmem_shared>> -> memref<640xf32, #tpu.memory_space<vmem_shared>>
      tpu.enqueue_dma source(%arg7 : memref<640xf32, #tpu.memory_space<vmem>>) target(%dma_start3A_41 : memref<640xf32, #tpu.memory_space<vmem_shared>>) target_semaphore(%run_scoped3A : memref<!tpu.dma_semaphore, #tpu.memory_space<semaphore_mem>>)
      %dma_wait3A = tpu.memref_slice %arg9[%mul3A_17] : memref<10240xf32, #tpu.memory_space<vmem_shared>> -> memref<640xf32, #tpu.memory_space<vmem_shared>>
      %dma_wait3A_42 = tpu.memref_slice %arg9[%mul3A_17] : memref<10240xf32, #tpu.memory_space<vmem_shared>> -> memref<640xf32, #tpu.memory_space<vmem_shared>>
      tpu.wait_dma2 semaphore(%run_scoped3A : memref<!tpu.dma_semaphore, #tpu.memory_space<semaphore_mem>>) src(%arg7 : memref<640xf32, #tpu.memory_space<vmem>>) dst(%dma_wait3A_42 : memref<640xf32, #tpu.memory_space<vmem_shared>>)
      tpu.yield
    }) : () -> ()
    %barrier3A = arith.constant 0 : index
    tpu.barrier barrier_id(%barrier3A)
    %scan3A_18 = arith.constant 0 : i32
    %scan3A_19 = arith.constant 0 : i32
    %scan3A_20 = arith.constant 125 : i32
    %scan3A_21 = arith.addi %scan3A_19, %scan3A_20 : i32
    %scan3A_22 = arith.constant 1 : i32
    %scan3A_23 = scf.for %scan3A_41 = %scan3A_19 to %scan3A_21 step %scan3A_22 iter_args(%scan3A_42 = %scan3A_18) -> (i32)  : i32 {
      %dma_start3A = arith.constant 0 : i32
      %dma_start3A_43 = arith.constant 0 : i32
      %dma_start3A_44 = tpu.memref_slice %arg5[%scan3A_41, %dma_start3A, %dma_start3A_43] : memref<125x2x80xi32, #tpu.memory_space<vmem>> -> memref<1x1x80xi32, #tpu.memory_space<vmem>>
      %dma_start3A_45 = tpu.memref_squeeze %dma_start3A_44 : memref<1x1x80xi32, #tpu.memory_space<vmem>> -> memref<80xi32, #tpu.memory_space<vmem>>
      %dma_start3A_46 = arith.constant 0 : i32
      %dma_start3A_47 = tpu.memref_slice %arg8[%dma_start3A_46] : memref<10240xf32, #tpu.memory_space<vmem_shared>> -> memref<10240xf32, #tpu.memory_space<vmem_shared>>
      tpu.enqueue_indirect_dma source(%arg6 : memref<80xf32, #tpu.memory_space<vmem>>) target(%dma_start3A_47 : memref<10240xf32, #tpu.memory_space<vmem_shared>>) offsets(%dma_start3A_45 : memref<80xi32, #tpu.memory_space<vmem>>) semaphore(%arg10 : memref<!tpu.dma_semaphore, #tpu.memory_space<semaphore_mem>>) {add = true}
      %dma_start3A_48 = arith.constant 1 : i32
      %dma_start3A_49 = arith.constant 0 : i32
      %dma_start3A_50 = tpu.memref_slice %arg5[%scan3A_41, %dma_start3A_48, %dma_start3A_49] : memref<125x2x80xi32, #tpu.memory_space<vmem>> -> memref<1x1x80xi32, #tpu.memory_space<vmem>>
      %dma_start3A_51 = tpu.memref_squeeze %dma_start3A_50 : memref<1x1x80xi32, #tpu.memory_space<vmem>> -> memref<80xi32, #tpu.memory_space<vmem>>
      %dma_start3A_52 = arith.constant 0 : i32
      %dma_start3A_53 = tpu.memref_slice %arg9[%dma_start3A_52] : memref<10240xf32, #tpu.memory_space<vmem_shared>> -> memref<10240xf32, #tpu.memory_space<vmem_shared>>
      tpu.enqueue_indirect_dma source(%arg6 : memref<80xf32, #tpu.memory_space<vmem>>) target(%dma_start3A_53 : memref<10240xf32, #tpu.memory_space<vmem_shared>>) offsets(%dma_start3A_51 : memref<80xi32, #tpu.memory_space<vmem>>) semaphore(%arg11 : memref<!tpu.dma_semaphore, #tpu.memory_space<semaphore_mem>>) {add = true}
      %scan3A_54 = arith.constant 0 : i32
      scf.yield %scan3A_54 : i32
    }
    %scan3A_24 = arith.constant 125 : i32
    %scan3A_25 = arith.constant 0 : i32
    %scan3A_26 = arith.constant 0 : i32
    %scan3A_27 = arith.constant 125 : i32
    %scan3A_28 = arith.addi %scan3A_26, %scan3A_27 : i32
    %scan3A_29 = arith.constant 1 : i32
    %scan3A_30 = scf.for %scan3A_41 = %scan3A_26 to %scan3A_28 step %scan3A_29 iter_args(%scan3A_42 = %scan3A_25) -> (i32)  : i32 {
      %dma_wait3A = arith.constant 0 : i32
      %dma_wait3A_43 = arith.constant 0 : i32
      %dma_wait3A_44 = arith.constant 0 : i32
      %dma_wait3A_45 = tpu.memref_slice %arg5[%dma_wait3A, %dma_wait3A_43, %dma_wait3A_44] : memref<125x2x80xi32, #tpu.memory_space<vmem>> -> memref<1x1x80xi32, #tpu.memory_space<vmem>>
      %dma_wait3A_46 = tpu.memref_squeeze %dma_wait3A_45 : memref<1x1x80xi32, #tpu.memory_space<vmem>> -> memref<80xi32, #tpu.memory_space<vmem>>
      %dma_wait3A_47 = arith.constant 0 : i32
      %dma_wait3A_48 = tpu.memref_slice %arg8[%dma_wait3A_47] : memref<10240xf32, #tpu.memory_space<vmem_shared>> -> memref<10240xf32, #tpu.memory_space<vmem_shared>>
      tpu.wait_indirect_dma semaphore(%arg10 : memref<!tpu.dma_semaphore, #tpu.memory_space<semaphore_mem>>) src(%arg6 : memref<80xf32, #tpu.memory_space<vmem>>) dst(%dma_wait3A_48 : memref<10240xf32, #tpu.memory_space<vmem_shared>>)
      %dma_wait3A_49 = arith.constant 0 : i32
      %dma_wait3A_50 = arith.constant 1 : i32
      %dma_wait3A_51 = arith.constant 0 : i32
      %dma_wait3A_52 = tpu.memref_slice %arg5[%dma_wait3A_49, %dma_wait3A_50, %dma_wait3A_51] : memref<125x2x80xi32, #tpu.memory_space<vmem>> -> memref<1x1x80xi32, #tpu.memory_space<vmem>>
      %dma_wait3A_53 = tpu.memref_squeeze %dma_wait3A_52 : memref<1x1x80xi32, #tpu.memory_space<vmem>> -> memref<80xi32, #tpu.memory_space<vmem>>
      %dma_wait3A_54 = arith.constant 0 : i32
      %dma_wait3A_55 = tpu.memref_slice %arg9[%dma_wait3A_54] : memref<10240xf32, #tpu.memory_space<vmem_shared>> -> memref<10240xf32, #tpu.memory_space<vmem_shared>>
      tpu.wait_indirect_dma semaphore(%arg11 : memref<!tpu.dma_semaphore, #tpu.memory_space<semaphore_mem>>) src(%arg6 : memref<80xf32, #tpu.memory_space<vmem>>) dst(%dma_wait3A_55 : memref<10240xf32, #tpu.memory_space<vmem_shared>>)
      %scan3A_56 = arith.constant 0 : i32
      scf.yield %scan3A_56 : i32
    }
    %scan3A_31 = arith.constant 125 : i32
    %barrier3A_32 = arith.constant 0 : index
    tpu.barrier barrier_id(%barrier3A_32)
    %mul3A_33 = arith.constant 640 : i32
    %mul3A_34 = arith.muli %arg1, %mul3A_33 : i32
    %mul3A_35 = arith.constant 640 : i32
    %mul3A_36 = arith.muli %arg1, %mul3A_35 : i32
    "tpu.region"() ({
      %run_scoped3A = tpu.sem_alloc : memref<!tpu.dma_semaphore, #tpu.memory_space<semaphore_mem>>
      %dma_start3A = tpu.memref_slice %arg3[%arg0, %mul3A_36] : memref<2x10240xf32, #tpu.memory_space<hbm>> -> memref<1x640xf32, #tpu.memory_space<hbm>>
      %dma_start3A_41 = tpu.memref_squeeze %dma_start3A : memref<1x640xf32, #tpu.memory_space<hbm>> -> memref<640xf32, #tpu.memory_space<hbm>>
      %dma_start3A_42 = tpu.memref_slice %arg8[%mul3A_34] : memref<10240xf32, #tpu.memory_space<vmem_shared>> -> memref<640xf32, #tpu.memory_space<vmem_shared>>
      tpu.enqueue_dma source(%dma_start3A_42 : memref<640xf32, #tpu.memory_space<vmem_shared>>) target(%dma_start3A_41 : memref<640xf32, #tpu.memory_space<hbm>>) target_semaphore(%run_scoped3A : memref<!tpu.dma_semaphore, #tpu.memory_space<semaphore_mem>>)
      %dma_wait3A = tpu.memref_slice %arg3[%arg0, %mul3A_36] : memref<2x10240xf32, #tpu.memory_space<hbm>> -> memref<1x640xf32, #tpu.memory_space<hbm>>
      %dma_wait3A_43 = tpu.memref_squeeze %dma_wait3A : memref<1x640xf32, #tpu.memory_space<hbm>> -> memref<640xf32, #tpu.memory_space<hbm>>
      %dma_wait3A_44 = tpu.memref_slice %arg8[%mul3A_34] : memref<10240xf32, #tpu.memory_space<vmem_shared>> -> memref<640xf32, #tpu.memory_space<vmem_shared>>
      tpu.wait_dma2 semaphore(%run_scoped3A : memref<!tpu.dma_semaphore, #tpu.memory_space<semaphore_mem>>) src(%dma_wait3A_44 : memref<640xf32, #tpu.memory_space<vmem_shared>>) dst(%dma_wait3A_43 : memref<640xf32, #tpu.memory_space<hbm>>)
      tpu.yield
    }) : () -> ()
    %mul3A_37 = arith.constant 640 : i32
    %mul3A_38 = arith.muli %arg1, %mul3A_37 : i32
    %mul3A_39 = arith.constant 640 : i32
    %mul3A_40 = arith.muli %arg1, %mul3A_39 : i32
    "tpu.region"() ({
      %run_scoped3A = tpu.sem_alloc : memref<!tpu.dma_semaphore, #tpu.memory_space<semaphore_mem>>
      %dma_start3A = tpu.memref_slice %arg4[%arg0, %mul3A_40] : memref<2x10240xf32, #tpu.memory_space<hbm>> -> memref<1x640xf32, #tpu.memory_space<hbm>>
      %dma_start3A_41 = tpu.memref_squeeze %dma_start3A : memref<1x640xf32, #tpu.memory_space<hbm>> -> memref<640xf32, #tpu.memory_space<hbm>>
      %dma_start3A_42 = tpu.memref_slice %arg9[%mul3A_38] : memref<10240xf32, #tpu.memory_space<vmem_shared>> -> memref<640xf32, #tpu.memory_space<vmem_shared>>
      tpu.enqueue_dma source(%dma_start3A_42 : memref<640xf32, #tpu.memory_space<vmem_shared>>) target(%dma_start3A_41 : memref<640xf32, #tpu.memory_space<hbm>>) target_semaphore(%run_scoped3A : memref<!tpu.dma_semaphore, #tpu.memory_space<semaphore_mem>>)
      %dma_wait3A = tpu.memref_slice %arg4[%arg0, %mul3A_40] : memref<2x10240xf32, #tpu.memory_space<hbm>> -> memref<1x640xf32, #tpu.memory_space<hbm>>
      %dma_wait3A_43 = tpu.memref_squeeze %dma_wait3A : memref<1x640xf32, #tpu.memory_space<hbm>> -> memref<640xf32, #tpu.memory_space<hbm>>
      %dma_wait3A_44 = tpu.memref_slice %arg9[%mul3A_38] : memref<10240xf32, #tpu.memory_space<vmem_shared>> -> memref<640xf32, #tpu.memory_space<vmem_shared>>
      tpu.wait_dma2 semaphore(%run_scoped3A : memref<!tpu.dma_semaphore, #tpu.memory_space<semaphore_mem>>) src(%dma_wait3A_44 : memref<640xf32, #tpu.memory_space<vmem_shared>>) dst(%dma_wait3A_43 : memref<640xf32, #tpu.memory_space<hbm>>)
      tpu.yield
    }) : () -> ()
    return
  }
}

module attributes {stable_mosaic.version = 14 : i64} {
  func.func @_prep_body(%arg0: memref<10000x128xf32, #tpu.memory_space<vmem>>, %arg1: memref<128x128xf32, #tpu.memory_space<vmem>>, %arg2: memref<2x10240xf32, #tpu.memory_space<vmem>>, %arg3: memref<2x10240xf32, #tpu.memory_space<vmem>>, %arg4: memref<10000x128xf32, #tpu.memory_space<vmem>>, %arg5: memref<10240xf32, #tpu.memory_space<vmem>>, %arg6: memref<10240xf32, #tpu.memory_space<vmem>>) attributes {dimension_semantics = [], scalar_prefetch = 0 : i64, scratch_operands = 0 : i64, tpu.core_type = #tpu.core_type<tc>} {
    %get3A = arith.constant 0 : index
    %get3A_0 = arith.constant 0 : index
    %get3A_1 = vector.load %arg2[%get3A, %get3A_0] : memref<2x10240xf32, #tpu.memory_space<vmem>>, vector<1x10240xf32>
    %get3A_2 = vector.shape_cast %get3A_1 : vector<1x10240xf32> to vector<10240xf32>
    %get3A_3 = arith.constant 1 : index
    %get3A_4 = arith.constant 0 : index
    %get3A_5 = vector.load %arg2[%get3A_3, %get3A_4] : memref<2x10240xf32, #tpu.memory_space<vmem>>, vector<1x10240xf32>
    %get3A_6 = vector.shape_cast %get3A_5 : vector<1x10240xf32> to vector<10240xf32>
    %add3A = arith.addf %get3A_2, %get3A_6 : vector<10240xf32>
    %get3A_7 = arith.constant 0 : index
    %get3A_8 = arith.constant 0 : index
    %get3A_9 = vector.load %arg3[%get3A_7, %get3A_8] : memref<2x10240xf32, #tpu.memory_space<vmem>>, vector<1x10240xf32>
    %get3A_10 = vector.shape_cast %get3A_9 : vector<1x10240xf32> to vector<10240xf32>
    %get3A_11 = arith.constant 1 : index
    %get3A_12 = arith.constant 0 : index
    %get3A_13 = vector.load %arg3[%get3A_11, %get3A_12] : memref<2x10240xf32, #tpu.memory_space<vmem>>, vector<1x10240xf32>
    %get3A_14 = vector.shape_cast %get3A_13 : vector<1x10240xf32> to vector<10240xf32>
    %add3A_15 = arith.addf %get3A_10, %get3A_14 : vector<10240xf32>
    %gt3A = arith.constant 0.000000e+00 : f32
    %gt3A_16 = vector.broadcast %gt3A : f32 to vector<10240xf32>
    %gt3A_17 = arith.cmpf ogt, %add3A, %gt3A_16 : vector<10240xf32>
    %jit3A = arith.constant 1.000000e+00 : f32
    %broadcast_in_dim3A = vector.broadcast %jit3A : f32 to vector<10240xf32>
    %select_n3A = arith.select %gt3A_17, %add3A, %broadcast_in_dim3A : vector<10240xi1>, vector<10240xf32>
    %rsqrt3A = math.rsqrt %select_n3A : vector<10240xf32>
    %gt3A_18 = arith.constant 0.000000e+00 : f32
    %gt3A_19 = vector.broadcast %gt3A_18 : f32 to vector<10240xf32>
    %gt3A_20 = arith.cmpf ogt, %add3A_15, %gt3A_19 : vector<10240xf32>
    %jit3A_21 = arith.constant 1.000000e+00 : f32
    %broadcast_in_dim3A_22 = vector.broadcast %jit3A_21 : f32 to vector<10240xf32>
    %select_n3A_23 = arith.select %gt3A_20, %add3A_15, %broadcast_in_dim3A_22 : vector<10240xi1>, vector<10240xf32>
    %rsqrt3A_24 = math.rsqrt %select_n3A_23 : vector<10240xf32>
    %swap3A = arith.constant 0 : index
    %swap3A_25 = vector.load %arg5[%swap3A] : memref<10240xf32, #tpu.memory_space<vmem>>, vector<10240xf32>
    tpu.vector_store %arg5[%swap3A], %rsqrt3A {strides = array<i32>} : memref<10240xf32, #tpu.memory_space<vmem>>, vector<10240xf32>,
    %swap3A_26 = arith.constant 0 : index
    %swap3A_27 = vector.load %arg6[%swap3A_26] : memref<10240xf32, #tpu.memory_space<vmem>>, vector<10240xf32>
    tpu.vector_store %arg6[%swap3A_26], %rsqrt3A_24 {strides = array<i32>} : memref<10240xf32, #tpu.memory_space<vmem>>, vector<10240xf32>,
    %get3A_28 = arith.constant 0 : index
    %get3A_29 = arith.constant 0 : index
    %get3A_30 = vector.load %arg0[%get3A_28, %get3A_29] : memref<10000x128xf32, #tpu.memory_space<vmem>>, vector<10000x128xf32>
    %slice3A = vector.extract_strided_slice %rsqrt3A {offsets = [0], sizes = [10000], strides = [1]} : vector<10240xf32> to vector<10000xf32>
    %broadcast_in_dim3A_31 = vector.shape_cast %slice3A : vector<10000xf32> to vector<10000x1xf32>
    %mul3A = vector.broadcast %broadcast_in_dim3A_31 : vector<10000x1xf32> to vector<10000x128xf32>
    %mul3A_32 = arith.mulf %get3A_30, %mul3A : vector<10000x128xf32>
    %get3A_33 = arith.constant 0 : index
    %get3A_34 = arith.constant 0 : index
    %get3A_35 = vector.load %arg1[%get3A_33, %get3A_34] : memref<128x128xf32, #tpu.memory_space<vmem>>, vector<128x128xf32>
    %dot_general3A = arith.constant dense<0.000000e+00> : vector<10000x128xf32>
    %dot_general3A_36 = tpu.matmul %mul3A_32, %get3A_35, %dot_general3A {dimension_numbers = #tpu.dot_dimension_numbers<[1], [0], [0], [1], [0, 0, 1, 1], [], []>, transpose_lhs_hint = false} : vector<10000x128xf32>, vector<128x128xf32>, vector<10000x128xf32> -> vector<10000x128xf32>
    %swap3A_37 = arith.constant 0 : index
    %swap3A_38 = arith.constant 0 : index
    %swap3A_39 = vector.load %arg4[%swap3A_37, %swap3A_38] : memref<10000x128xf32, #tpu.memory_space<vmem>>, vector<10000x128xf32>
    tpu.vector_store %arg4[%swap3A_37, %swap3A_38], %dot_general3A_36 {strides = array<i32>} : memref<10000x128xf32, #tpu.memory_space<vmem>>, vector<10000x128xf32>,
    return
  }
}

module attributes {stable_mosaic.version = 14 : i64} {
  func.func @_fin_body(%arg0: memref<2x10240x128xf32, #tpu.memory_space<vmem>>, %arg1: memref<2x10240xf32, #tpu.memory_space<vmem>>, %arg2: memref<10240xf32, #tpu.memory_space<vmem>>, %arg3: memref<10240xf32, #tpu.memory_space<vmem>>, %arg4: memref<128xf32, #tpu.memory_space<vmem>>, %arg5: memref<128x2xf32, #tpu.memory_space<vmem>>, %arg6: memref<2xf32, #tpu.memory_space<vmem>>, %arg7: memref<1x2xf32, #tpu.memory_space<vmem>>) attributes {dimension_semantics = [], scalar_prefetch = 0 : i64, scratch_operands = 0 : i64, tpu.core_type = #tpu.core_type<tc>} {
    %get3A = arith.constant 0 : index
    %get3A_0 = arith.constant 0 : index
    %get3A_1 = arith.constant 0 : index
    %get3A_2 = vector.load %arg0[%get3A, %get3A_0, %get3A_1] : memref<2x10240x128xf32, #tpu.memory_space<vmem>>, vector<1x10000x128xf32>
    %get3A_3 = vector.shape_cast %get3A_2 : vector<1x10000x128xf32> to vector<10000x128xf32>
    %get3A_4 = arith.constant 1 : index
    %get3A_5 = arith.constant 0 : index
    %get3A_6 = arith.constant 0 : index
    %get3A_7 = vector.load %arg0[%get3A_4, %get3A_5, %get3A_6] : memref<2x10240x128xf32, #tpu.memory_space<vmem>>, vector<1x10000x128xf32>
    %get3A_8 = vector.shape_cast %get3A_7 : vector<1x10000x128xf32> to vector<10000x128xf32>
    %add3A = arith.addf %get3A_3, %get3A_8 : vector<10000x128xf32>
    %get3A_9 = arith.constant 0 : index
    %get3A_10 = vector.load %arg3[%get3A_9] : memref<10240xf32, #tpu.memory_space<vmem>>, vector<10240xf32>
    %slice3A = vector.extract_strided_slice %get3A_10 {offsets = [0], sizes = [10000], strides = [1]} : vector<10240xf32> to vector<10000xf32>
    %broadcast_in_dim3A = vector.shape_cast %slice3A : vector<10000xf32> to vector<10000x1xf32>
    %mul3A = vector.broadcast %broadcast_in_dim3A : vector<10000x1xf32> to vector<10000x128xf32>
    %mul3A_11 = arith.mulf %add3A, %mul3A : vector<10000x128xf32>
    %get3A_12 = arith.constant 0 : index
    %get3A_13 = vector.load %arg4[%get3A_12] : memref<128xf32, #tpu.memory_space<vmem>>, vector<128xf32>
    %broadcast_in_dim3A_14 = vector.shape_cast %get3A_13 : vector<128xf32> to vector<1x128xf32>
    %add3A_15 = vector.broadcast %broadcast_in_dim3A_14 : vector<1x128xf32> to vector<10000x128xf32>
    %add3A_16 = arith.addf %mul3A_11, %add3A_15 : vector<10000x128xf32>
    %max3A = arith.constant 0.000000e+00 : f32
    %max3A_17 = vector.broadcast %max3A : f32 to vector<10000x128xf32>
    %max3A_18 = arith.maximumf %add3A_16, %max3A_17 : vector<10000x128xf32>
    %get3A_19 = arith.constant 0 : index
    %get3A_20 = vector.load %arg2[%get3A_19] : memref<10240xf32, #tpu.memory_space<vmem>>, vector<10240xf32>
    %slice3A_21 = vector.extract_strided_slice %get3A_20 {offsets = [0], sizes = [10000], strides = [1]} : vector<10240xf32> to vector<10000xf32>
    %get3A_22 = arith.constant 0 : index
    %get3A_23 = arith.constant 0 : index
    %get3A_24 = vector.load %arg1[%get3A_22, %get3A_23] : memref<2x10240xf32, #tpu.memory_space<vmem>>, vector<1x10000xf32>
    %get3A_25 = vector.shape_cast %get3A_24 : vector<1x10000xf32> to vector<10000xf32>
    %get3A_26 = arith.constant 1 : index
    %get3A_27 = arith.constant 0 : index
    %get3A_28 = vector.load %arg1[%get3A_26, %get3A_27] : memref<2x10240xf32, #tpu.memory_space<vmem>>, vector<1x10000xf32>
    %get3A_29 = vector.shape_cast %get3A_28 : vector<1x10000xf32> to vector<10000xf32>
    %add3A_30 = arith.addf %get3A_25, %get3A_29 : vector<10000xf32>
    %mul3A_31 = arith.mulf %slice3A_21, %add3A_30 : vector<10000xf32>
    %broadcast_in_dim3A_32 = vector.shape_cast %mul3A_31 : vector<10000xf32> to vector<1x10000xf32>
    %dot_general3A = arith.constant dense<0.000000e+00> : vector<1x128xf32>
    %dot_general3A_33 = tpu.matmul %broadcast_in_dim3A_32, %max3A_18, %dot_general3A {dimension_numbers = #tpu.dot_dimension_numbers<[1], [0], [0], [1], [0, 0, 1, 1], [], []>, transpose_lhs_hint = false} : vector<1x10000xf32>, vector<10000x128xf32>, vector<1x128xf32> -> vector<1x128xf32>
    %mul3A_34 = arith.constant 9.99999974E-5 : f32
    %mul3A_35 = vector.broadcast %mul3A_34 : f32 to vector<1x128xf32>
    %mul3A_36 = arith.mulf %dot_general3A_33, %mul3A_35 : vector<1x128xf32>
    %get3A_37 = arith.constant 0 : index
    %get3A_38 = arith.constant 0 : index
    %get3A_39 = vector.load %arg5[%get3A_37, %get3A_38] : memref<128x2xf32, #tpu.memory_space<vmem>>, vector<128x2xf32>
    %dot_general3A_40 = arith.constant dense<0.000000e+00> : vector<1x2xf32>
    %dot_general3A_41 = tpu.matmul %mul3A_36, %get3A_39, %dot_general3A_40 {dimension_numbers = #tpu.dot_dimension_numbers<[1], [0], [0], [1], [0, 0, 1, 1], [], []>, transpose_lhs_hint = false} : vector<1x128xf32>, vector<128x2xf32>, vector<1x2xf32> -> vector<1x2xf32>
    %get3A_42 = arith.constant 0 : index
    %get3A_43 = vector.load %arg6[%get3A_42] : memref<2xf32, #tpu.memory_space<vmem>>, vector<2xf32>
    %broadcast_in_dim3A_44 = vector.shape_cast %get3A_43 : vector<2xf32> to vector<1x2xf32>
    %add3A_45 = arith.addf %dot_general3A_41, %broadcast_in_dim3A_44 : vector<1x2xf32>
    %swap3A = arith.constant 0 : index
    %swap3A_46 = arith.constant 0 : index
    %swap3A_47 = vector.load %arg7[%swap3A, %swap3A_46] : memref<1x2xf32, #tpu.memory_space<vmem>>, vector<1x2xf32>
    tpu.vector_store %arg7[%swap3A, %swap3A_46], %add3A_45 {strides = array<i32>} : memref<1x2xf32, #tpu.memory_space<vmem>>, vector<1x2xf32>,
    return
  }
}

</mosaic_0001>

<sc_bundles>
// kernel: kernel.6.cloned.1.call-start
scs
__scs_entry_jumppad:
0x0: {  	(pc) =	sbr.rel $0x88, $3  }
0x1: {  	(tag) =	ssettag $0x0;
	lr =	simm.s32 $0x1  }
0x2: {  	[smem:$0x3F9B] =	sst lr;
	_ =	strace $0xD0000000  }
0x3: {  	_ = 	snop  }
0x4: {  	_ = 	snop  }
0x5: {  	_ = 	snop  }
0x6: {  	_ = 	snop  }
0x7: {  	_ = 	snop  }
__scs_overlays_trampoline_lowered:
0x8: {  	[smem:$0x3FAA] =	sst s0  }
0x9: {  	[smem:$0x3FAB] =	sst s1  }
0xa: {  	[smem:$0x3FAC] =	sst s2  }
0xb: {  	[smem:$0x3FAD] =	sst s3  }
0xc: {  	[smem:$0x3FAE] =	sst s4  }
0xd: {  	[smem:$0x3FAF] =	sst s5  }
0xe: {  	[smem:$0x3FB0] =	sst s6  }
0xf: {  	[smem:$0x3FB1] =	sst s7  }
0x10: {  	[smem:$0x3FB2] =	sst s8  }
0x11: {  	[smem:$0x3FB3] =	sst s9;
	s0 =	simm.s32 @!p0 $0x0  }
0x12: {  	s1 =	sld [smem:$0x3F99];
	s0 =	simm.s32 @p0 $0x1  }
0x13: {  	[smem:$0x3FB4] =	sst s0;
	s0 =	simm.s32 @!p1 $0x0  }
0x14: {  	s2 =	sld [smem:$0x3F98];
	s0 =	simm.s32 @p1 $0x1  }
0x15: {  	[smem:$0x3FB5] =	sst s0;
	s0 =	simm.s32 @!p2 $0x0  }
0x16: {  	s3 =	sld [smem:$0x3FDB];
	s0 =	simm.s32 @p2 $0x1  }
0x17: {  	s4 =	simm.s32 $0x1BF5;
	[smem:$0x3FB7] =	sst s0  }
0x18: {  	s0 =	sld [smem:$0x3F9A];
	_ =	swait.ge [sflag:s4], $0x0  }
0x19: {  	s7 =	sld [smem:$0x3F9B]  }
0x1a: {  	s8 =	sadd.s32 $0xFFFFE003, lr  }
0x1b: {  	s9 =	sadd.s32 $0xFFFFFEF7, lr;
	s5 =	simm.s32 $0xFFFFFFFF;
	p2 =	slt.u32 s8, $0xFFFFF086  }
0x1c: {  	p1 =	slt.u32 s9, $0xF7A;
	s5 =	simm.s32 @!p2 $0x0  }
0x1d: {  	s5 =	simm.s32 @p1 $0x1;
	p0 =	seq.s32 s7, s2  }
0x1e: {  	s7 =	smul.u32 @!p0 $0xF7A, s2;
	p2 =	seq.s32 @!p0 s5, $0x0  }
0x1f: {  	s9 =	smul.u32 $0xF7A, s1;
	s8 =	simm.s32 @!p0 $0x1BF5;
	p2 =	por !p2, p0  }
0x20: {  	[sflag:s8] =	ssyncset.s32 @!p0 $0xFFFFF086;
	s6 =	sadd.s32 @!p0 s3, s7;
	s7 =	simm.s32 @!p0 $0x108  }
0x21: {  	s3 =	sadd.s32 s3, s9;
	s6 =	sadd.s32 @!p0 $0x88, s6;
	s7 =	simm.s32 @p2 $0x1082  }
0x22: {  	[simem:s7], [sflag:s8] =	dma.local @!p0 [hbm:s6], $0xF7A  }
0x23: {  	s9 =	sor.u32 $0xD0000000, s2;
	s6 =	simm.s32 $0x108;
	_ =	swait.ge @!p0 [sflag:s8], $0x0  }
0x24: {  	s3 =	sadd.s32 $0x88, s3;
	s6 =	simm.s32 @!p1 $0x1082;
	[sflag:s4] =	ssyncset.s32 $0xFFFFF086  }
0x25: {  	[simem:s6], [sflag:s4] =	dma.local [hbm:s3], $0xF7A  }
0x26: {  	[smem:$0x3F9B] =	sst s1;
	(tag) =	ssettag s2;
	_ =	strace s9  }
0x27: {  	s1 =	sld [smem:$0x3FAB]  }
0x28: {  	s2 =	sld [smem:$0x3FAC]  }
0x29: {  	s4 =	sld [smem:$0x3FAE]  }
0x2a: {  	p0 =	seq.s32 s5, $0x0;
	s5 =	sld [smem:$0x3FAF]  }
0x2b: {  	s6 =	sld [smem:$0x3FB0]  }
0x2c: {  	s7 =	sld [smem:$0x3FB1]  }
0x2d: {  	s3 =	simm.s32 $0x108;
	s8 =	sld [smem:$0x3FB2]  }
0x2e: {  	s3 =	simm.s32 @!p0 $0x1082;
	s9 =	sld [smem:$0x3FB3]  }
0x2f: {  	lr =	sadd.s32 s0, s3;
	s0 =	sld [smem:$0x3FAA]  }
0x30: {  	s3 =	sld [smem:$0x3FAD]  }
0x31: {  	[smem:$0x3FB6] =	sst s10  }
0x32: {  	s10 =	sld [smem:$0x3FB4];
	_ =	sdelay $0x3  }
0x33: {  	p0 =	seq.s32 s10, $0x1;
	s10 =	sld [smem:$0x3FB6];
	_ =	sdelay $0x3  }
0x34: {  	[smem:$0x3FB6] =	sst s10  }
0x35: {  	s10 =	sld [smem:$0x3FB5];
	_ =	sdelay $0x3  }
0x36: {  	p1 =	seq.s32 s10, $0x1;
	s10 =	sld [smem:$0x3FB6];
	_ =	sdelay $0x3  }
0x37: {  	[smem:$0x3FB6] =	sst s10  }
0x38: {  	s10 =	sld [smem:$0x3FB7]  }
0x39: {  	_ = 	snop;
	(pc) =	sbr.ind lr, $3  }
0x3a: {  	_ = 	snop  }
0x3b: {  	_ = 	snop  }
0x3c: {  	p2 =	seq.s32 s10, $0x1;
	s10 =	sld [smem:$0x3FB6]  }
0x3d: {  	_ =	shalt  }
0x3e: {  	_ =	shalt  }
0x3f: {  	_ =	shalt  }
0x40: {  	_ =	shalt  }
0x41: {  	_ =	shalt  }
0x42: {  	_ =	shalt  }
0x43: {  	_ =	shalt  }
0x44: {  	_ =	shalt  }
0x45: {  	_ =	shalt  }
0x46: {  	_ =	shalt  }
0x47: {  	_ =	shalt  }
0x48: {  	_ =	shalt  }
0x49: {  	_ =	shalt  }
0x4a: {  	_ =	shalt  }
0x4b: {  	_ =	shalt  }
0x4c: {  	_ =	shalt  }
0x4d: {  	_ =	shalt  }
0x4e: {  	_ =	shalt  }
0x4f: {  	_ =	shalt  }
0x50: {  	_ =	shalt  }
0x51: {  	_ =	shalt  }
0x52: {  	_ =	shalt  }
0x53: {  	_ =	shalt  }
0x54: {  	_ =	shalt  }
0x55: {  	_ =	shalt  }
0x56: {  	_ =	shalt  }
0x57: {  	_ =	shalt  }
0x58: {  	_ =	shalt  }
0x59: {  	_ =	shalt  }
0x5a: {  	_ =	shalt  }
0x5b: {  	_ =	shalt  }
0x5c: {  	_ =	shalt  }
0x5d: {  	_ =	shalt  }
0x5e: {  	_ =	shalt  }
0x5f: {  	_ =	shalt  }
0x60: {  	_ =	shalt  }
0x61: {  	_ =	shalt  }
0x62: {  	_ =	shalt  }
0x63: {  	_ =	shalt  }
0x64: {  	_ =	shalt  }
0x65: {  	_ =	shalt  }
0x66: {  	_ =	shalt  }
0x67: {  	_ =	shalt  }
0x68: {  	_ =	shalt  }
0x69: {  	_ =	shalt  }
0x6a: {  	_ =	shalt  }
0x6b: {  	_ =	shalt  }
0x6c: {  	_ =	shalt  }
0x6d: {  	_ =	shalt  }
0x6e: {  	_ =	shalt  }
0x6f: {  	_ =	shalt  }
0x70: {  	_ =	shalt  }
0x71: {  	_ =	shalt  }
0x72: {  	_ =	shalt  }
0x73: {  	_ =	shalt  }
0x74: {  	_ =	shalt  }
0x75: {  	_ =	shalt  }
0x76: {  	_ =	shalt  }
0x77: {  	_ =	shalt  }
0x78: {  	_ =	shalt  }
0x79: {  	_ =	shalt  }
0x7a: {  	_ =	shalt  }
0x7b: {  	_ =	shalt  }
0x7c: {  	_ =	shalt  }
0x7d: {  	_ =	shalt  }
0x7e: {  	_ =	shalt  }
0x7f: {  	_ =	shalt  }
0x80: {  	_ =	shalt  }
0x81: {  	_ =	shalt  }
0x82: {  	_ =	shalt  }
0x83: {  	_ =	shalt  }
0x84: {  	_ =	shalt  }
0x85: {  	_ =	shalt  }
0x86: {  	_ =	shalt  }
0x87: {  	_ =	shalt  }
.Lfunc_end0:
.L_simem_size_0:
called_computation_lowered:
.L_overlay_start_0:
0x88: {  	s2 =	sld [smem:$0x3FD9]  }
0x89: {  	s3 =	sld [smem:$0x3FFE];
	_ =	sdelay $0x1  }
0x8a: {  	s1 =	srdreg.scid  }
0x8b: {  	s0 =	sand.u32 $0x1, s1  }
0x8c: {  	s16 =	sshll.u32 s0, $0xA;
	s2 =	sadd.s32 s3, s2  }
0x8d: {  	s2 =	sadd.s32 s2, s16  }
0x8e: {  	[smem:$0x3FC2] =	sst s2  }
0x8f: {  	_ = 	snop  }
0x90: {  	(tm) =	ssettm $0x1  }
0x91: {  	s17 =	sld [smem:$0x3FFB];
	_ =	sdelay $0x3  }
0x92: {  	_ =	strace s17  }
0x93: {  	s2 =	sld [smem:$0x3FFC];
	_ =	sdelay $0x3  }
0x94: {  	_ =	strace s2  }
0x95: {  	s2 =	sld [smem:$0x3FFD];
	_ =	sdelay $0x3  }
0x96: {  	_ =	strace s2  }
0x97: {  	_ =	strace $0x8FFFFFFF  }
0x98: {  	s18 =	sld [smem:$0x3FDB];
	_ =	sdelay $0x1  }
0x99: {  	s19 =	simm.s32 $_scs_section_size  }
0x9a: {  	s4 =	simm.s32 $_size__tile_overlayer_lowered;
	s5 =	simm.s32 $_tile_overlayer_lowered  }
0x9b: {  	s22 =	simm.s32 $0x1BFF;
	s21 =	sshll.u32 s5, $0x1;
	s2 =	sadd.s32 s19, s18  }
0x9c: {  	s6 =	simm.s32 $0x0;
	s20 =	sshll.u32 s4, $0x1;
	s4 =	sadd.s32 s21, s2  }
0x9d: {  	[timem:s6], [sflag:s22] =	dma.local [hbm:s4], s20  }
0x9e: {  	_ =	swait.ge [sflag:s22], s20  }
0x9f: {  	s3 =	ssub.s32 $0x0, s20;
	[sflag:s22] =	ssyncset.done $0x0  }
0xa0: {  	[sflag:s22] =	ssyncadd.s32 s3;
	_ =	sdelay $0x1  }
0xa1: {  	s23 =	simm.s32 $0x1B8B  }
0xa2: {  	_ =	swait.ge [sflag:s23], $0x1  }
0xa3: {  	[sflag:s23] =	ssyncset.done $0x0  }
0xa4: {  	s25 =	simm.s32 $0x1B8E;
	s24 =	sld [smem:$0x3FFE];
	[sflag:s23] =	ssyncadd.s32 $0xFFFFFFFF  }
0xa5: {  	s26 =	simm.s32 $execute0_lowered;
	[smem:$0x3FD2] =	sst s25  }
0xa6: {  	s4 =	sshll.u32 s26, $0x1;
	_ =	strace $0x80000046;
	[dreg:$0x1] =	wrdreg $0xFFFFFFFF  }
0xa7: {  	s28 =	simm.s32 $_size_execute0_lowered;
	s2 =	sadd.s32 s2, s4;
	[dreg:$0x0] =	wrdreg $0x0  }
0xa8: {  	s4 =	sshll.u32 s28, $0x1;
	[dreg:$0x2] =	wrdreg s2  }
0xa9: {  	[dreg:$0x3] =	wrdreg s4  }
0xaa: {  	[dreg:$0x4] =	wrdreg $0xC0  }
0xab: {  	_ =	task [dreg:s6], $0x5FFFF  }
0xac: {  	[dreg:$0x1] =	wrdreg $0xFFFFFFFF  }
0xad: {  	[dreg:$0x0] =	wrdreg $0x60  }
0xae: {  	[dreg:$0x2] =	wrdreg s24  }
0xaf: {  	[dreg:$0x3] =	wrdreg $0x80000  }
0xb0: {  	[dreg:$0x4] =	wrdreg $0x82800  }
0xb1: {  	[dreg:$0x5] =	wrdreg $0x9  }
0xb2: {  	_ =	task.clear_ibuf [dreg:s6], $0x6FFFF;
	_ =	strace $0x90000046  }
0xb3: {  	s29 =	simm.s32 $0x9;
	_ =	strace $0x80000048  }
0xb4: {  	_ =	swait.ge [sflag:s29], $0x1  }
0xb5: {  	[sflag:s29] =	ssyncadd.s32 $0xFFFFFFFF  }
0xb6: {  	_ =	strace $0x90000048  }
0xb7: {  	_ =	sfence  }
0xb8: {  	s30 =	sld [smem:$0x0];
	_ =	sdelay $0x2  }
0xb9: {  	s31 =	sshll.u32 s1, $0xD;
	s1 =	sshrl.u32 s1, $0x2  }
0xba: {  	s3 =	sand.u32 $0x4000, s31;
	s1 =	sadd.s32 s1, s30  }
0xbb: {  	s0 =	sor.u32 s3, s0;
	s1 =	sshll.u32 s1, $0x11  }
0xbc: {  	s0 =	sor.u32 s1, s0  }
0xbd: {  	s0 =	sadd.s32 $0x8F2B, s0  }
0xbe: {  	[sflag:s0] =	ssyncadd.remote.s32 $0x1  }
0xbf: {  	_ =	sfence.sel $0xFFFF  }
0xc0: {  	[dreg:$0x0] =	wrdreg $0xFFFFFFFF;
	(pc) =	sbr.abs _section_cstart, $3  }
0xc1: {  	[dreg:$0x1] =	wrdreg $0xFFFFFFFF  }
0xc2: {  	_ =	task.clear_ibuf [dreg:s6], $0x2FFFF;
	_ =	strace $0x9FFFFFFF  }
0xc3: {  	(tm) =	ssettm $0x7FFFFFFF  }
tec
execute0_lowered:
.L_overlay_start_1:
0x0: {  	(tag) =	ssettag $0x1  }
0x1: {  	s5 =	rddreg [dreg:$0x0]  }
0x2: {  	s1 =	rddreg [dreg:$0x1]  }
0x3: {  	s3 =	rddreg [dreg:$0x2]  }
0x4: {  	s0 =	rddreg [dreg:$0x3];
	s6 =	srdreg.scid  }
0x5: {  	s4 =	simm.s32 $0x0;
	s2 =	stileid.u32;
	s13 =	simm.s32 $0x50  }
0x6: {  	s14 =	simm.s32 $0x7D00;
	s15 =	simm.s32 $0x1;
	s16 =	simm.s32 $0x2  }
0x7: {  	s19 =	simm.s32 $0x20;
	s20 =	simm.s32 $0x10;
	s21 =	simm.s32 $0x0  }
0x8: {  	s6 =	sand.u32 $0x1, s6;
	[smem:$0x7FF] =	sst s4;
	s8 =	smul.u32 $0x500, s2  }
0x9: {  	s10 =	smul.u32 $0x280, s2;
	s17 =	sshll.u32 s2, $0x6;
	s7 =	sshll.u32 s6, $0x4  }
0xa: {  	_ =	strace $0x80000047;
	s9 =	sshll.u32 s6, $0x7;
	s6 =	ssub.s32 $0x2, s6  }
0xb: {  	s17 =	sor.u32 $0x1C03, s17;
	s7 =	sor.u32 s2, s7;
	s8 =	sor.u32 s9, s8  }
0xc: {  	s31 =	sshrl.u32 s6, $0x1;
	s7 =	smul.u32 $0xFA0, s7;
	s8 =	sshrl.u32 s8, $0x3  }
0xd: {  	s12 =	ssub.s32 s6, s31;
	s6 =	sadd.s32 s10, s1;
	s11 =	sadd.s32 s8, s5  }
0xe: {  	s18 =	sshrl.u32 s6, $0x3;
	s7 =	sadd.s32 s7, s5;
	s8 =	sadd.s32 $0x22400, s11  }
0xf: {  	s9 =	sadd.s32 $0x22E00, s11;
	s11 =	simm.s32 $0x3;
	s5 =	sadd.s32 $0x3000, s7  }
0x10: {  	v0 =	vimm.f32 $1.000000000e+00;
	v1 =	vimm.f32 $0.0e+00;
	s7 =	sadd.s32 s10, s3;
	s10 =	smax.u32 s12, $0x1;
	s12 =	simm.s32 $0x7D80  }
.LBB2_1:
0x11: {  	[tilespmem:s4], [sflag:$0x3] =	stream.linear.gather [hbm4b:s5+s4], $0x7D00, $0x38;
	[tilespmem:$0x8500] =	vst v63  }
0x12: {  	_ =	swait.ge [sflag:s11], $0x7D00  }
0x13: {  	[sflag:s11] =	ssyncset.done $0x0  }
0x14: {  	[sflag:s11] =	ssyncadd.s32 $0xFFFF8300  }
0x15: {  	[tilespmem:$0x7D00] =	vst v0  }
0x16: {  	[tilespmem:$0x7D10] =	vst v0  }
0x17: {  	[tilespmem:$0x7D20] =	vst v0  }
0x18: {  	[tilespmem:$0x7D30] =	vst v0  }
0x19: {  	[tilespmem:$0x7D40] =	vst v0  }
0x1a: {  	[tilespmem:$0x7D80] =	vst v1  }
0x1b: {  	[tilespmem:$0x7D90] =	vst v1  }
0x1c: {  	[tilespmem:$0x7DA0] =	vst v1  }
0x1d: {  	[tilespmem:$0x7DB0] =	vst v1  }
0x1e: {  	[tilespmem:$0x7DC0] =	vst v1  }
0x1f: {  	[tilespmem:$0x7DD0] =	vst v1  }
0x20: {  	[tilespmem:$0x7DE0] =	vst v1  }
0x21: {  	[tilespmem:$0x7DF0] =	vst v1  }
0x22: {  	[tilespmem:$0x7E00] =	vst v1  }
0x23: {  	[tilespmem:$0x7E10] =	vst v1  }
0x24: {  	[tilespmem:$0x7E20] =	vst v1  }
0x25: {  	[tilespmem:$0x7E30] =	vst v1  }
0x26: {  	[tilespmem:$0x7E40] =	vst v1  }
0x27: {  	[tilespmem:$0x7E50] =	vst v1  }
0x28: {  	[tilespmem:$0x7E60] =	vst v1  }
0x29: {  	[tilespmem:$0x7E70] =	vst v1  }
0x2a: {  	[tilespmem:$0x7E80] =	vst v1  }
0x2b: {  	[tilespmem:$0x7E90] =	vst v1  }
0x2c: {  	[tilespmem:$0x7EA0] =	vst v1  }
0x2d: {  	[tilespmem:$0x7EB0] =	vst v1  }
0x2e: {  	[tilespmem:$0x7EC0] =	vst v1  }
0x2f: {  	[tilespmem:$0x7ED0] =	vst v1  }
0x30: {  	[tilespmem:$0x7EE0] =	vst v1  }
0x31: {  	[tilespmem:$0x7EF0] =	vst v1  }
0x32: {  	[tilespmem:$0x7F00] =	vst v1  }
0x33: {  	[tilespmem:$0x7F10] =	vst v1  }
0x34: {  	[tilespmem:$0x7F20] =	vst v1  }
0x35: {  	[tilespmem:$0x7F30] =	vst v1  }
0x36: {  	[tilespmem:$0x7F40] =	vst v1  }
0x37: {  	[tilespmem:$0x7F50] =	vst v1  }
0x38: {  	[tilespmem:$0x7F60] =	vst v1  }
0x39: {  	[tilespmem:$0x7F70] =	vst v1  }
0x3a: {  	[tilespmem:$0x7F80] =	vst v1  }
0x3b: {  	[tilespmem:$0x7F90] =	vst v1  }
0x3c: {  	[tilespmem:$0x7FA0] =	vst v1  }
0x3d: {  	[tilespmem:$0x7FB0] =	vst v1  }
0x3e: {  	[tilespmem:$0x7FC0] =	vst v1  }
0x3f: {  	[tilespmem:$0x7FD0] =	vst v1  }
0x40: {  	[tilespmem:$0x7FE0] =	vst v1  }
0x41: {  	[tilespmem:$0x7FF0] =	vst v1  }
0x42: {  	[spmem:s6] =	stream.linear.scatter [tilespmem:s12], [sflag:$0x3], $0x280, $0x38;
	[tilespmem:$0x8500] =	vst v63  }
0x43: {  	_ =	swait.ge [sflag:s11], $0x280  }
0x44: {  	[sflag:s11] =	ssyncset.done $0x0  }
0x45: {  	[sflag:s11] =	ssyncadd.s32 $0xFFFFFD80  }
0x46: {  	[spmem:s7] =	stream.linear.scatter [tilespmem:s12], [sflag:$0x3], $0x280, $0x38;
	[tilespmem:$0x8500] =	vst v63  }
0x47: {  	_ =	swait.ge [sflag:s11], $0x280  }
0x48: {  	[sflag:s11] =	ssyncset.done $0x0  }
0x49: {  	[sflag:s11] =	ssyncadd.s32 $0xFFFFFD80  }
0x4a: {  	s22 =	simm.s32 $0x0;
	[bflag:$0x0] =	sbarrier.arrive $0xFFFF  }
0x4b: {  	[spmem:s1] =	stream.indirect.scatter.add.f32 [tilespmem:s14], [sflag:$0x1], $0x1, s22, s13, $0xb8;
	[tilespmem:$0x8500] =	vst v63  }
0x4c: {  	s23 =	simm.s32 $0x80;
	s22 =	simm.s32 $0x400  }
.LBB2_2:
0x4d: {  	[spmem:s3] =	stream.indirect.scatter.add.f32 [tilespmem:s14], [sflag:$0x2], $0x1, s23, s13, $0xb8;
	[tilespmem:$0x8500] =	vst v63  }
0x4e: {  	s23 =	smov.u32 s22;
	p0 =	sne.s32 s22, $0x1F000  }
.Ltmp0:
0x4f: {  	s22 =	sadd.s32 $0x400, s22;
	(pc) =	sbr.rel @p0 .LBB2_2-.Ltmp0, $4  }
0x50: {  	_ = 	snop  }
0x51: {  	s23 =	sshra.s32 s23, $0x2  }
0x52: {  	[spmem:s1] =	stream.indirect.scatter.add.f32 [tilespmem:s14], [sflag:$0x1], $0x1, s23, s13, $0xb8;
	[tilespmem:$0x8500] =	vst v63  }
0x53: {  	s23 =	sadd.s32 $0x80, s23  }
0x54: {  	[spmem:s3] =	stream.indirect.scatter.add.f32 [tilespmem:s14], [sflag:$0x2], $0x1, s23, s13, $0xb8;
	[tilespmem:$0x8500] =	vst v63  }
0x55: {  	_ =	swait.ge [sflag:s15], $0x50  }
0x56: {  	[sflag:s15] =	ssyncset.done $0x0  }
0x57: {  	[sflag:s15] =	ssyncadd.s32 $0xFFFFFFB0  }
0x58: {  	_ =	swait.ge [sflag:s16], $0x50  }
0x59: {  	s22 =	simm.s32 $0x7C;
	[sflag:s16] =	ssyncset.done $0x0  }
.LBB2_4:
0x5a: {  	p0 =	sne.s32 s22, $0x1;
	s22 =	sadd.s32 $0xFFFFFFFF, s22;
	[sflag:s16] =	ssyncadd.s32 $0xFFFFFFB0  }
.Ltmp1:
0x5b: {  	_ =	swait.ge [sflag:s15], $0x50;
	(pc) =	sbr.rel @p0 .LBB2_4-.Ltmp1, $4  }
0x5c: {  	[sflag:s15] =	ssyncset.done $0x0  }
0x5d: {  	[sflag:s15] =	ssyncadd.s32 $0xFFFFFFB0  }
0x5e: {  	_ =	swait.ge [sflag:s16], $0x50  }
0x5f: {  	[sflag:s16] =	ssyncset.done $0x0  }
0x60: {  	[sflag:s16] =	ssyncadd.s32 $0xFFFFFFB0  }
0x61: {  	[bflag:$0x0] =	sbarrier.arrive $0xFFFF  }
0x62: {  	[hbm:s8@s19], [sflag:s17] =	dma.strided [spmem:s18@s20], $0x50, s15, $0x10   }
0x63: {  	s21 =	sadd.s32 $0x1, s21;
	_ =	swait.ge [sflag:s11], $0x50  }
0x64: {  	p0 =	sne.s32 s21, s10;
	[sflag:s11] =	ssyncset.done $0x0  }
.Ltmp2:
0x65: {  	s22 =	sshrl.u32 s7, $0x3;
	[sflag:s11] =	ssyncadd.s32 $0xFFFFFFB0;
	(pc) =	sbr.rel @p0 .LBB2_1-.Ltmp2, $4  }
0x66: {  	[hbm:s9@s19], [sflag:s17] =	dma.strided [spmem:s22@s20], $0x50, s15, $0x10   }
0x67: {  	_ =	swait.ge [sflag:s11], $0x50  }
0x68: {  	[sflag:s11] =	ssyncset.done $0x0  }
0x69: {  	[sflag:s11] =	ssyncadd.s32 $0xFFFFFFB0  }
0x6a: {  	_ =	sfence.sel $0x180000  }
0x6b: {  	[bflag:$0x0] =	sbarrier.arrive $0xFFFF  }
0x6c: {  	p0 =	sne.s32 s2, $0x0;
	_ =	strace $0x90000047  }
0x6d: {  	s0 =	sadd.s32 @!p0 $0x100000, s0;
	[bflag:$0x2] =	sbarrier.arrive $0xFFFF  }
0x6e: {  	[sflag:s0] =	ssyncadd.tile.s32 @!p0 $0x1;
	_ =	shalt  }
.Lfunc_end2:
_tile_overlayer_lowered:
.L_overlay_start_2:
0x6f: {  	(tag) =	ssettag $0x2  }
0x70: {  	s0 =	rddreg [dreg:$0x0];
	s2 =	stileid.u32  }
0x71: {  	s1 =	rddreg [dreg:$0x1];
	p0 =	sne.s32 s2, $0x0  }
0x72: {  	s3 =	rddreg [dreg:$0x2];
	[bflag:$0x3] =	sbarrier.arrive $0xFFFF;
	s2 =	simm.s32 @!p0 $0x1C03  }
0x73: {  	[timem:s3], [sflag:s2] =	dma.local @!p0 [hbm:s0], s1  }
0x74: {  	s0 =	simm.s32 @!p0 $0x3  }
0x75: {  	_ =	swait.ge @!p0 [sflag:s0], s1  }
0x76: {  	s1 =	ssub.s32 @!p0 $0x0, s1;
	[sflag:s0] =	ssyncset.done @!p0 $0x0  }
0x77: {  	[sflag:s0] =	ssyncadd.s32 @!p0 s1  }
0x78: {  	[bflag:$0x3] =	sbarrier.arrive $0xFFFF  }
0x79: {  	_ =	shalt  }

// kernel: kernel.9.cloned.1.call-start
scs
__scs_entry_jumppad:
0x0: {  	(pc) =	sbr.rel $0x88, $3  }
0x1: {  	(tag) =	ssettag $0x0;
	lr =	simm.s32 $0x1  }
0x2: {  	[smem:$0x3F9B] =	sst lr;
	_ =	strace $0xD0000000  }
0x3: {  	_ = 	snop  }
0x4: {  	_ = 	snop  }
0x5: {  	_ = 	snop  }
0x6: {  	_ = 	snop  }
0x7: {  	_ = 	snop  }
__scs_overlays_trampoline_lowered:
0x8: {  	[smem:$0x3FAA] =	sst s0  }
0x9: {  	[smem:$0x3FAB] =	sst s1  }
0xa: {  	[smem:$0x3FAC] =	sst s2  }
0xb: {  	[smem:$0x3FAD] =	sst s3  }
0xc: {  	[smem:$0x3FAE] =	sst s4  }
0xd: {  	[smem:$0x3FAF] =	sst s5  }
0xe: {  	[smem:$0x3FB0] =	sst s6  }
0xf: {  	[smem:$0x3FB1] =	sst s7  }
0x10: {  	[smem:$0x3FB2] =	sst s8  }
0x11: {  	[smem:$0x3FB3] =	sst s9;
	s0 =	simm.s32 @!p0 $0x0  }
0x12: {  	s1 =	sld [smem:$0x3F99];
	s0 =	simm.s32 @p0 $0x1  }
0x13: {  	[smem:$0x3FB4] =	sst s0;
	s0 =	simm.s32 @!p1 $0x0  }
0x14: {  	s2 =	sld [smem:$0x3F98];
	s0 =	simm.s32 @p1 $0x1  }
0x15: {  	[smem:$0x3FB5] =	sst s0;
	s0 =	simm.s32 @!p2 $0x0  }
0x16: {  	s3 =	sld [smem:$0x3FDB];
	s0 =	simm.s32 @p2 $0x1  }
0x17: {  	s4 =	simm.s32 $0x1BF5;
	[smem:$0x3FB7] =	sst s0  }
0x18: {  	s0 =	sld [smem:$0x3F9A];
	_ =	swait.ge [sflag:s4], $0x0  }
0x19: {  	s7 =	sld [smem:$0x3F9B]  }
0x1a: {  	s8 =	sadd.s32 $0xFFFFE003, lr  }
0x1b: {  	s9 =	sadd.s32 $0xFFFFFEF7, lr;
	s5 =	simm.s32 $0xFFFFFFFF;
	p2 =	slt.u32 s8, $0xFFFFF086  }
0x1c: {  	p1 =	slt.u32 s9, $0xF7A;
	s5 =	simm.s32 @!p2 $0x0  }
0x1d: {  	s5 =	simm.s32 @p1 $0x1;
	p0 =	seq.s32 s7, s2  }
0x1e: {  	s7 =	smul.u32 @!p0 $0xF7A, s2;
	p2 =	seq.s32 @!p0 s5, $0x0  }
0x1f: {  	s9 =	smul.u32 $0xF7A, s1;
	s8 =	simm.s32 @!p0 $0x1BF5;
	p2 =	por !p2, p0  }
0x20: {  	[sflag:s8] =	ssyncset.s32 @!p0 $0xFFFFF086;
	s6 =	sadd.s32 @!p0 s3, s7;
	s7 =	simm.s32 @!p0 $0x108  }
0x21: {  	s3 =	sadd.s32 s3, s9;
	s6 =	sadd.s32 @!p0 $0x88, s6;
	s7 =	simm.s32 @p2 $0x1082  }
0x22: {  	[simem:s7], [sflag:s8] =	dma.local @!p0 [hbm:s6], $0xF7A  }
0x23: {  	s9 =	sor.u32 $0xD0000000, s2;
	s6 =	simm.s32 $0x108;
	_ =	swait.ge @!p0 [sflag:s8], $0x0  }
0x24: {  	s3 =	sadd.s32 $0x88, s3;
	s6 =	simm.s32 @!p1 $0x1082;
	[sflag:s4] =	ssyncset.s32 $0xFFFFF086  }
0x25: {  	[simem:s6], [sflag:s4] =	dma.local [hbm:s3], $0xF7A  }
0x26: {  	[smem:$0x3F9B] =	sst s1;
	(tag) =	ssettag s2;
	_ =	strace s9  }
0x27: {  	s1 =	sld [smem:$0x3FAB]  }
0x28: {  	s2 =	sld [smem:$0x3FAC]  }
0x29: {  	s4 =	sld [smem:$0x3FAE]  }
0x2a: {  	p0 =	seq.s32 s5, $0x0;
	s5 =	sld [smem:$0x3FAF]  }
0x2b: {  	s6 =	sld [smem:$0x3FB0]  }
0x2c: {  	s7 =	sld [smem:$0x3FB1]  }
0x2d: {  	s3 =	simm.s32 $0x108;
	s8 =	sld [smem:$0x3FB2]  }
0x2e: {  	s3 =	simm.s32 @!p0 $0x1082;
	s9 =	sld [smem:$0x3FB3]  }
0x2f: {  	lr =	sadd.s32 s0, s3;
	s0 =	sld [smem:$0x3FAA]  }
0x30: {  	s3 =	sld [smem:$0x3FAD]  }
0x31: {  	[smem:$0x3FB6] =	sst s10  }
0x32: {  	s10 =	sld [smem:$0x3FB4];
	_ =	sdelay $0x3  }
0x33: {  	p0 =	seq.s32 s10, $0x1;
	s10 =	sld [smem:$0x3FB6];
	_ =	sdelay $0x3  }
0x34: {  	[smem:$0x3FB6] =	sst s10  }
0x35: {  	s10 =	sld [smem:$0x3FB5];
	_ =	sdelay $0x3  }
0x36: {  	p1 =	seq.s32 s10, $0x1;
	s10 =	sld [smem:$0x3FB6];
	_ =	sdelay $0x3  }
0x37: {  	[smem:$0x3FB6] =	sst s10  }
0x38: {  	s10 =	sld [smem:$0x3FB7]  }
0x39: {  	_ = 	snop;
	(pc) =	sbr.ind lr, $3  }
0x3a: {  	_ = 	snop  }
0x3b: {  	_ = 	snop  }
0x3c: {  	p2 =	seq.s32 s10, $0x1;
	s10 =	sld [smem:$0x3FB6]  }
0x3d: {  	_ =	shalt  }
0x3e: {  	_ =	shalt  }
0x3f: {  	_ =	shalt  }
0x40: {  	_ =	shalt  }
0x41: {  	_ =	shalt  }
0x42: {  	_ =	shalt  }
0x43: {  	_ =	shalt  }
0x44: {  	_ =	shalt  }
0x45: {  	_ =	shalt  }
0x46: {  	_ =	shalt  }
0x47: {  	_ =	shalt  }
0x48: {  	_ =	shalt  }
0x49: {  	_ =	shalt  }
0x4a: {  	_ =	shalt  }
0x4b: {  	_ =	shalt  }
0x4c: {  	_ =	shalt  }
0x4d: {  	_ =	shalt  }
0x4e: {  	_ =	shalt  }
0x4f: {  	_ =	shalt  }
0x50: {  	_ =	shalt  }
0x51: {  	_ =	shalt  }
0x52: {  	_ =	shalt  }
0x53: {  	_ =	shalt  }
0x54: {  	_ =	shalt  }
0x55: {  	_ =	shalt  }
0x56: {  	_ =	shalt  }
0x57: {  	_ =	shalt  }
0x58: {  	_ =	shalt  }
0x59: {  	_ =	shalt  }
0x5a: {  	_ =	shalt  }
0x5b: {  	_ =	shalt  }
0x5c: {  	_ =	shalt  }
0x5d: {  	_ =	shalt  }
0x5e: {  	_ =	shalt  }
0x5f: {  	_ =	shalt  }
0x60: {  	_ =	shalt  }
0x61: {  	_ =	shalt  }
0x62: {  	_ =	shalt  }
0x63: {  	_ =	shalt  }
0x64: {  	_ =	shalt  }
0x65: {  	_ =	shalt  }
0x66: {  	_ =	shalt  }
0x67: {  	_ =	shalt  }
0x68: {  	_ =	shalt  }
0x69: {  	_ =	shalt  }
0x6a: {  	_ =	shalt  }
0x6b: {  	_ =	shalt  }
0x6c: {  	_ =	shalt  }
0x6d: {  	_ =	shalt  }
0x6e: {  	_ =	shalt  }
0x6f: {  	_ =	shalt  }
0x70: {  	_ =	shalt  }
0x71: {  	_ =	shalt  }
0x72: {  	_ =	shalt  }
0x73: {  	_ =	shalt  }
0x74: {  	_ =	shalt  }
0x75: {  	_ =	shalt  }
0x76: {  	_ =	shalt  }
0x77: {  	_ =	shalt  }
0x78: {  	_ =	shalt  }
0x79: {  	_ =	shalt  }
0x7a: {  	_ =	shalt  }
0x7b: {  	_ =	shalt  }
0x7c: {  	_ =	shalt  }
0x7d: {  	_ =	shalt  }
0x7e: {  	_ =	shalt  }
0x7f: {  	_ =	shalt  }
0x80: {  	_ =	shalt  }
0x81: {  	_ =	shalt  }
0x82: {  	_ =	shalt  }
0x83: {  	_ =	shalt  }
0x84: {  	_ =	shalt  }
0x85: {  	_ =	shalt  }
0x86: {  	_ =	shalt  }
0x87: {  	_ =	shalt  }
.Lfunc_end0:
.L_simem_size_0:
called_computation.1_lowered:
.L_overlay_start_0:
0x88: {  	s2 =	sld [smem:$0x3FD9]  }
0x89: {  	s3 =	sld [smem:$0x3FFE];
	_ =	sdelay $0x1  }
0x8a: {  	s1 =	srdreg.scid  }
0x8b: {  	s0 =	sand.u32 $0x1, s1  }
0x8c: {  	s16 =	sshll.u32 s0, $0xA;
	s2 =	sadd.s32 s3, s2  }
0x8d: {  	s2 =	sadd.s32 s2, s16  }
0x8e: {  	[smem:$0x3FC2] =	sst s2  }
0x8f: {  	_ = 	snop  }
0x90: {  	(tm) =	ssettm $0x1  }
0x91: {  	s17 =	sld [smem:$0x3FFB];
	_ =	sdelay $0x3  }
0x92: {  	_ =	strace s17  }
0x93: {  	s2 =	sld [smem:$0x3FFC];
	_ =	sdelay $0x3  }
0x94: {  	_ =	strace s2  }
0x95: {  	s2 =	sld [smem:$0x3FFD];
	_ =	sdelay $0x3  }
0x96: {  	_ =	strace s2  }
0x97: {  	_ =	strace $0x8FFFFFFF  }
0x98: {  	s18 =	sld [smem:$0x3FDB];
	_ =	sdelay $0x1  }
0x99: {  	s19 =	simm.s32 $_scs_section_size  }
0x9a: {  	s4 =	simm.s32 $_size__tile_overlayer_lowered;
	s5 =	simm.s32 $_tile_overlayer_lowered  }
0x9b: {  	s22 =	simm.s32 $0x1BFF;
	s21 =	sshll.u32 s5, $0x1;
	s2 =	sadd.s32 s19, s18  }
0x9c: {  	s6 =	simm.s32 $0x0;
	s20 =	sshll.u32 s4, $0x1;
	s4 =	sadd.s32 s21, s2  }
0x9d: {  	[timem:s6], [sflag:s22] =	dma.local [hbm:s4], s20  }
0x9e: {  	_ =	swait.ge [sflag:s22], s20  }
0x9f: {  	s3 =	ssub.s32 $0x0, s20;
	[sflag:s22] =	ssyncset.done $0x0  }
0xa0: {  	[sflag:s22] =	ssyncadd.s32 s3;
	_ =	sdelay $0x1  }
0xa1: {  	s23 =	simm.s32 $0x1B8B  }
0xa2: {  	_ =	swait.ge [sflag:s23], $0x1  }
0xa3: {  	[sflag:s23] =	ssyncset.done $0x0  }
0xa4: {  	s25 =	simm.s32 $0x1B8E;
	s24 =	sld [smem:$0x3FFE];
	[sflag:s23] =	ssyncadd.s32 $0xFFFFFFFF  }
0xa5: {  	s26 =	simm.s32 $execute0_lowered;
	[smem:$0x3FD2] =	sst s25  }
0xa6: {  	s4 =	sshll.u32 s26, $0x1;
	_ =	strace $0x80000049;
	[dreg:$0x1] =	wrdreg $0xFFFFFFFF  }
0xa7: {  	s28 =	simm.s32 $_size_execute0_lowered;
	s2 =	sadd.s32 s2, s4;
	[dreg:$0x0] =	wrdreg $0x0  }
0xa8: {  	s4 =	sshll.u32 s28, $0x1;
	[dreg:$0x2] =	wrdreg s2  }
0xa9: {  	[dreg:$0x3] =	wrdreg s4  }
0xaa: {  	[dreg:$0x4] =	wrdreg $0xC0  }
0xab: {  	_ =	task [dreg:s6], $0x5FFFF  }
0xac: {  	[dreg:$0x1] =	wrdreg $0xFFFFFFFF  }
0xad: {  	[dreg:$0x0] =	wrdreg $0x60  }
0xae: {  	[dreg:$0x2] =	wrdreg s24  }
0xaf: {  	[dreg:$0x3] =	wrdreg $0x58800  }
0xb0: {  	[dreg:$0x4] =	wrdreg $0x198800  }
0xb1: {  	[dreg:$0x5] =	wrdreg $0x9  }
0xb2: {  	_ =	task.clear_ibuf [dreg:s6], $0x6FFFF;
	_ =	strace $0x90000049  }
0xb3: {  	s29 =	simm.s32 $0x9;
	_ =	strace $0x8000004B  }
0xb4: {  	_ =	swait.ge [sflag:s29], $0x1  }
0xb5: {  	[sflag:s29] =	ssyncadd.s32 $0xFFFFFFFF  }
0xb6: {  	_ =	strace $0x9000004B  }
0xb7: {  	_ =	sfence  }
0xb8: {  	s30 =	sld [smem:$0x0];
	_ =	sdelay $0x2  }
0xb9: {  	s31 =	sshll.u32 s1, $0xD;
	s1 =	sshrl.u32 s1, $0x2  }
0xba: {  	s3 =	sand.u32 $0x4000, s31;
	s1 =	sadd.s32 s1, s30  }
0xbb: {  	s0 =	sor.u32 s3, s0;
	s1 =	sshll.u32 s1, $0x11  }
0xbc: {  	s0 =	sor.u32 s1, s0  }
0xbd: {  	s0 =	sadd.s32 $0x8F2B, s0  }
0xbe: {  	[sflag:s0] =	ssyncadd.remote.s32 $0x1  }
0xbf: {  	_ =	sfence.sel $0xFFFF  }
0xc0: {  	[dreg:$0x0] =	wrdreg $0xFFFFFFFF;
	(pc) =	sbr.abs _section_cstart, $3  }
0xc1: {  	[dreg:$0x1] =	wrdreg $0xFFFFFFFF  }
0xc2: {  	_ =	task.clear_ibuf [dreg:s6], $0x2FFFF;
	_ =	strace $0x9FFFFFFF  }
0xc3: {  	(tm) =	ssettm $0x7FFFFFFF  }
tec
execute0_lowered:
.L_overlay_start_1:
0x0: {  	(tag) =	ssettag $0x1  }
0x1: {  	s0 =	rddreg [dreg:$0x0]  }
0x2: {  	s2 =	rddreg [dreg:$0x1];
	s12 =	stileid.u32  }
0x3: {  	s1 =	rddreg [dreg:$0x2];
	s7 =	smul.u32 $0x14000, s12  }
0x4: {  	s3 =	srdreg.scid;
	s8 =	smul.u32 $0x500, s12  }
0x5: {  	s4 =	simm.s32 $0x0;
	s29 =	simm.s32 $0x50;
	s10 =	smul.u32 $0x50000, s12  }
0x6: {  	s31 =	simm.s32 $0x100;
	s30 =	simm.s32 $0x380;
	s19 =	smul.u32 $0xA00, s12  }
0x7: {  	s3 =	sand.u32 $0x1, s3;
	[smem:$0x7FF] =	sst s4;
	s24 =	smul.u32 $0x7D00, s12  }
0x8: {  	s5 =	sadd.s32 $0x22400, s0;
	s28 =	sadd.s32 $0x3000, s0;
	s6 =	smul.u32 $0x140000, s3  }
0x9: {  	_ =	strace $0x8000004A;
	s9 =	sshll.u32 s3, $0x7;
	s16 =	ssub.s32 $0x2, s3  }
0xa: {  	s18 =	sshll.u32 s3, $0x4;
	s3 =	smul.u32 $0x7D000, s3;
	[dreg:$0x7] =	wrdreg s28  }
0xb: {  	s8 =	sor.u32 s9, s8;
	s11 =	sshrl.u32 s16, $0x1;
	s17 =	sshrl.u32 s10, $0x2  }
0xc: {  	s10 =	sor.u32 s12, s18;
	s9 =	sshrl.u32 s19, $0x2;
	s12 =	simm.s32 $0x9  }
0xd: {  	s6 =	sadd.s32 s7, s6;
	s7 =	sadd.s32 $0x49600, s0;
	s9 =	sadd.s32 s9, s1  }
0xe: {  	s8 =	sshrl.u32 s8, $0x3;
	s23 =	sadd.s32 s17, s2;
	[dreg:$0x10] =	wrdreg s9  }
0xf: {  	s10 =	smul.u32 $0x7D00, s10;
	s20 =	sadd.s32 $0x2800, s23;
	[dreg:$0x8] =	wrdreg s23  }
0x10: {  	s3 =	sadd.s32 s24, s3;
	s21 =	sadd.s32 $0x5000, s23;
	[dreg:$0x9] =	wrdreg s20  }
0x11: {  	s6 =	sshrl.u32 s6, $0x3;
	s22 =	sadd.s32 $0x7800, s23;
	[dreg:$0xa] =	wrdreg s21  }
0x12: {  	s25 =	sadd.s32 $0xA000, s23;
	s26 =	sadd.s32 $0xC800, s23;
	[dreg:$0xb] =	wrdreg s22  }
0x13: {  	s13 =	sadd.s32 $0xF000, s23;
	s14 =	sadd.s32 $0x11800, s23;
	[dreg:$0xc] =	wrdreg s25  }
0x14: {  	s17 =	sadd.s32 $0x600, s3;
	s19 =	sadd.s32 $0x500, s3;
	[dreg:$0xd] =	wrdreg s26  }
0x15: {  	s6 =	sadd.s32 s6, s0;
	s0 =	sadd.s32 s8, s0;
	[dreg:$0xe] =	wrdreg s13  }
0x16: {  	s8 =	ssub.s32 s16, s11;
	[dreg:$0xf] =	wrdreg s14;
	s10 =	sshrl.u32 s10, $0x3  }
0x17: {  	s11 =	sadd.s32 $0x700, s3;
	s18 =	sshrl.u32 s17, $0x3;
	s26 =	sadd.s32 $0x400, s3  }
0x18: {  	s13 =	simm.s32 $0x300;
	s15 =	sadd.s32 s28, s10;
	[dreg:$0x19] =	wrdreg s26  }
0x19: {  	s14 =	simm.s32 $0x2C00;
	s6 =	sadd.s32 $0x49C00, s6;
	[dreg:$0x11] =	wrdreg s15  }
0x1a: {  	s16 =	sshrl.u32 s11, $0x3;
	s0 =	sadd.s32 $0x99C00, s0;
	[dreg:$0x16] =	wrdreg s6  }
0x1b: {  	s25 =	smax.u32 s8, $0x1;
	s26 =	simm.s32 $0x400;
	[dreg:$0x17] =	wrdreg s0  }
0x1c: {  	s11 =	simm.s32 $0x5;
	s10 =	sadd.s32 $0x20, s15;
	[dreg:$0x18] =	wrdreg s25  }
0x1d: {  	s8 =	simm.s32 $0xE;
	s9 =	sadd.s32 s16, s28;
	[dreg:$0x12] =	wrdreg s10  }
0x1e: {  	s20 =	sadd.s32 $0x40, s15;
	s21 =	sadd.s32 $0x60, s15;
	[dreg:$0x4] =	wrdreg s9  }
0x1f: {  	s24 =	sadd.s32 $0xF80, s15;
	s0 =	simm.s32 $0x200;
	[dreg:$0x13] =	wrdreg s20  }
0x20: {  	s25 =	simm.s32 $0x4;
	s16 =	simm.s32 $0x0;
	[dreg:$0x14] =	wrdreg s21  }
0x21: {  	s9 =	sadd.s32 s18, s28;
	s10 =	sshrl.u32 s19, $0x3;
	[dreg:$0x15] =	wrdreg s24  }
0x22: {  	s20 =	simm.s32 $0x6;
	s19 =	simm.s32 $0x2;
	s21 =	simm.s32 $0x3  }
0x23: {  	[dreg:$0x5] =	wrdreg s9;
	s22 =	sadd.s32 s10, s28;
	s9 =	simm.s32 $0x100  }
0x24: {  	v0 =	vimm.f32 $0.0e+00;
	s10 =	simm.s32 $0x1;
	[dreg:$0x6] =	wrdreg s22;
	s22 =	simm.s32 $0xD  }
.LBB2_1:
0x25: {  	[dreg:$0x1a] =	wrdreg s16;
	s15 =	simm.s32 $0x0;
	s18 =	simm.s32 $0x200  }
.LBB2_2:
0x26: {  	p0 =	sne.s32 s18, $0x9E00;
	[tilespmem:s15+$0x470] =	vst v0  }
0x27: {  	[tilespmem:s15+$0x400] =	vst v0  }
0x28: {  	[tilespmem:s15+$0x410] =	vst v0  }
.Ltmp0:
0x29: {  	[tilespmem:s15+$0x420] =	vst v0;
	(pc) =	sbr.rel @p0 .LBB2_2-.Ltmp0, $4  }
0x2a: {  	[tilespmem:s15+$0x430] =	vst v0  }
0x2b: {  	[tilespmem:s15+$0x440] =	vst v0  }
0x2c: {  	[tilespmem:s15+$0x450] =	vst v0  }
0x2d: {  	[tilespmem:s15+$0x460] =	vst v0;
	s15 =	sshra.s32 s18, $0x2;
	s18 =	sadd.s32 $0x200, s18  }
0x2e: {  	[tilespmem:s15+$0x470] =	vst v0  }
0x2f: {  	[tilespmem:s15+$0x400] =	vst v0  }
0x30: {  	[tilespmem:s15+$0x410] =	vst v0  }
0x31: {  	[tilespmem:s15+$0x420] =	vst v0  }
0x32: {  	[tilespmem:s15+$0x430] =	vst v0  }
0x33: {  	[tilespmem:s15+$0x440] =	vst v0  }
0x34: {  	[tilespmem:s15+$0x450] =	vst v0  }
0x35: {  	[tilespmem:s15+$0x460] =	vst v0;
	s15 =	simm.s32 $0xF  }
0x36: {  	[spmem:s23] =	stream.linear.scatter [tilespmem:s26], [sflag:$0xF], $0x2800, $0x38;
	[tilespmem:$0x19B00] =	vst v63  }
0x37: {  	_ =	swait.ge [sflag:s15], $0x2800  }
0x38: {  	[sflag:s15] =	ssyncset.done $0x0  }
0x39: {  	s6 =	rddreg [dreg:$0x9];
	[sflag:s15] =	ssyncadd.s32 $0xFFFFD800  }
0x3a: {  	[spmem:s6] =	stream.linear.scatter [tilespmem:s26], [sflag:$0xF], $0x2800, $0x38;
	[tilespmem:$0x19B00] =	vst v63  }
0x3b: {  	_ =	swait.ge [sflag:s15], $0x2800  }
0x3c: {  	[sflag:s15] =	ssyncset.done $0x0  }
0x3d: {  	s3 =	rddreg [dreg:$0xa];
	[sflag:s15] =	ssyncadd.s32 $0xFFFFD800  }
0x3e: {  	[spmem:s3] =	stream.linear.scatter [tilespmem:s26], [sflag:$0xF], $0x2800, $0x38;
	[tilespmem:$0x19B00] =	vst v63  }
0x3f: {  	_ =	swait.ge [sflag:s15], $0x2800  }
0x40: {  	[sflag:s15] =	ssyncset.done $0x0  }
0x41: {  	s16 =	rddreg [dreg:$0xb];
	[sflag:s15] =	ssyncadd.s32 $0xFFFFD800  }
0x42: {  	[spmem:s16] =	stream.linear.scatter [tilespmem:s26], [sflag:$0xF], $0x2800, $0x38;
	[tilespmem:$0x19B00] =	vst v63  }
0x43: {  	_ =	swait.ge [sflag:s15], $0x2800  }
0x44: {  	[sflag:s15] =	ssyncset.done $0x0  }
0x45: {  	s17 =	rddreg [dreg:$0xc];
	[sflag:s15] =	ssyncadd.s32 $0xFFFFD800  }
0x46: {  	[spmem:s17] =	stream.linear.scatter [tilespmem:s26], [sflag:$0xF], $0x2800, $0x38;
	[tilespmem:$0x19B00] =	vst v63  }
0x47: {  	_ =	swait.ge [sflag:s15], $0x2800  }
0x48: {  	[sflag:s15] =	ssyncset.done $0x0  }
0x49: {  	s18 =	rddreg [dreg:$0xd];
	[sflag:s15] =	ssyncadd.s32 $0xFFFFD800  }
0x4a: {  	[spmem:s18] =	stream.linear.scatter [tilespmem:s26], [sflag:$0xF], $0x2800, $0x38;
	[tilespmem:$0x19B00] =	vst v63  }
0x4b: {  	_ =	swait.ge [sflag:s15], $0x2800  }
0x4c: {  	[sflag:s15] =	ssyncset.done $0x0  }
0x4d: {  	s23 =	rddreg [dreg:$0xe];
	[sflag:s15] =	ssyncadd.s32 $0xFFFFD800  }
0x4e: {  	[spmem:s23] =	stream.linear.scatter [tilespmem:s26], [sflag:$0xF], $0x2800, $0x38;
	[tilespmem:$0x19B00] =	vst v63  }
0x4f: {  	_ =	swait.ge [sflag:s15], $0x2800  }
0x50: {  	[sflag:s15] =	ssyncset.done $0x0  }
0x51: {  	s24 =	rddreg [dreg:$0xf];
	[sflag:s15] =	ssyncadd.s32 $0xFFFFD800  }
0x52: {  	[spmem:s24] =	stream.linear.scatter [tilespmem:s26], [sflag:$0xF], $0x2800, $0x38;
	[tilespmem:$0x19B00] =	vst v63  }
0x53: {  	_ =	swait.ge [sflag:s15], $0x2800  }
0x54: {  	[sflag:s15] =	ssyncset.done $0x0  }
0x55: {  	[sflag:s15] =	ssyncadd.s32 $0xFFFFD800  }
0x56: {  	[tilespmem:$0x5600] =	vst v0  }
0x57: {  	[tilespmem:$0x5610] =	vst v0  }
0x58: {  	[tilespmem:$0x5620] =	vst v0  }
0x59: {  	[tilespmem:$0x5630] =	vst v0  }
0x5a: {  	[tilespmem:$0x5640] =	vst v0  }
0x5b: {  	[tilespmem:$0x5650] =	vst v0  }
0x5c: {  	[tilespmem:$0x5660] =	vst v0  }
0x5d: {  	[tilespmem:$0x5670] =	vst v0  }
0x5e: {  	[tilespmem:$0x5680] =	vst v0  }
0x5f: {  	[tilespmem:$0x5690] =	vst v0  }
0x60: {  	[tilespmem:$0x56A0] =	vst v0  }
0x61: {  	[tilespmem:$0x56B0] =	vst v0  }
0x62: {  	[tilespmem:$0x56C0] =	vst v0  }
0x63: {  	[tilespmem:$0x56D0] =	vst v0  }
0x64: {  	[tilespmem:$0x56E0] =	vst v0  }
0x65: {  	[tilespmem:$0x56F0] =	vst v0  }
0x66: {  	[tilespmem:$0x5700] =	vst v0  }
0x67: {  	[tilespmem:$0x5710] =	vst v0  }
0x68: {  	[tilespmem:$0x5720] =	vst v0  }
0x69: {  	[tilespmem:$0x5730] =	vst v0  }
0x6a: {  	[tilespmem:$0x5740] =	vst v0  }
0x6b: {  	[tilespmem:$0x5750] =	vst v0  }
0x6c: {  	[tilespmem:$0x5760] =	vst v0  }
0x6d: {  	[tilespmem:$0x5770] =	vst v0  }
0x6e: {  	[tilespmem:$0x5780] =	vst v0  }
0x6f: {  	[tilespmem:$0x5790] =	vst v0  }
0x70: {  	[tilespmem:$0x57A0] =	vst v0  }
0x71: {  	[tilespmem:$0x57B0] =	vst v0  }
0x72: {  	[tilespmem:$0x57C0] =	vst v0  }
0x73: {  	[tilespmem:$0x57D0] =	vst v0  }
0x74: {  	[tilespmem:$0x57E0] =	vst v0  }
0x75: {  	[tilespmem:$0x57F0] =	vst v0  }
0x76: {  	[tilespmem:$0x5800] =	vst v0  }
0x77: {  	[tilespmem:$0x5810] =	vst v0  }
0x78: {  	[tilespmem:$0x5820] =	vst v0  }
0x79: {  	[tilespmem:$0x5830] =	vst v0  }
0x7a: {  	[tilespmem:$0x5840] =	vst v0  }
0x7b: {  	[tilespmem:$0x5850] =	vst v0  }
0x7c: {  	[tilespmem:$0x5860] =	vst v0  }
0x7d: {  	s18 =	simm.s32 $0x5600;
	s3 =	rddreg [dreg:$0x10];
	[tilespmem:$0x5870] =	vst v0  }
0x7e: {  	[spmem:s3] =	stream.linear.scatter [tilespmem:s18], [sflag:$0xF], $0x280, $0x38;
	[tilespmem:$0x19B00] =	vst v63  }
0x7f: {  	_ =	swait.ge [sflag:s15], $0x280  }
0x80: {  	[sflag:s15] =	ssyncset.done $0x0  }
0x81: {  	[sflag:s15] =	ssyncadd.s32 $0xFFFFFD80  }
0x82: {  	[bflag:$0x0] =	sbarrier.arrive $0xFFFF  }
0x83: {  	s16 =	simm.s32 $0x0;
	s23 =	rddreg [dreg:$0x11]  }
0x84: {  	[tilespmem:s16], [sflag:$0x5] =	stream.linear.gather [hbm4b:s23+s16], $0x100, $0x38;
	[tilespmem:$0x19B00] =	vst v63  }
0x85: {  	s24 =	rddreg [dreg:$0x12]  }
0x86: {  	[tilespmem:s9], [sflag:$0x6] =	stream.linear.gather [hbm4b:s24+s16], $0x100, $0x38;
	[tilespmem:$0x19B00] =	vst v63  }
0x87: {  	s3 =	rddreg [dreg:$0x13]  }
0x88: {  	[tilespmem:s0], [sflag:$0x7] =	stream.linear.gather [hbm4b:s3+s16], $0x100, $0x38;
	[tilespmem:$0x19B00] =	vst v63  }
0x89: {  	_ =	swait.ge [sflag:s11], $0x100  }
0x8a: {  	[sflag:s11] =	ssyncset.done $0x0  }
0x8b: {  	[sflag:s11] =	ssyncadd.s32 $0xFFFFFF00  }
0x8c: {  	[tilespmem:s26], [sflag:$0x1] =	stream.indirect.gather [hbm4b:s5+s29], $0x80, s16, s29, $0xb8;
	[tilespmem:$0x19B00] =	vst v63  }
0x8d: {  	s17 =	simm.s32 $0x5400;
	s18 =	simm.s32 $0x80  }
0x8e: {  	[tilespmem:s17], [sflag:$0x9] =	stream.indirect.gather [hbm4b:s7+s29], $0x1, s18, s29, $0xb8;
	[tilespmem:$0x19B00] =	vst v63  }
0x8f: {  	_ =	swait.ge [sflag:s10], $0x2800  }
0x90: {  	[sflag:s10] =	ssyncset.done $0x0  }
0x91: {  	[sflag:s10] =	ssyncadd.s32 $0xFFFFD800  }
0x92: {  	[spmem:s2] =	stream.indirect.scatter.add.f32 [tilespmem:s26], [sflag:$0x3], $0x80, s18, s29, $0xb8;
	[tilespmem:$0x19B00] =	vst v63  }
0x93: {  	_ =	swait.ge [sflag:s12], $0x50  }
0x94: {  	[sflag:s12] =	ssyncset.done $0x0  }
0x95: {  	[sflag:s12] =	ssyncadd.s32 $0xFFFFFFB0  }
0x96: {  	[spmem:s1] =	stream.indirect.scatter.add.f32 [tilespmem:s17], [sflag:$0xD], $0x1, s16, s29, $0xb8;
	[tilespmem:$0x19B00] =	vst v63  }
0x97: {  	s12 =	rddreg [dreg:$0x14]  }
0x98: {  	[tilespmem:s13], [sflag:$0x8] =	stream.linear.gather [hbm4b:s12+s16], $0x100, $0x38;
	[tilespmem:$0x19B00] =	vst v63  }
0x99: {  	_ =	swait.ge [sflag:s20], $0x100  }
0x9a: {  	[sflag:s20] =	ssyncset.done $0x0  }
0x9b: {  	[sflag:s20] =	ssyncadd.s32 $0xFFFFFF00  }
0x9c: {  	[tilespmem:s14], [sflag:$0x2] =	stream.indirect.gather [hbm4b:s5+s29], $0x80, s9, s29, $0xb8;
	[tilespmem:$0x19B00] =	vst v63  }
0x9d: {  	s15 =	simm.s32 $0x5480;
	s24 =	simm.s32 $0x180  }
0x9e: {  	[tilespmem:s15], [sflag:$0xA] =	stream.indirect.gather [hbm4b:s7+s29], $0x1, s24, s29, $0xb8;
	[tilespmem:$0x19B00] =	vst v63  }
0x9f: {  	_ =	swait.ge [sflag:s19], $0x2800  }
0xa0: {  	[sflag:s19] =	ssyncset.done $0x0  }
0xa1: {  	s23 =	simm.s32 $0xA;
	[sflag:s19] =	ssyncadd.s32 $0xFFFFD800  }
0xa2: {  	[spmem:s2] =	stream.indirect.scatter.add.f32 [tilespmem:s14], [sflag:$0x4], $0x80, s24, s29, $0xb8;
	[tilespmem:$0x19B00] =	vst v63  }
0xa3: {  	_ =	swait.ge [sflag:s23], $0x50  }
0xa4: {  	[sflag:s23] =	ssyncset.done $0x0  }
0xa5: {  	[sflag:s23] =	ssyncadd.s32 $0xFFFFFFB0  }
0xa6: {  	[spmem:s1] =	stream.indirect.scatter.add.f32 [tilespmem:s15], [sflag:$0xE], $0x1, s31, s29, $0xb8;
	[tilespmem:$0x19B00] =	vst v63  }
0xa7: {  	_ =	swait.ge [sflag:s21], $0x2800  }
0xa8: {  	[sflag:s21] =	ssyncset.done $0x0  }
0xa9: {  	[sflag:s21] =	ssyncadd.s32 $0xFFFFD800  }
0xaa: {  	_ =	swait.ge [sflag:s22], $0x50  }
0xab: {  	s6 =	rddreg [dreg:$0x19]  }
0xac: {  	[sflag:s22] =	ssyncset.done $0x0;
	s16 =	sshrl.u32 s6, $0x3  }
0xad: {  	[sflag:s22] =	ssyncadd.s32 $0xFFFFFFB0;
	s15 =	sadd.s32 s28, s16;
	s16 =	simm.s32 $0x7  }
0xae: {  	[tilespmem:s4], [sflag:$0x5] =	stream.linear.gather [hbm4b:s15+s4], $0x100, $0x38;
	[tilespmem:$0x19B00] =	vst v63  }
0xaf: {  	_ =	swait.ge [sflag:s16], $0x100  }
0xb0: {  	[sflag:s16] =	ssyncset.done $0x0  }
0xb1: {  	s0 =	simm.s32 $0x200;
	[sflag:s16] =	ssyncadd.s32 $0xFFFFFF00  }
0xb2: {  	[tilespmem:s26], [sflag:$0x1] =	stream.indirect.gather [hbm4b:s5+s29], $0x80, s0, s29, $0xb8;
	[tilespmem:$0x19B00] =	vst v63  }
0xb3: {  	s3 =	smov.u32 s1;
	s1 =	simm.s32 $0x280;
	s15 =	simm.s32 $0x5500  }
0xb4: {  	[tilespmem:s15], [sflag:$0xB] =	stream.indirect.gather [hbm4b:s7+s29], $0x1, s1, s29, $0xb8;
	[tilespmem:$0x19B00] =	vst v63  }
0xb5: {  	_ =	swait.ge [sflag:s10], $0x2800  }
0xb6: {  	[sflag:s10] =	ssyncset.done $0x0  }
0xb7: {  	s28 =	simm.s32 $0xB;
	[sflag:s10] =	ssyncadd.s32 $0xFFFFD800  }
0xb8: {  	[spmem:s2] =	stream.indirect.scatter.add.f32 [tilespmem:s26], [sflag:$0x3], $0x80, s1, s29, $0xb8;
	[tilespmem:$0x19B00] =	vst v63  }
0xb9: {  	_ =	swait.ge [sflag:s28], $0x50  }
0xba: {  	[sflag:s28] =	ssyncset.done $0x0  }
0xbb: {  	[sflag:s28] =	ssyncadd.s32 $0xFFFFFFB0  }
0xbc: {  	[spmem:s3] =	stream.indirect.scatter.add.f32 [tilespmem:s15], [sflag:$0xD], $0x1, s0, s29, $0xb8;
	[tilespmem:$0x19B00] =	vst v63  }
0xbd: {  	_ =	swait.ge [sflag:s25], $0x2800  }
0xbe: {  	[sflag:s25] =	ssyncset.done $0x0  }
0xbf: {  	[sflag:s25] =	ssyncadd.s32 $0xFFFFD800  }
0xc0: {  	_ =	swait.ge [sflag:s8], $0x50  }
0xc1: {  	s9 =	rddreg [dreg:$0x6];
	[sflag:s8] =	ssyncset.done $0x0  }
0xc2: {  	s1 =	simm.s32 $0x8;
	[sflag:s8] =	ssyncadd.s32 $0xFFFFFFB0;
	s15 =	sadd.s32 $0x0, s9  }
0xc3: {  	[tilespmem:s31], [sflag:$0x6] =	stream.linear.gather [hbm4b:s15+s4], $0x100, $0x38;
	[tilespmem:$0x19B00] =	vst v63  }
0xc4: {  	_ =	swait.ge [sflag:s1], $0x100  }
0xc5: {  	[sflag:s1] =	ssyncset.done $0x0  }
0xc6: {  	s13 =	simm.s32 $0x300;
	[sflag:s1] =	ssyncadd.s32 $0xFFFFFF00  }
0xc7: {  	[tilespmem:s14], [sflag:$0x2] =	stream.indirect.gather [hbm4b:s5+s29], $0x80, s13, s29, $0xb8;
	[tilespmem:$0x19B00] =	vst v63  }
0xc8: {  	s15 =	simm.s32 $0x5580  }
0xc9: {  	[tilespmem:s15], [sflag:$0xC] =	stream.indirect.gather [hbm4b:s7+s29], $0x1, s30, s29, $0xb8;
	[tilespmem:$0x19B00] =	vst v63  }
0xca: {  	_ =	swait.ge [sflag:s19], $0x2800  }
0xcb: {  	[sflag:s19] =	ssyncset.done $0x0  }
0xcc: {  	s9 =	simm.s32 $0xC;
	[sflag:s19] =	ssyncadd.s32 $0xFFFFD800  }
0xcd: {  	[spmem:s2] =	stream.indirect.scatter.add.f32 [tilespmem:s14], [sflag:$0x4], $0x80, s30, s29, $0xb8;
	[tilespmem:$0x19B00] =	vst v63  }
0xce: {  	_ =	swait.ge [sflag:s9], $0x50  }
0xcf: {  	[sflag:s9] =	ssyncset.done $0x0  }
0xd0: {  	[sflag:s9] =	ssyncadd.s32 $0xFFFFFFB0  }
0xd1: {  	[spmem:s3] =	stream.indirect.scatter.add.f32 [tilespmem:s15], [sflag:$0xE], $0x1, s13, s29, $0xb8;
	[tilespmem:$0x19B00] =	vst v63  }
0xd2: {  	_ =	swait.ge [sflag:s21], $0x2800  }
0xd3: {  	[sflag:s21] =	ssyncset.done $0x0  }
0xd4: {  	[sflag:s21] =	ssyncadd.s32 $0xFFFFD800  }
0xd5: {  	_ =	swait.ge [sflag:s22], $0x50  }
0xd6: {  	s15 =	rddreg [dreg:$0x5];
	[sflag:s22] =	ssyncset.done $0x0  }
0xd7: {  	s11 =	simm.s32 $0x5;
	[sflag:s22] =	ssyncadd.s32 $0xFFFFFFB0;
	s15 =	sadd.s32 $0x0, s15  }
0xd8: {  	[tilespmem:s0], [sflag:$0x7] =	stream.linear.gather [hbm4b:s15+s4], $0x100, $0x38;
	[tilespmem:$0x19B00] =	vst v63  }
0xd9: {  	_ =	swait.ge [sflag:s11], $0x100  }
0xda: {  	[sflag:s11] =	ssyncset.done $0x0  }
0xdb: {  	[sflag:s11] =	ssyncadd.s32 $0xFFFFFF00  }
0xdc: {  	[tilespmem:s26], [sflag:$0x1] =	stream.indirect.gather [hbm4b:s5+s29], $0x80, s4, s29, $0xb8;
	[tilespmem:$0x19B00] =	vst v63  }
0xdd: {  	_ = 	snop  }
0xde: {  	[tilespmem:s17], [sflag:$0x9] =	stream.indirect.gather [hbm4b:s7+s29], $0x1, s18, s29, $0xb8;
	[tilespmem:$0x19B00] =	vst v63  }
0xdf: {  	_ =	swait.ge [sflag:s10], $0x2800  }
0xe0: {  	[sflag:s10] =	ssyncset.done $0x0  }
0xe1: {  	s12 =	simm.s32 $0x9;
	[sflag:s10] =	ssyncadd.s32 $0xFFFFD800  }
0xe2: {  	[spmem:s2] =	stream.indirect.scatter.add.f32 [tilespmem:s26], [sflag:$0x3], $0x80, s18, s29, $0xb8;
	[tilespmem:$0x19B00] =	vst v63  }
0xe3: {  	_ =	swait.ge [sflag:s12], $0x50  }
0xe4: {  	[sflag:s12] =	ssyncset.done $0x0  }
0xe5: {  	[sflag:s12] =	ssyncadd.s32 $0xFFFFFFB0  }
0xe6: {  	[spmem:s3] =	stream.indirect.scatter.add.f32 [tilespmem:s17], [sflag:$0xD], $0x1, s4, s29, $0xb8;
	[tilespmem:$0x19B00] =	vst v63  }
0xe7: {  	_ =	swait.ge [sflag:s25], $0x2800  }
0xe8: {  	[sflag:s25] =	ssyncset.done $0x0  }
0xe9: {  	[sflag:s25] =	ssyncadd.s32 $0xFFFFD800  }
0xea: {  	_ =	swait.ge [sflag:s8], $0x50  }
0xeb: {  	s18 =	rddreg [dreg:$0x4];
	[sflag:s8] =	ssyncset.done $0x0  }
0xec: {  	s20 =	simm.s32 $0x6;
	[sflag:s8] =	ssyncadd.s32 $0xFFFFFFB0;
	s15 =	sadd.s32 $0x0, s18  }
0xed: {  	[tilespmem:s13], [sflag:$0x8] =	stream.linear.gather [hbm4b:s15+s4], $0x100, $0x38;
	[tilespmem:$0x19B00] =	vst v63  }
0xee: {  	_ =	swait.ge [sflag:s20], $0x100  }
0xef: {  	[sflag:s20] =	ssyncset.done $0x0  }
0xf0: {  	s18 =	sadd.s32 $0x400, s6;
	s15 =	simm.s32 $0x80;
	[sflag:s20] =	ssyncadd.s32 $0xFFFFFF00  }
0xf1: {  	[tilespmem:s14], [sflag:$0x2] =	stream.indirect.gather [hbm4b:s5+s29], $0x80, s31, s29, $0xb8;
	[tilespmem:$0x19B00] =	vst v63  }
.LBB2_4:
0xf2: {  	s6 =	simm.s32 $0x5480  }
0xf3: {  	[tilespmem:s6], [sflag:$0xA] =	stream.indirect.gather [hbm4b:s7+s29], $0x1, s24, s29, $0xb8;
	[tilespmem:$0x19B00] =	vst v63  }
0xf4: {  	_ =	swait.ge [sflag:s19], $0x2800  }
0xf5: {  	[sflag:s19] =	ssyncset.done $0x0  }
0xf6: {  	s17 =	simm.s32 $0x180;
	[sflag:s19] =	ssyncadd.s32 $0xFFFFD800  }
0xf7: {  	[spmem:s2] =	stream.indirect.scatter.add.f32 [tilespmem:s14], [sflag:$0x4], $0x80, s17, s29, $0xb8;
	[tilespmem:$0x19B00] =	vst v63  }
0xf8: {  	_ =	swait.ge [sflag:s23], $0x50  }
0xf9: {  	[sflag:s23] =	ssyncset.done $0x0  }
0xfa: {  	[sflag:s23] =	ssyncadd.s32 $0xFFFFFFB0  }
0xfb: {  	[spmem:s3] =	stream.indirect.scatter.add.f32 [tilespmem:s6], [sflag:$0xE], $0x1, s31, s29, $0xb8;
	[tilespmem:$0x19B00] =	vst v63  }
0xfc: {  	_ =	swait.ge [sflag:s21], $0x2800  }
0xfd: {  	[sflag:s21] =	ssyncset.done $0x0  }
0xfe: {  	[sflag:s21] =	ssyncadd.s32 $0xFFFFD800  }
0xff: {  	_ =	swait.ge [sflag:s22], $0x50  }
0x100: {  	s17 =	sshrl.u32 s18, $0x3;
	[sflag:s22] =	ssyncset.done $0x0;
	s6 =	rddreg [dreg:$0x7]  }
0x101: {  	[sflag:s22] =	ssyncadd.s32 $0xFFFFFFB0;
	s17 =	sadd.s32 s6, s17  }
0x102: {  	[tilespmem:s4], [sflag:$0x5] =	stream.linear.gather [hbm4b:s17+s4], $0x100, $0x38;
	[tilespmem:$0x19B00] =	vst v63  }
0x103: {  	_ =	swait.ge [sflag:s16], $0x100  }
0x104: {  	[sflag:s16] =	ssyncset.done $0x0  }
0x105: {  	[sflag:s16] =	ssyncadd.s32 $0xFFFFFF00  }
0x106: {  	[tilespmem:s26], [sflag:$0x1] =	stream.indirect.gather [hbm4b:s5+s29], $0x80, s0, s29, $0xb8;
	[tilespmem:$0x19B00] =	vst v63  }
0x107: {  	s6 =	simm.s32 $0x5500;
	s17 =	simm.s32 $0x280  }
0x108: {  	[tilespmem:s6], [sflag:$0xB] =	stream.indirect.gather [hbm4b:s7+s29], $0x1, s17, s29, $0xb8;
	[tilespmem:$0x19B00] =	vst v63  }
0x109: {  	_ =	swait.ge [sflag:s10], $0x2800  }
0x10a: {  	[sflag:s10] =	ssyncset.done $0x0  }
0x10b: {  	[sflag:s10] =	ssyncadd.s32 $0xFFFFD800  }
0x10c: {  	[spmem:s2] =	stream.indirect.scatter.add.f32 [tilespmem:s26], [sflag:$0x3], $0x80, s17, s29, $0xb8;
	[tilespmem:$0x19B00] =	vst v63  }
0x10d: {  	_ =	swait.ge [sflag:s28], $0x50  }
0x10e: {  	[sflag:s28] =	ssyncset.done $0x0  }
0x10f: {  	[sflag:s28] =	ssyncadd.s32 $0xFFFFFFB0  }
0x110: {  	[spmem:s3] =	stream.indirect.scatter.add.f32 [tilespmem:s6], [sflag:$0xD], $0x1, s0, s29, $0xb8;
	[tilespmem:$0x19B00] =	vst v63  }
0x111: {  	_ =	swait.ge [sflag:s25], $0x2800  }
0x112: {  	[sflag:s25] =	ssyncset.done $0x0  }
0x113: {  	[sflag:s25] =	ssyncadd.s32 $0xFFFFD800  }
0x114: {  	_ =	swait.ge [sflag:s8], $0x50  }
0x115: {  	s24 =	smov.u32 s15;
	s6 =	rddreg [dreg:$0x6];
	[sflag:s8] =	ssyncset.done $0x0  }
0x116: {  	[sflag:s8] =	ssyncadd.s32 $0xFFFFFFB0;
	s17 =	sadd.s32 s24, s6  }
0x117: {  	[tilespmem:s31], [sflag:$0x6] =	stream.linear.gather [hbm4b:s17+s4], $0x100, $0x38;
	[tilespmem:$0x19B00] =	vst v63  }
0x118: {  	_ =	swait.ge [sflag:s1], $0x100  }
0x119: {  	[sflag:s1] =	ssyncset.done $0x0  }
0x11a: {  	[sflag:s1] =	ssyncadd.s32 $0xFFFFFF00  }
0x11b: {  	[tilespmem:s14], [sflag:$0x2] =	stream.indirect.gather [hbm4b:s5+s29], $0x80, s13, s29, $0xb8;
	[tilespmem:$0x19B00] =	vst v63  }
0x11c: {  	s17 =	simm.s32 $0x5580  }
0x11d: {  	[tilespmem:s17], [sflag:$0xC] =	stream.indirect.gather [hbm4b:s7+s29], $0x1, s30, s29, $0xb8;
	[tilespmem:$0x19B00] =	vst v63  }
0x11e: {  	_ =	swait.ge [sflag:s19], $0x2800  }
0x11f: {  	[sflag:s19] =	ssyncset.done $0x0  }
0x120: {  	[sflag:s19] =	ssyncadd.s32 $0xFFFFD800  }
0x121: {  	[spmem:s2] =	stream.indirect.scatter.add.f32 [tilespmem:s14], [sflag:$0x4], $0x80, s30, s29, $0xb8;
	[tilespmem:$0x19B00] =	vst v63  }
0x122: {  	_ =	swait.ge [sflag:s9], $0x50  }
0x123: {  	[sflag:s9] =	ssyncset.done $0x0  }
0x124: {  	[sflag:s9] =	ssyncadd.s32 $0xFFFFFFB0  }
0x125: {  	[spmem:s3] =	stream.indirect.scatter.add.f32 [tilespmem:s17], [sflag:$0xE], $0x1, s13, s29, $0xb8;
	[tilespmem:$0x19B00] =	vst v63  }
0x126: {  	_ =	swait.ge [sflag:s21], $0x2800  }
0x127: {  	[sflag:s21] =	ssyncset.done $0x0  }
0x128: {  	[sflag:s21] =	ssyncadd.s32 $0xFFFFD800  }
0x129: {  	_ =	swait.ge [sflag:s22], $0x50  }
0x12a: {  	s6 =	rddreg [dreg:$0x5];
	[sflag:s22] =	ssyncset.done $0x0  }
0x12b: {  	[sflag:s22] =	ssyncadd.s32 $0xFFFFFFB0;
	s17 =	sadd.s32 s24, s6  }
0x12c: {  	[tilespmem:s0], [sflag:$0x7] =	stream.linear.gather [hbm4b:s17+s4], $0x100, $0x38;
	[tilespmem:$0x19B00] =	vst v63  }
0x12d: {  	_ =	swait.ge [sflag:s11], $0x100  }
0x12e: {  	[sflag:s11] =	ssyncset.done $0x0  }
0x12f: {  	[sflag:s11] =	ssyncadd.s32 $0xFFFFFF00  }
0x130: {  	[tilespmem:s26], [sflag:$0x1] =	stream.indirect.gather [hbm4b:s5+s29], $0x80, s4, s29, $0xb8;
	[tilespmem:$0x19B00] =	vst v63  }
0x131: {  	s6 =	simm.s32 $0x80;
	s17 =	simm.s32 $0x5400  }
0x132: {  	[tilespmem:s17], [sflag:$0x9] =	stream.indirect.gather [hbm4b:s7+s29], $0x1, s6, s29, $0xb8;
	[tilespmem:$0x19B00] =	vst v63  }
0x133: {  	_ =	swait.ge [sflag:s10], $0x2800  }
0x134: {  	[sflag:s10] =	ssyncset.done $0x0  }
0x135: {  	[sflag:s10] =	ssyncadd.s32 $0xFFFFD800  }
0x136: {  	[spmem:s2] =	stream.indirect.scatter.add.f32 [tilespmem:s26], [sflag:$0x3], $0x80, s6, s29, $0xb8;
	[tilespmem:$0x19B00] =	vst v63  }
0x137: {  	_ =	swait.ge [sflag:s12], $0x50  }
0x138: {  	[sflag:s12] =	ssyncset.done $0x0  }
0x139: {  	[sflag:s12] =	ssyncadd.s32 $0xFFFFFFB0  }
0x13a: {  	[spmem:s3] =	stream.indirect.scatter.add.f32 [tilespmem:s17], [sflag:$0xD], $0x1, s4, s29, $0xb8;
	[tilespmem:$0x19B00] =	vst v63  }
0x13b: {  	_ =	swait.ge [sflag:s25], $0x2800  }
0x13c: {  	[sflag:s25] =	ssyncset.done $0x0  }
0x13d: {  	[sflag:s25] =	ssyncadd.s32 $0xFFFFD800  }
0x13e: {  	_ =	swait.ge [sflag:s8], $0x50  }
0x13f: {  	s6 =	rddreg [dreg:$0x4];
	[sflag:s8] =	ssyncset.done $0x0  }
0x140: {  	p0 =	sne.s32 s15, $0xE80;
	[sflag:s8] =	ssyncadd.s32 $0xFFFFFFB0;
	s17 =	sadd.s32 s24, s6  }
0x141: {  	[tilespmem:s13], [sflag:$0x8] =	stream.linear.gather [hbm4b:s17+s4], $0x100, $0x38;
	[tilespmem:$0x19B00] =	vst v63  }
.Ltmp1:
0x142: {  	_ = 	snop;
	(pc) =	sbr.rel @p0 .LBB2_4-.Ltmp1, $4  }
0x143: {  	_ =	swait.ge [sflag:s20], $0x100  }
0x144: {  	s15 =	sadd.s32 $0x80, s15;
	[sflag:s20] =	ssyncset.done $0x0  }
0x145: {  	s18 =	sadd.s32 $0x400, s18;
	s24 =	simm.s32 $0x180;
	[sflag:s20] =	ssyncadd.s32 $0xFFFFFF00  }
0x146: {  	[tilespmem:s14], [sflag:$0x2] =	stream.indirect.gather [hbm4b:s5+s29], $0x80, s31, s29, $0xb8;
	[tilespmem:$0x19B00] =	vst v63  }
0x147: {  	s6 =	simm.s32 $0x5480  }
0x148: {  	[tilespmem:s6], [sflag:$0xA] =	stream.indirect.gather [hbm4b:s7+s29], $0x1, s24, s29, $0xb8;
	[tilespmem:$0x19B00] =	vst v63  }
0x149: {  	_ =	swait.ge [sflag:s19], $0x2800  }
0x14a: {  	[sflag:s19] =	ssyncset.done $0x0  }
0x14b: {  	[sflag:s19] =	ssyncadd.s32 $0xFFFFD800  }
0x14c: {  	[spmem:s2] =	stream.indirect.scatter.add.f32 [tilespmem:s14], [sflag:$0x4], $0x80, s24, s29, $0xb8;
	[tilespmem:$0x19B00] =	vst v63  }
0x14d: {  	_ =	swait.ge [sflag:s23], $0x50  }
0x14e: {  	[sflag:s23] =	ssyncset.done $0x0  }
0x14f: {  	[sflag:s23] =	ssyncadd.s32 $0xFFFFFFB0  }
0x150: {  	[spmem:s3] =	stream.indirect.scatter.add.f32 [tilespmem:s6], [sflag:$0xE], $0x1, s31, s29, $0xb8;
	[tilespmem:$0x19B00] =	vst v63  }
0x151: {  	_ =	swait.ge [sflag:s21], $0x2800  }
0x152: {  	[sflag:s21] =	ssyncset.done $0x0  }
0x153: {  	[sflag:s21] =	ssyncadd.s32 $0xFFFFD800  }
0x154: {  	_ =	swait.ge [sflag:s22], $0x50  }
0x155: {  	[sflag:s22] =	ssyncset.done $0x0  }
0x156: {  	s15 =	rddreg [dreg:$0x15];
	[sflag:s22] =	ssyncadd.s32 $0xFFFFFFB0  }
0x157: {  	[tilespmem:s4], [sflag:$0x5] =	stream.linear.gather [hbm4b:s15+s4], $0x100, $0x38;
	[tilespmem:$0x19B00] =	vst v63  }
0x158: {  	_ =	swait.ge [sflag:s16], $0x100  }
0x159: {  	[sflag:s16] =	ssyncset.done $0x0  }
0x15a: {  	[sflag:s16] =	ssyncadd.s32 $0xFFFFFF00  }
0x15b: {  	[tilespmem:s26], [sflag:$0x1] =	stream.indirect.gather [hbm4b:s5+s29], $0x80, s0, s29, $0xb8;
	[tilespmem:$0x19B00] =	vst v63  }
0x15c: {  	s17 =	simm.s32 $0x5500;
	s18 =	simm.s32 $0x280  }
0x15d: {  	[tilespmem:s17], [sflag:$0xB] =	stream.indirect.gather [hbm4b:s7+s29], $0x1, s18, s29, $0xb8;
	[tilespmem:$0x19B00] =	vst v63  }
0x15e: {  	_ =	swait.ge [sflag:s10], $0x2800  }
0x15f: {  	[sflag:s10] =	ssyncset.done $0x0  }
0x160: {  	[sflag:s10] =	ssyncadd.s32 $0xFFFFD800  }
0x161: {  	[spmem:s2] =	stream.indirect.scatter.add.f32 [tilespmem:s26], [sflag:$0x3], $0x80, s18, s29, $0xb8;
	[tilespmem:$0x19B00] =	vst v63  }
0x162: {  	_ =	swait.ge [sflag:s28], $0x50  }
0x163: {  	[sflag:s28] =	ssyncset.done $0x0  }
0x164: {  	[sflag:s28] =	ssyncadd.s32 $0xFFFFFFB0  }
0x165: {  	[spmem:s3] =	stream.indirect.scatter.add.f32 [tilespmem:s17], [sflag:$0xD], $0x1, s0, s29, $0xb8;
	[tilespmem:$0x19B00] =	vst v63  }
0x166: {  	_ =	swait.ge [sflag:s25], $0x2800  }
0x167: {  	[sflag:s25] =	ssyncset.done $0x0  }
0x168: {  	[sflag:s25] =	ssyncadd.s32 $0xFFFFD800  }
0x169: {  	_ =	swait.ge [sflag:s8], $0x50  }
0x16a: {  	[sflag:s8] =	ssyncset.done $0x0  }
0x16b: {  	[sflag:s8] =	ssyncadd.s32 $0xFFFFFFB0  }
0x16c: {  	_ =	swait.ge [sflag:s1], $0x100  }
0x16d: {  	[sflag:s1] =	ssyncset.done $0x0  }
0x16e: {  	[sflag:s1] =	ssyncadd.s32 $0xFFFFFF00  }
0x16f: {  	[tilespmem:s14], [sflag:$0x2] =	stream.indirect.gather [hbm4b:s5+s29], $0x80, s13, s29, $0xb8;
	[tilespmem:$0x19B00] =	vst v63  }
0x170: {  	s20 =	simm.s32 $0x5580  }
0x171: {  	[tilespmem:s20], [sflag:$0xC] =	stream.indirect.gather [hbm4b:s7+s29], $0x1, s30, s29, $0xb8;
	[tilespmem:$0x19B00] =	vst v63  }
0x172: {  	_ =	swait.ge [sflag:s19], $0x2800  }
0x173: {  	[sflag:s19] =	ssyncset.done $0x0  }
0x174: {  	[sflag:s19] =	ssyncadd.s32 $0xFFFFD800  }
0x175: {  	[spmem:s2] =	stream.indirect.scatter.add.f32 [tilespmem:s14], [sflag:$0x4], $0x80, s30, s29, $0xb8;
	[tilespmem:$0x19B00] =	vst v63  }
0x176: {  	_ =	swait.ge [sflag:s9], $0x50  }
0x177: {  	[sflag:s9] =	ssyncset.done $0x0  }
0x178: {  	[sflag:s9] =	ssyncadd.s32 $0xFFFFFFB0  }
0x179: {  	[spmem:s3] =	stream.indirect.scatter.add.f32 [tilespmem:s20], [sflag:$0xE], $0x1, s13, s29, $0xb8;
	[tilespmem:$0x19B00] =	vst v63  }
0x17a: {  	_ =	swait.ge [sflag:s21], $0x2800  }
0x17b: {  	[sflag:s21] =	ssyncset.done $0x0  }
0x17c: {  	[sflag:s21] =	ssyncadd.s32 $0xFFFFD800  }
0x17d: {  	_ =	swait.ge [sflag:s22], $0x50  }
0x17e: {  	[sflag:s22] =	ssyncset.done $0x0  }
0x17f: {  	[sflag:s22] =	ssyncadd.s32 $0xFFFFFFB0  }
0x180: {  	_ =	swait.ge [sflag:s11], $0x100  }
0x181: {  	[sflag:s11] =	ssyncset.done $0x0  }
0x182: {  	[sflag:s11] =	ssyncadd.s32 $0xFFFFFF00  }
0x183: {  	[tilespmem:s26], [sflag:$0x1] =	stream.indirect.gather [hbm4b:s5+s29], $0x80, s4, s29, $0xb8;
	[tilespmem:$0x19B00] =	vst v63  }
0x184: {  	s24 =	simm.s32 $0x80;
	s23 =	simm.s32 $0x5400  }
0x185: {  	[tilespmem:s23], [sflag:$0x9] =	stream.indirect.gather [hbm4b:s7+s29], $0x1, s24, s29, $0xb8;
	[tilespmem:$0x19B00] =	vst v63  }
0x186: {  	_ =	swait.ge [sflag:s10], $0x2800  }
0x187: {  	[sflag:s10] =	ssyncset.done $0x0  }
0x188: {  	[sflag:s10] =	ssyncadd.s32 $0xFFFFD800  }
0x189: {  	[spmem:s2] =	stream.indirect.scatter.add.f32 [tilespmem:s26], [sflag:$0x3], $0x80, s24, s29, $0xb8;
	[tilespmem:$0x19B00] =	vst v63  }
0x18a: {  	_ =	swait.ge [sflag:s12], $0x50  }
0x18b: {  	[sflag:s12] =	ssyncset.done $0x0  }
0x18c: {  	[sflag:s12] =	ssyncadd.s32 $0xFFFFFFB0  }
0x18d: {  	[spmem:s3] =	stream.indirect.scatter.add.f32 [tilespmem:s23], [sflag:$0xD], $0x1, s4, s29, $0xb8;
	[tilespmem:$0x19B00] =	vst v63  }
0x18e: {  	_ =	swait.ge [sflag:s25], $0x2800  }
0x18f: {  	[sflag:s25] =	ssyncset.done $0x0  }
0x190: {  	[sflag:s25] =	ssyncadd.s32 $0xFFFFD800  }
0x191: {  	_ =	swait.ge [sflag:s8], $0x50  }
0x192: {  	[sflag:s8] =	ssyncset.done $0x0  }
0x193: {  	[sflag:s8] =	ssyncadd.s32 $0xFFFFFFB0  }
0x194: {  	_ =	swait.ge [sflag:s21], $0x2800  }
0x195: {  	[sflag:s21] =	ssyncset.done $0x0  }
0x196: {  	[sflag:s21] =	ssyncadd.s32 $0xFFFFD800  }
0x197: {  	_ =	swait.ge [sflag:s22], $0x50  }
0x198: {  	[sflag:s22] =	ssyncset.done $0x0  }
0x199: {  	s6 =	stileid.u32;
	[sflag:s22] =	ssyncadd.s32 $0xFFFFFFB0  }
0x19a: {  	s15 =	sshll.u32 s6, $0x6;
	[bflag:$0x0] =	sbarrier.arrive $0xFFFF  }
0x19b: {  	s15 =	sor.u32 $0x1C0F, s15;
	s23 =	rddreg [dreg:$0x8]  }
0x19c: {  	s9 =	simm.s32 $0xF;
	s18 =	rddreg [dreg:$0x16];
	s17 =	sshrl.u32 s23, $0x3  }
0x19d: {  	[hbm:s18], [sflag:s15] =	dma.local [spmem:s17], $0x2800  }
0x19e: {  	s16 =	simm.s32 $0x10;
	_ =	swait.ge [sflag:s9], $0x2800  }
0x19f: {  	s13 =	simm.s32 $0x20;
	[sflag:s9] =	ssyncset.done $0x0;
	s11 =	rddreg [dreg:$0x10]  }
0x1a0: {  	s12 =	rddreg [dreg:$0x17];
	[sflag:s9] =	ssyncadd.s32 $0xFFFFD800;
	s17 =	sshrl.u32 s11, $0x3  }
0x1a1: {  	[hbm:s12@s13], [sflag:s15] =	dma.strided [spmem:s17@s16], $0x50, s10, $0x10   }
0x1a2: {  	_ =	swait.ge [sflag:s9], $0x50  }
0x1a3: {  	s18 =	rddreg [dreg:$0x1a]  }
0x1a4: {  	s20 =	rddreg [dreg:$0x18];
	s16 =	sadd.s32 $0x1, s18  }
0x1a5: {  	p0 =	sne.s32 s16, s20  }
.Ltmp2:
0x1a6: {  	_ = 	snop;
	(pc) =	sbr.rel @p0 .LBB2_1-.Ltmp2, $4  }
0x1a7: {  	s0 =	simm.s32 $0x200  }
0x1a8: {  	s1 =	smov.u32 s3;
	s11 =	simm.s32 $0x5;
	s12 =	simm.s32 $0x9  }
0x1a9: {  	s13 =	simm.s32 $0x300;
	[sflag:s9] =	ssyncset.done $0x0;
	s28 =	rddreg [dreg:$0x7]  }
0x1aa: {  	[sflag:s9] =	ssyncadd.s32 $0xFFFFFFB0;
	s9 =	simm.s32 $0x100;
	s20 =	simm.s32 $0x6  }
0x1ab: {  	_ =	sfence.sel $0x180000  }
0x1ac: {  	[bflag:$0x0] =	sbarrier.arrive $0xFFFF  }
0x1ad: {  	_ =	strace $0x9000004A  }
0x1ae: {  	s0 =	stileid.u32;
	[bflag:$0x2] =	sbarrier.arrive $0xFFFF  }
0x1af: {  	p0 =	sne.s32 s0, $0x0;
	s0 =	rddreg [dreg:$0x3]  }
0x1b0: {  	s0 =	sadd.s32 @!p0 $0x100000, s0  }
0x1b1: {  	[sflag:s0] =	ssyncadd.tile.s32 @!p0 $0x1;
	_ =	shalt  }
.Lfunc_end2:
_tile_overlayer_lowered:
.L_overlay_start_2:
0x1b2: {  	(tag) =	ssettag $0x2  }
0x1b3: {  	s0 =	rddreg [dreg:$0x0];
	s2 =	stileid.u32  }
0x1b4: {  	s1 =	rddreg [dreg:$0x1];
	p0 =	sne.s32 s2, $0x0  }
0x1b5: {  	s3 =	rddreg [dreg:$0x2];
	[bflag:$0x3] =	sbarrier.arrive $0xFFFF;
	s2 =	simm.s32 @!p0 $0x1C0F  }
0x1b6: {  	[timem:s3], [sflag:s2] =	dma.local @!p0 [hbm:s0], s1  }
0x1b7: {  	s0 =	simm.s32 @!p0 $0xF  }
0x1b8: {  	_ =	swait.ge @!p0 [sflag:s0], s1  }
0x1b9: {  	s1 =	ssub.s32 @!p0 $0x0, s1;
	[sflag:s0] =	ssyncset.done @!p0 $0x0  }
0x1ba: {  	[sflag:s0] =	ssyncadd.s32 @!p0 s1  }
0x1bb: {  	[bflag:$0x3] =	sbarrier.arrive $0xFFFF  }
0x1bc: {  	_ =	shalt  }

</sc_bundles>
